<compile_context>
chip_gen: v7x
topology: tpu7x:2x2x1
jax: 0.10.2.dev20260603
libtpu: 0.0.44.dev20260713+nightly
codegen_flags: <defaults>
</compile_context>

<pallas_src>
import jax
import jax.numpy as jnp
from jax import lax
from jax.experimental import pallas as pl
from jax.experimental.pallas import tpu as pltpu
from jax.experimental.pallas import tpu_sc as plsc

N = 10000
D = 128
NE = 320000
NCLS = 40
NC = 2
NS = 16
NW = NC * NS
N_EXT = 10240
EPT = NE // NW + 240
CH = 128
NCHUNK = EPT // CH
RPT = N_EXT // NS

_mesh = plsc.VectorSubcoreMesh(
    core_axis_name="c", subcore_axis_name="s", num_cores=NC, num_subcores=NS
)


def _row_indices():
    r = jnp.arange(N_EXT, dtype=jnp.int32).reshape(NS, RPT // CH, CH)
    return r


NB = 5
NBLK = NCHUNK // NB
NRO = RPT // CH


def _deg_body(dst_hbm, ridx_hbm, out_hbm, didx_all, ones_v, zbuf, ribuf, ssem,
              degacc):
    cid = lax.axis_index("c")
    sid = lax.axis_index("s")
    wid = cid * NS + sid

    pltpu.sync_copy(dst_hbm.at[wid], didx_all)
    pltpu.sync_copy(ridx_hbm.at[sid], ribuf)

    @pl.loop(0, CH)
    def _(r):
        ones_v[r, :] = jnp.ones((16,), jnp.float32)
        zbuf[r, :] = jnp.zeros((16,), jnp.float32)

    @pl.loop(0, NRO)
    def _(j):
        pltpu.sync_copy(zbuf, degacc.at[ribuf.at[j]])

    plsc.subcore_barrier()

    @pl.loop(0, NCHUNK)
    def _(c):
        pltpu.sync_copy(ones_v, degacc.at[didx_all.at[c]], add=True)

    plsc.subcore_barrier()

    @pl.loop(0, NRO)
    def _(j):
        pltpu.sync_copy(degacc.at[ribuf.at[j]], zbuf)
        pltpu.sync_copy(zbuf, out_hbm.at[cid, pl.ds(sid * RPT + j * CH, CH)])


def _deg_sc(dst, ridx):
    return pl.kernel(
        _deg_body,
        out_type=jax.ShapeDtypeStruct((NC, N_EXT, 16), jnp.float32),
        mesh=_mesh,
        scratch_types=[
            pltpu.VMEM((NCHUNK, CH), jnp.int32),
            pltpu.VMEM((CH, 16), jnp.float32),
            pltpu.VMEM((CH, 16), jnp.float32),
            pltpu.VMEM((NRO, CH), jnp.int32),
            pltpu.SemaphoreType.DMA,
            pltpu.VMEM_SHARED((N_EXT, 16), jnp.float32),
        ],
    )(dst, ridx)


def _hop_body(g_hbm, e_hbm, ridx_hbm, out_hbm,
              idxb0, idxb1, idxb2, idxb3, rows0, rows1, ribuf,
              gsem, isem, ssem, acc):
    cid = lax.axis_index("c")
    sid = lax.axis_index("s")
    wid = cid * NS + sid
    rows = (rows0, rows1)
    idxb = (idxb0, idxb1, idxb2, idxb3)

    pltpu.sync_copy(ridx_hbm.at[sid], ribuf)

    @pl.loop(0, CH)
    def _(r):
        @pl.loop(0, D, step=16)
        def _(c):
            rows0[r, pl.ds(c, 16)] = jnp.zeros((16,), jnp.float32)
            rows1[r, pl.ds(c, 16)] = jnp.zeros((16,), jnp.float32)

    @pl.loop(0, NRO)
    def _(j):
        pltpu.sync_copy(rows0, acc.at[ribuf.at[j]])

    plsc.subcore_barrier()

    pltpu.sync_copy(e_hbm.at[wid, 0], idxb[0])
    for k in range(1, 3):
        pltpu.async_copy(e_hbm.at[wid, k], idxb[k], isem.at[k])
    pltpu.async_copy(g_hbm.at[idxb[0].at[0]], rows0, gsem.at[0])
    pltpu.async_copy(rows1, acc.at[ribuf.at[0]], ssem.at[1], add=True)

    @pl.loop(0, NCHUNK // 4)
    def _(q):
        for k in range(4):
            c = 4 * q + k
            b = k % 2
            bn = 1 - b
            s1 = (k + 1) % 4
            s3 = (k + 3) % 4
            pltpu.make_async_copy(
                rows[bn], acc.at[idxb[s3].at[1]], ssem.at[bn]).wait()
            pltpu.async_copy(
                e_hbm.at[wid, lax.rem(c + 3, NCHUNK)], idxb[s3], isem.at[s3])
            pltpu.make_async_copy(
                e_hbm.at[wid, 0], idxb[s1], isem.at[s1]).wait()
            pltpu.async_copy(g_hbm.at[idxb[s1].at[0]], rows[bn], gsem.at[bn])
            pltpu.make_async_copy(
                g_hbm.at[idxb[k].at[0]], rows[b], gsem.at[b]).wait()
            pltpu.async_copy(rows[b], acc.at[idxb[k].at[1]], ssem.at[b],
                             add=True)

    pltpu.make_async_copy(e_hbm.at[wid, 0], idxb[1], isem.at[1]).wait()
    pltpu.make_async_copy(e_hbm.at[wid, 0], idxb[2], isem.at[2]).wait()
    pltpu.make_async_copy(g_hbm.at[idxb[0].at[0]], rows0, gsem.at[0]).wait()
    pltpu.make_async_copy(rows1, acc.at[idxb[3].at[1]], ssem.at[1]).wait()

    plsc.subcore_barrier()

    @pl.loop(0, NRO)
    def _(j):
        pltpu.sync_copy(acc.at[ribuf.at[j]], rows0)
        pltpu.sync_copy(rows0,
                        out_hbm.at[cid, pl.ds(sid * RPT + j * CH, CH)])


def _hop_sc(g, e, ridx):
    return pl.kernel(
        _hop_body,
        out_type=jax.ShapeDtypeStruct((NC, N_EXT, D), jnp.float32),
        mesh=_mesh,
        scratch_types=[
            pltpu.VMEM((2, CH), jnp.int32),
            pltpu.VMEM((2, CH), jnp.int32),
            pltpu.VMEM((2, CH), jnp.int32),
            pltpu.VMEM((2, CH), jnp.int32),
            pltpu.VMEM((CH, D), jnp.float32),
            pltpu.VMEM((CH, D), jnp.float32),
            pltpu.VMEM((NRO, CH), jnp.int32),
            pltpu.SemaphoreType.DMA((2,)),
            pltpu.SemaphoreType.DMA((4,)),
            pltpu.SemaphoreType.DMA((2,)),
            pltpu.VMEM_SHARED((N_EXT, D), jnp.float32),
        ],
    )(g, e, ridx)



_RB = 1024


def _lin1_kernel(x_ref, w_ref, b_ref, o_ref):
    o_ref[...] = (
        jnp.dot(
            x_ref[...],
            w_ref[...],
            preferred_element_type=jnp.float32,
            precision=lax.Precision.HIGHEST,
        )
        + b_ref[...]
    )


def _lin1(x, W1, b1):
    return pl.pallas_call(
        _lin1_kernel,
        grid=(10,),
        in_specs=[
            pl.BlockSpec((1000, D), lambda i: (i, 0)),
            pl.BlockSpec((D, D), lambda i: (0, 0)),
            pl.BlockSpec((1, D), lambda i: (0, 0)),
        ],
        out_specs=pl.BlockSpec((1000, D), lambda i: (i, 0)),
        out_shape=jax.ShapeDtypeStruct((N, D), jnp.float32),
    )(x, W1, b1.reshape(1, D))


def _dis_block(deg_ref, pid):
    deg = deg_ref[0, :, 0:1] + deg_ref[1, :, 0:1] + 1.0
    dis = lax.rsqrt(deg)
    rows = pid * _RB + lax.broadcasted_iota(jnp.int32, (_RB, 1), 0)
    return jnp.where(rows < N, dis, 0.0)


def _scale0_kernel(deg_ref, h_ref, g_ref, r_ref):
    dis = _dis_block(deg_ref, pl.program_id(0))
    h = h_ref[...]
    g_ref[...] = h * dis
    r_ref[...] = jnp.maximum(h, 0.0)


def _scale0(deg_part, hp):
    return pl.pallas_call(
        _scale0_kernel,
        grid=(N_EXT // _RB,),
        in_specs=[
            pl.BlockSpec((NC, _RB, 16), lambda i: (0, i, 0)),
            pl.BlockSpec((_RB, D), lambda i: (i, 0)),
        ],
        out_specs=[
            pl.BlockSpec((_RB, D), lambda i: (i, 0)),
            pl.BlockSpec((_RB, D), lambda i: (i, 0)),
        ],
        out_shape=[
            jax.ShapeDtypeStruct((N_EXT, D), jnp.float32),
            jax.ShapeDtypeStruct((N_EXT, D), jnp.float32),
        ],
    )(deg_part, hp)


def _mid_kernel(deg_ref, acc_ref, g_ref, go_ref, r_ref):
    dis = _dis_block(deg_ref, pl.program_id(0))
    h = (acc_ref[0] + acc_ref[1] + g_ref[...]) * dis
    go_ref[...] = h * dis
    r_ref[...] = jnp.maximum(h, 0.0)


def _mid(deg_part, acc, g):
    return pl.pallas_call(
        _mid_kernel,
        grid=(N_EXT // _RB,),
        in_specs=[
            pl.BlockSpec((NC, _RB, 16), lambda i: (0, i, 0)),
            pl.BlockSpec((NC, _RB, D), lambda i: (0, i, 0)),
            pl.BlockSpec((_RB, D), lambda i: (i, 0)),
        ],
        out_specs=[
            pl.BlockSpec((_RB, D), lambda i: (i, 0)),
            pl.BlockSpec((_RB, D), lambda i: (i, 0)),
        ],
        out_shape=[
            jax.ShapeDtypeStruct((N_EXT, D), jnp.float32),
            jax.ShapeDtypeStruct((N_EXT, D), jnp.float32),
        ],
    )(deg_part, acc, g)


def _out_kernel(r0_ref, r1_ref, r2_ref, wa_ref, wb_ref, wc_ref, b_ref, o_ref):
    z = (
        jnp.dot(r0_ref[...], wa_ref[...], preferred_element_type=jnp.float32,
                precision=lax.Precision.HIGHEST)
        + jnp.dot(r1_ref[...], wb_ref[...], preferred_element_type=jnp.float32,
                  precision=lax.Precision.HIGHEST)
        + jnp.dot(r2_ref[...], wc_ref[...], preferred_element_type=jnp.float32,
                  precision=lax.Precision.HIGHEST)
        + b_ref[...]
    )
    m = jnp.max(z, axis=1, keepdims=True)
    e = jnp.exp(z - m)
    s = jnp.sum(e, axis=1, keepdims=True)
    o_ref[...] = z - m - jnp.log(s)


def _out(r0, r1, r2, W2, b2):
    wspec = pl.BlockSpec((D, NCLS), lambda i: (0, 0))
    rspec = pl.BlockSpec((1000, D), lambda i: (i, 0))
    return pl.pallas_call(
        _out_kernel,
        grid=(10,),
        in_specs=[rspec, rspec, rspec, wspec, wspec, wspec,
                  pl.BlockSpec((1, NCLS), lambda i: (0, 0))],
        out_specs=pl.BlockSpec((1000, NCLS), lambda i: (i, 0)),
        out_shape=jax.ShapeDtypeStruct((N, NCLS), jnp.float32),
    )(r0, r1, r2, W2[0:D], W2[D:2 * D], W2[2 * D:3 * D], b2.reshape(1, NCLS))


def kernel(x, edge_index, W1, b1, W2, b2):
    src = edge_index[0].astype(jnp.int32).reshape(NW, NE // NW)
    dst = edge_index[1].astype(jnp.int32).reshape(NW, NE // NW)
    pad = EPT - NE // NW
    src = jnp.pad(src, ((0, 0), (0, pad)), constant_values=N).reshape(
        NW, NCHUNK, CH)
    dst = jnp.pad(dst, ((0, 0), (0, pad)), constant_values=N).reshape(
        NW, NCHUNK, CH)
    e = jnp.stack([src, dst], axis=2)

    ridx = _row_indices()
    deg_part = _deg_sc(dst, ridx)
    h0 = _lin1(x, W1, b1)
    hp0 = jnp.pad(h0, ((0, N_EXT - N), (0, 0)))
    g0, r0 = _scale0(deg_part, hp0)
    acc1 = _hop_sc(g0, e, ridx)
    g1, r1 = _mid(deg_part, acc1, g0)
    acc2 = _hop_sc(g1, e, ridx)
    _, r2 = _mid(deg_part, acc2, g1)
    return _out(r0, r1, r2, W2, b2)

# --- scband reference (transcript-rebuilt; emitter-appended) ---
"""Pipeline reference for scband-mixhop-91207925498526 (READ-ONLY COPY).

The authoritative reference and input builder live on the scoring server;
editing this copy changes nothing except your own understanding.
"""

import jax, jax.numpy as jnp
import numpy as np

N_NODES = 10000
N_EDGES = 320000
D_FEAT = 128
HIDDEN = 128
NUM_CLASSES = 40
K = 2


def setup_inputs(seed: int = 0) -> dict:
    key = jax.random.key(seed)
    k1, k2, k3, k4, k5, k6 = jax.random.split(key, 6)
    x = jax.random.normal(k1, (N_NODES, D_FEAT), dtype=jnp.float32)
    edge_index = jax.random.randint(k2, (2, N_EDGES), 0, N_NODES, dtype=jnp.int64)
    # Linear layers (torch nn.Linear stores weight [out, in]; here stored as [in, out] for x @ W)
    W1 = jax.random.normal(k3, (D_FEAT, HIDDEN), dtype=jnp.float32) * (1.0 / np.sqrt(D_FEAT))
    b1 = jax.random.normal(k4, (HIDDEN,), dtype=jnp.float32) * 0.01
    W2 = jax.random.normal(k5, (3 * HIDDEN, NUM_CLASSES), dtype=jnp.float32) * (1.0 / np.sqrt(3 * HIDDEN))
    b2 = jax.random.normal(k6, (NUM_CLASSES,), dtype=jnp.float32) * 0.01
    return {"x": x, "edge_index": edge_index, "W1": W1, "b1": b1, "W2": W2, "b2": b2}


def _gcn_norm(edge_index, num_nodes):
    # PyG gcn_norm with add_self_loops=True, edge_weight=None
    src = edge_index[0]
    dst = edge_index[1]
    loop = jnp.arange(num_nodes, dtype=src.dtype)
    src = jnp.concatenate([src, loop])
    dst = jnp.concatenate([dst, loop])
    w = jnp.ones(src.shape[0], dtype=jnp.float32)
    deg = jnp.zeros(num_nodes, dtype=jnp.float32).at[dst].add(w)
    deg_inv_sqrt = jnp.where(deg > 0, 1.0 / jnp.sqrt(deg), 0.0)
    norm = deg_inv_sqrt[src] * w * deg_inv_sqrt[dst]
    return src, dst, norm


def reference(x, edge_index, W1, b1, W2, b2):
    N = x.shape[0]
    # lin1
    h = x @ W1 + b1
    # dropout: identity in eval / deterministic reference
    # Mixprop
    src, dst, norm = _gcn_norm(edge_index, N)
    list_mat = [jax.nn.relu(h)]
    for _ in range(K):
        msg = norm[:, None] * h[src]
        h = jnp.zeros_like(h).at[dst].add(msg)
        list_mat.append(jax.nn.relu(h))
    final_mat = jnp.concatenate(list_mat, axis=1)
    # lin2
    out = final_mat @ W2 + b2
    return jax.nn.log_softmax(out, axis=1)

if __name__ == "__main__":
    import jax
    _d = setup_inputs()
    print(jax.jit(kernel)(*tuple(_d.values())))

</pallas_src>

<mosaic_0001>
#map = affine_map<(d0, d1) -> (0, 0)>
#map1 = affine_map<(d0, d1) -> (0, 0, 0, 0)>
#map2 = affine_map<(d0, d1) -> (0, 0, 0)>
module attributes {stable_mosaic.version = 14 : i64} {
  func.func @_hop_body(%arg0: i32, %arg1: i32, %arg2: memref<10240x128xf32, #tpu.memory_space<hbm>>, %arg3: memref<32x80x2x128xi32, #tpu.memory_space<hbm>>, %arg4: memref<16x5x128xi32, #tpu.memory_space<hbm>>, %arg5: memref<2x10240x128xf32, #tpu.memory_space<hbm>>, %arg6: memref<2x128xi32, #tpu.memory_space<vmem>>, %arg7: memref<2x128xi32, #tpu.memory_space<vmem>>, %arg8: memref<2x128xi32, #tpu.memory_space<vmem>>, %arg9: memref<2x128xi32, #tpu.memory_space<vmem>>, %arg10: memref<128x128xf32, #tpu.memory_space<vmem>>, %arg11: memref<128x128xf32, #tpu.memory_space<vmem>>, %arg12: memref<5x128xi32, #tpu.memory_space<vmem>>, %arg13: memref<2x!tpu.dma_semaphore, #tpu.memory_space<semaphore_mem>>, %arg14: memref<4x!tpu.dma_semaphore, #tpu.memory_space<semaphore_mem>>, %arg15: memref<2x!tpu.dma_semaphore, #tpu.memory_space<semaphore_mem>>, %arg16: memref<10240x128xf32, #tpu.memory_space<vmem_shared>>) attributes {dimension_semantics = [#tpu.dimension_semantics<core_parallel>, #tpu.dimension_semantics<subcore_parallel>], iteration_bounds = array<i64: 2, 16>, scalar_prefetch = 0 : i64, scratch_operands = 11 : i64, tpu.core_type = #tpu.core_type<sc_vector_subcore>, window_params = [{transform_indices = #map}, {transform_indices = #map1}, {transform_indices = #map2}, {transform_indices = #map2}]} {
    %mul3A = arith.constant 16 : i32
    %mul3A_0 = arith.muli %arg0, %mul3A : i32
    %add3A = arith.addi %mul3A_0, %arg1 : i32
    "tpu.region"() ({
      %run_scoped3A_107 = tpu.sem_alloc : memref<!tpu.dma_semaphore, #tpu.memory_space<semaphore_mem>>
      %dma_start3A_108 = arith.constant 0 : i32
      %dma_start3A_109 = arith.constant 0 : i32
      %dma_start3A_110 = tpu.memref_slice %arg4[%arg1, %dma_start3A_108, %dma_start3A_109] : memref<16x5x128xi32, #tpu.memory_space<hbm>> -> memref<1x5x128xi32, #tpu.memory_space<hbm>>
      %dma_start3A_111 = tpu.memref_squeeze %dma_start3A_110 : memref<1x5x128xi32, #tpu.memory_space<hbm>> -> memref<5x128xi32, #tpu.memory_space<hbm>>
      %dma_start3A_112 = arith.constant 0 : i32
      %dma_start3A_113 = arith.constant 0 : i32
      %dma_start3A_114 = tpu.memref_slice %arg4[%arg1, %dma_start3A_112, %dma_start3A_113] : memref<16x5x128xi32, #tpu.memory_space<hbm>> -> memref<1x5x128xi32, #tpu.memory_space<hbm>>
      %dma_start3A_115 = tpu.memref_squeeze %dma_start3A_114 : memref<1x5x128xi32, #tpu.memory_space<hbm>> -> memref<5x128xi32, #tpu.memory_space<hbm>>
      tpu.enqueue_dma source(%dma_start3A_115 : memref<5x128xi32, #tpu.memory_space<hbm>>) target(%arg12 : memref<5x128xi32, #tpu.memory_space<vmem>>) target_semaphore(%run_scoped3A_107 : memref<!tpu.dma_semaphore, #tpu.memory_space<semaphore_mem>>)
      %dma_wait3A_116 = arith.constant 0 : i32
      %dma_wait3A_117 = arith.constant 0 : i32
      %dma_wait3A_118 = tpu.memref_slice %arg4[%arg1, %dma_wait3A_116, %dma_wait3A_117] : memref<16x5x128xi32, #tpu.memory_space<hbm>> -> memref<1x5x128xi32, #tpu.memory_space<hbm>>
      %dma_wait3A_119 = tpu.memref_squeeze %dma_wait3A_118 : memref<1x5x128xi32, #tpu.memory_space<hbm>> -> memref<5x128xi32, #tpu.memory_space<hbm>>
      %dma_wait3A_120 = arith.constant 0 : i32
      %dma_wait3A_121 = arith.constant 0 : i32
      %dma_wait3A_122 = tpu.memref_slice %arg4[%arg1, %dma_wait3A_120, %dma_wait3A_121] : memref<16x5x128xi32, #tpu.memory_space<hbm>> -> memref<1x5x128xi32, #tpu.memory_space<hbm>>
      %dma_wait3A_123 = tpu.memref_squeeze %dma_wait3A_122 : memref<1x5x128xi32, #tpu.memory_space<hbm>> -> memref<5x128xi32, #tpu.memory_space<hbm>>
      tpu.wait_dma2 semaphore(%run_scoped3A_107 : memref<!tpu.dma_semaphore, #tpu.memory_space<semaphore_mem>>) src(%dma_wait3A_123 : memref<5x128xi32, #tpu.memory_space<hbm>>) dst(%arg12 : memref<5x128xi32, #tpu.memory_space<vmem>>)
      tpu.yield
    }) : () -> ()
    %scan3A = arith.constant 0 : i32
    %scan3A_1 = arith.constant 128 : i32
    %scan3A_2 = arith.addi %scan3A, %scan3A_1 : i32
    %scan3A_3 = arith.constant 1 : i32
    scf.for %scan3A_107 = %scan3A to %scan3A_2 step %scan3A_3  : i32 {
      %mul3A_108 = arith.constant 1 : i32
      %mul3A_109 = arith.muli %scan3A_107, %mul3A_108 : i32
      %add3A_110 = arith.constant 0 : i32
      %add3A_111 = arith.addi %add3A_110, %mul3A_109 : i32
      %scan3A_112 = arith.constant 0 : i32
      %scan3A_113 = arith.constant 8 : i32
      %scan3A_114 = arith.addi %scan3A_112, %scan3A_113 : i32
      %scan3A_115 = arith.constant 1 : i32
      scf.for %scan3A_117 = %scan3A_112 to %scan3A_114 step %scan3A_115  : i32 {
        %mul3A_118 = arith.constant 16 : i32
        %mul3A_119 = arith.muli %scan3A_117, %mul3A_118 : i32
        %add3A_120 = arith.constant 0 : i32
        %add3A_121 = arith.addi %add3A_120, %mul3A_119 : i32
        %broadcast_in_dim3A = arith.constant 0.000000e+00 : f32
        %broadcast_in_dim3A_122 = vector.broadcast %broadcast_in_dim3A : f32 to vector<16xf32>
        %swap3A = arith.index_cast %add3A_111 : i32 to index
        %swap3A_123 = arith.index_cast %add3A_121 : i32 to index
        %swap3A_124 = tpu.vector_load %arg10[%swap3A, %swap3A_123] {strides = array<i32>} : memref<128x128xf32, #tpu.memory_space<vmem>>, vector<1x16xf32>,
        %swap3A_125 = vector.shape_cast %swap3A_124 : vector<1x16xf32> to vector<16xf32>
        %swap3A_126 = vector.shape_cast %broadcast_in_dim3A_122 : vector<16xf32> to vector<1x16xf32>
        tpu.vector_store %arg10[%swap3A, %swap3A_123], %swap3A_126 {strides = array<i32>} : memref<128x128xf32, #tpu.memory_space<vmem>>, vector<1x16xf32>,
        %broadcast_in_dim3A_127 = arith.constant 0.000000e+00 : f32
        %broadcast_in_dim3A_128 = vector.broadcast %broadcast_in_dim3A_127 : f32 to vector<16xf32>
        %swap3A_129 = arith.index_cast %add3A_111 : i32 to index
        %swap3A_130 = arith.index_cast %add3A_121 : i32 to index
        %swap3A_131 = tpu.vector_load %arg11[%swap3A_129, %swap3A_130] {strides = array<i32>} : memref<128x128xf32, #tpu.memory_space<vmem>>, vector<1x16xf32>,
        %swap3A_132 = vector.shape_cast %swap3A_131 : vector<1x16xf32> to vector<16xf32>
        %swap3A_133 = vector.shape_cast %broadcast_in_dim3A_128 : vector<16xf32> to vector<1x16xf32>
        tpu.vector_store %arg11[%swap3A_129, %swap3A_130], %swap3A_133 {strides = array<i32>} : memref<128x128xf32, #tpu.memory_space<vmem>>, vector<1x16xf32>,
      }
      %scan3A_116 = arith.constant 8 : i32
    }
    %scan3A_4 = arith.constant 128 : i32
    %scan3A_5 = arith.constant 0 : i32
    %scan3A_6 = arith.constant 5 : i32
    %scan3A_7 = arith.addi %scan3A_5, %scan3A_6 : i32
    %scan3A_8 = arith.constant 1 : i32
    scf.for %scan3A_107 = %scan3A_5 to %scan3A_7 step %scan3A_8  : i32 {
      %mul3A_108 = arith.constant 1 : i32
      %mul3A_109 = arith.muli %scan3A_107, %mul3A_108 : i32
      %add3A_110 = arith.constant 0 : i32
      %add3A_111 = arith.addi %add3A_110, %mul3A_109 : i32
      "tpu.region"() ({
        %run_scoped3A_112 = tpu.sem_alloc : memref<!tpu.dma_semaphore, #tpu.memory_space<semaphore_mem>>
        %dma_start3A_113 = arith.constant 0 : i32
        %dma_start3A_114 = tpu.memref_slice %arg12[%add3A_111, %dma_start3A_113] : memref<5x128xi32, #tpu.memory_space<vmem>> -> memref<1x128xi32, #tpu.memory_space<vmem>>
        %dma_start3A_115 = tpu.memref_squeeze %dma_start3A_114 : memref<1x128xi32, #tpu.memory_space<vmem>> -> memref<128xi32, #tpu.memory_space<vmem>>
        %dma_start3A_116 = arith.constant 0 : i32
        %dma_start3A_117 = arith.constant 0 : i32
        %dma_start3A_118 = tpu.memref_slice %arg16[%dma_start3A_116, %dma_start3A_117] : memref<10240x128xf32, #tpu.memory_space<vmem_shared>> -> memref<10240x128xf32, #tpu.memory_space<vmem_shared>>
        tpu.enqueue_indirect_dma source(%arg10 : memref<128x128xf32, #tpu.memory_space<vmem>>) target(%dma_start3A_118 : memref<10240x128xf32, #tpu.memory_space<vmem_shared>>) offsets(%dma_start3A_115 : memref<128xi32, #tpu.memory_space<vmem>>) semaphore(%run_scoped3A_112 : memref<!tpu.dma_semaphore, #tpu.memory_space<semaphore_mem>>)
        %dma_wait3A_119 = arith.constant 0 : i32
        %dma_wait3A_120 = tpu.memref_slice %arg12[%add3A_111, %dma_wait3A_119] : memref<5x128xi32, #tpu.memory_space<vmem>> -> memref<1x128xi32, #tpu.memory_space<vmem>>
        %dma_wait3A_121 = tpu.memref_squeeze %dma_wait3A_120 : memref<1x128xi32, #tpu.memory_space<vmem>> -> memref<128xi32, #tpu.memory_space<vmem>>
        %dma_wait3A_122 = arith.constant 0 : i32
        %dma_wait3A_123 = arith.constant 0 : i32
        %dma_wait3A_124 = tpu.memref_slice %arg16[%dma_wait3A_122, %dma_wait3A_123] : memref<10240x128xf32, #tpu.memory_space<vmem_shared>> -> memref<10240x128xf32, #tpu.memory_space<vmem_shared>>
        tpu.wait_indirect_dma semaphore(%run_scoped3A_112 : memref<!tpu.dma_semaphore, #tpu.memory_space<semaphore_mem>>) src(%arg10 : memref<128x128xf32, #tpu.memory_space<vmem>>) dst(%dma_wait3A_124 : memref<10240x128xf32, #tpu.memory_space<vmem_shared>>)
        tpu.yield
      }) : () -> ()
    }
    %scan3A_9 = arith.constant 5 : i32
    %barrier3A = arith.constant 0 : index
    tpu.barrier barrier_id(%barrier3A)
    %run_scoped3A = arith.constant 0 : i32
    "tpu.region"() ({
      %run_scoped3A_107 = tpu.sem_alloc : memref<!tpu.dma_semaphore, #tpu.memory_space<semaphore_mem>>
      %dma_start3A_108 = arith.constant 0 : i32
      %dma_start3A_109 = arith.constant 0 : i32
      %dma_start3A_110 = tpu.memref_slice %arg3[%add3A, %run_scoped3A, %dma_start3A_108, %dma_start3A_109] : memref<32x80x2x128xi32, #tpu.memory_space<hbm>> -> memref<1x1x2x128xi32, #tpu.memory_space<hbm>>
      %dma_start3A_111 = tpu.memref_squeeze %dma_start3A_110 : memref<1x1x2x128xi32, #tpu.memory_space<hbm>> -> memref<2x128xi32, #tpu.memory_space<hbm>>
      %dma_start3A_112 = arith.constant 0 : i32
      %dma_start3A_113 = arith.constant 0 : i32
      %dma_start3A_114 = tpu.memref_slice %arg3[%add3A, %run_scoped3A, %dma_start3A_112, %dma_start3A_113] : memref<32x80x2x128xi32, #tpu.memory_space<hbm>> -> memref<1x1x2x128xi32, #tpu.memory_space<hbm>>
      %dma_start3A_115 = tpu.memref_squeeze %dma_start3A_114 : memref<1x1x2x128xi32, #tpu.memory_space<hbm>> -> memref<2x128xi32, #tpu.memory_space<hbm>>
      tpu.enqueue_dma source(%dma_start3A_115 : memref<2x128xi32, #tpu.memory_space<hbm>>) target(%arg6 : memref<2x128xi32, #tpu.memory_space<vmem>>) target_semaphore(%run_scoped3A_107 : memref<!tpu.dma_semaphore, #tpu.memory_space<semaphore_mem>>)
      %dma_wait3A_116 = arith.constant 0 : i32
      %dma_wait3A_117 = arith.constant 0 : i32
      %dma_wait3A_118 = tpu.memref_slice %arg3[%add3A, %run_scoped3A, %dma_wait3A_116, %dma_wait3A_117] : memref<32x80x2x128xi32, #tpu.memory_space<hbm>> -> memref<1x1x2x128xi32, #tpu.memory_space<hbm>>
      %dma_wait3A_119 = tpu.memref_squeeze %dma_wait3A_118 : memref<1x1x2x128xi32, #tpu.memory_space<hbm>> -> memref<2x128xi32, #tpu.memory_space<hbm>>
      %dma_wait3A_120 = arith.constant 0 : i32
      %dma_wait3A_121 = arith.constant 0 : i32
      %dma_wait3A_122 = tpu.memref_slice %arg3[%add3A, %run_scoped3A, %dma_wait3A_120, %dma_wait3A_121] : memref<32x80x2x128xi32, #tpu.memory_space<hbm>> -> memref<1x1x2x128xi32, #tpu.memory_space<hbm>>
      %dma_wait3A_123 = tpu.memref_squeeze %dma_wait3A_122 : memref<1x1x2x128xi32, #tpu.memory_space<hbm>> -> memref<2x128xi32, #tpu.memory_space<hbm>>
      tpu.wait_dma2 semaphore(%run_scoped3A_107 : memref<!tpu.dma_semaphore, #tpu.memory_space<semaphore_mem>>) src(%dma_wait3A_123 : memref<2x128xi32, #tpu.memory_space<hbm>>) dst(%arg6 : memref<2x128xi32, #tpu.memory_space<vmem>>)
      tpu.yield
    }) : () -> ()
    %dma_start3A = arith.constant 1 : i32
    %dma_start3A_10 = arith.constant 1 : i32
    %dma_start3A_11 = arith.constant 0 : i32
    %dma_start3A_12 = arith.constant 0 : i32
    %dma_start3A_13 = tpu.memref_slice %arg3[%add3A, %dma_start3A, %dma_start3A_11, %dma_start3A_12] : memref<32x80x2x128xi32, #tpu.memory_space<hbm>> -> memref<1x1x2x128xi32, #tpu.memory_space<hbm>>
    %dma_start3A_14 = tpu.memref_squeeze %dma_start3A_13 : memref<1x1x2x128xi32, #tpu.memory_space<hbm>> -> memref<2x128xi32, #tpu.memory_space<hbm>>
    %dma_start3A_15 = tpu.memref_slice %arg14[%dma_start3A_10] : memref<4x!tpu.dma_semaphore, #tpu.memory_space<semaphore_mem>> -> memref<1x!tpu.dma_semaphore, #tpu.memory_space<semaphore_mem>>
    %dma_start3A_16 = tpu.memref_squeeze %dma_start3A_15 : memref<1x!tpu.dma_semaphore, #tpu.memory_space<semaphore_mem>> -> memref<!tpu.dma_semaphore, #tpu.memory_space<semaphore_mem>>
    %dma_start3A_17 = arith.constant 0 : i32
    %dma_start3A_18 = arith.constant 0 : i32
    %dma_start3A_19 = tpu.memref_slice %arg3[%add3A, %dma_start3A, %dma_start3A_17, %dma_start3A_18] : memref<32x80x2x128xi32, #tpu.memory_space<hbm>> -> memref<1x1x2x128xi32, #tpu.memory_space<hbm>>
    %dma_start3A_20 = tpu.memref_squeeze %dma_start3A_19 : memref<1x1x2x128xi32, #tpu.memory_space<hbm>> -> memref<2x128xi32, #tpu.memory_space<hbm>>
    tpu.enqueue_dma source(%dma_start3A_20 : memref<2x128xi32, #tpu.memory_space<hbm>>) target(%arg7 : memref<2x128xi32, #tpu.memory_space<vmem>>) target_semaphore(%dma_start3A_16 : memref<!tpu.dma_semaphore, #tpu.memory_space<semaphore_mem>>)
    %dma_start3A_21 = arith.constant 2 : i32
    %dma_start3A_22 = arith.constant 2 : i32
    %dma_start3A_23 = arith.constant 0 : i32
    %dma_start3A_24 = arith.constant 0 : i32
    %dma_start3A_25 = tpu.memref_slice %arg3[%add3A, %dma_start3A_21, %dma_start3A_23, %dma_start3A_24] : memref<32x80x2x128xi32, #tpu.memory_space<hbm>> -> memref<1x1x2x128xi32, #tpu.memory_space<hbm>>
    %dma_start3A_26 = tpu.memref_squeeze %dma_start3A_25 : memref<1x1x2x128xi32, #tpu.memory_space<hbm>> -> memref<2x128xi32, #tpu.memory_space<hbm>>
    %dma_start3A_27 = tpu.memref_slice %arg14[%dma_start3A_22] : memref<4x!tpu.dma_semaphore, #tpu.memory_space<semaphore_mem>> -> memref<1x!tpu.dma_semaphore, #tpu.memory_space<semaphore_mem>>
    %dma_start3A_28 = tpu.memref_squeeze %dma_start3A_27 : memref<1x!tpu.dma_semaphore, #tpu.memory_space<semaphore_mem>> -> memref<!tpu.dma_semaphore, #tpu.memory_space<semaphore_mem>>
    %dma_start3A_29 = arith.constant 0 : i32
    %dma_start3A_30 = arith.constant 0 : i32
    %dma_start3A_31 = tpu.memref_slice %arg3[%add3A, %dma_start3A_21, %dma_start3A_29, %dma_start3A_30] : memref<32x80x2x128xi32, #tpu.memory_space<hbm>> -> memref<1x1x2x128xi32, #tpu.memory_space<hbm>>
    %dma_start3A_32 = tpu.memref_squeeze %dma_start3A_31 : memref<1x1x2x128xi32, #tpu.memory_space<hbm>> -> memref<2x128xi32, #tpu.memory_space<hbm>>
    tpu.enqueue_dma source(%dma_start3A_32 : memref<2x128xi32, #tpu.memory_space<hbm>>) target(%arg8 : memref<2x128xi32, #tpu.memory_space<vmem>>) target_semaphore(%dma_start3A_28 : memref<!tpu.dma_semaphore, #tpu.memory_space<semaphore_mem>>)
    %dma_start3A_33 = arith.constant 0 : i32
    %dma_start3A_34 = arith.constant 0 : i32
    %dma_start3A_35 = arith.constant 0 : i32
    %dma_start3A_36 = tpu.memref_slice %arg6[%dma_start3A_33, %dma_start3A_35] : memref<2x128xi32, #tpu.memory_space<vmem>> -> memref<1x128xi32, #tpu.memory_space<vmem>>
    %dma_start3A_37 = tpu.memref_squeeze %dma_start3A_36 : memref<1x128xi32, #tpu.memory_space<vmem>> -> memref<128xi32, #tpu.memory_space<vmem>>
    %dma_start3A_38 = arith.constant 0 : i32
    %dma_start3A_39 = arith.constant 0 : i32
    %dma_start3A_40 = tpu.memref_slice %arg2[%dma_start3A_38, %dma_start3A_39] : memref<10240x128xf32, #tpu.memory_space<hbm>> -> memref<10240x128xf32, #tpu.memory_space<hbm>>
    %dma_start3A_41 = tpu.memref_slice %arg13[%dma_start3A_34] : memref<2x!tpu.dma_semaphore, #tpu.memory_space<semaphore_mem>> -> memref<1x!tpu.dma_semaphore, #tpu.memory_space<semaphore_mem>>
    %dma_start3A_42 = tpu.memref_squeeze %dma_start3A_41 : memref<1x!tpu.dma_semaphore, #tpu.memory_space<semaphore_mem>> -> memref<!tpu.dma_semaphore, #tpu.memory_space<semaphore_mem>>
    tpu.enqueue_indirect_dma source(%dma_start3A_40 : memref<10240x128xf32, #tpu.memory_space<hbm>>) target(%arg10 : memref<128x128xf32, #tpu.memory_space<vmem>>) offsets(%dma_start3A_37 : memref<128xi32, #tpu.memory_space<vmem>>) semaphore(%dma_start3A_42 : memref<!tpu.dma_semaphore, #tpu.memory_space<semaphore_mem>>)
    %dma_start3A_43 = arith.constant 0 : i32
    %dma_start3A_44 = arith.constant 1 : i32
    %dma_start3A_45 = arith.constant 0 : i32
    %dma_start3A_46 = tpu.memref_slice %arg12[%dma_start3A_43, %dma_start3A_45] : memref<5x128xi32, #tpu.memory_space<vmem>> -> memref<1x128xi32, #tpu.memory_space<vmem>>
    %dma_start3A_47 = tpu.memref_squeeze %dma_start3A_46 : memref<1x128xi32, #tpu.memory_space<vmem>> -> memref<128xi32, #tpu.memory_space<vmem>>
    %dma_start3A_48 = arith.constant 0 : i32
    %dma_start3A_49 = arith.constant 0 : i32
    %dma_start3A_50 = tpu.memref_slice %arg16[%dma_start3A_48, %dma_start3A_49] : memref<10240x128xf32, #tpu.memory_space<vmem_shared>> -> memref<10240x128xf32, #tpu.memory_space<vmem_shared>>
    %dma_start3A_51 = tpu.memref_slice %arg15[%dma_start3A_44] : memref<2x!tpu.dma_semaphore, #tpu.memory_space<semaphore_mem>> -> memref<1x!tpu.dma_semaphore, #tpu.memory_space<semaphore_mem>>
    %dma_start3A_52 = tpu.memref_squeeze %dma_start3A_51 : memref<1x!tpu.dma_semaphore, #tpu.memory_space<semaphore_mem>> -> memref<!tpu.dma_semaphore, #tpu.memory_space<semaphore_mem>>
    tpu.enqueue_indirect_dma source(%arg11 : memref<128x128xf32, #tpu.memory_space<vmem>>) target(%dma_start3A_50 : memref<10240x128xf32, #tpu.memory_space<vmem_shared>>) offsets(%dma_start3A_47 : memref<128xi32, #tpu.memory_space<vmem>>) semaphore(%dma_start3A_52 : memref<!tpu.dma_semaphore, #tpu.memory_space<semaphore_mem>>) {add = true}
    %scan3A_53 = arith.constant 0 : i32
    %scan3A_54 = arith.constant 20 : i32
    %scan3A_55 = arith.addi %scan3A_53, %scan3A_54 : i32
    %scan3A_56 = arith.constant 1 : i32
    scf.for %scan3A_107 = %scan3A_53 to %scan3A_55 step %scan3A_56  : i32 {
      %mul3A_108 = arith.constant 1 : i32
      %mul3A_109 = arith.muli %scan3A_107, %mul3A_108 : i32
      %add3A_110 = arith.constant 0 : i32
      %add3A_111 = arith.addi %add3A_110, %mul3A_109 : i32
      %mul3A_112 = arith.constant 4 : i32
      %mul3A_113 = arith.muli %mul3A_112, %add3A_111 : i32
      %add3A_114 = arith.constant 0 : i32
      %add3A_115 = arith.addi %mul3A_113, %add3A_114 : i32
      %dma_wait3A_116 = arith.constant 1 : i32
      %dma_wait3A_117 = arith.constant 1 : i32
      %dma_wait3A_118 = arith.constant 0 : i32
      %dma_wait3A_119 = tpu.memref_slice %arg9[%dma_wait3A_116, %dma_wait3A_118] : memref<2x128xi32, #tpu.memory_space<vmem>> -> memref<1x128xi32, #tpu.memory_space<vmem>>
      %dma_wait3A_120 = tpu.memref_squeeze %dma_wait3A_119 : memref<1x128xi32, #tpu.memory_space<vmem>> -> memref<128xi32, #tpu.memory_space<vmem>>
      %dma_wait3A_121 = arith.constant 0 : i32
      %dma_wait3A_122 = arith.constant 0 : i32
      %dma_wait3A_123 = tpu.memref_slice %arg16[%dma_wait3A_121, %dma_wait3A_122] : memref<10240x128xf32, #tpu.memory_space<vmem_shared>> -> memref<10240x128xf32, #tpu.memory_space<vmem_shared>>
      %dma_wait3A_124 = tpu.memref_slice %arg15[%dma_wait3A_117] : memref<2x!tpu.dma_semaphore, #tpu.memory_space<semaphore_mem>> -> memref<1x!tpu.dma_semaphore, #tpu.memory_space<semaphore_mem>>
      %dma_wait3A_125 = tpu.memref_squeeze %dma_wait3A_124 : memref<1x!tpu.dma_semaphore, #tpu.memory_space<semaphore_mem>> -> memref<!tpu.dma_semaphore, #tpu.memory_space<semaphore_mem>>
      tpu.wait_indirect_dma semaphore(%dma_wait3A_125 : memref<!tpu.dma_semaphore, #tpu.memory_space<semaphore_mem>>) src(%arg11 : memref<128x128xf32, #tpu.memory_space<vmem>>) dst(%dma_wait3A_123 : memref<10240x128xf32, #tpu.memory_space<vmem_shared>>)
      %add3A_126 = arith.constant 3 : i32
      %add3A_127 = arith.addi %add3A_115, %add3A_126 : i32
      %rem3A = arith.constant 80 : i32
      %rem3A_128 = arith.remsi %add3A_127, %rem3A : i32
      %dma_start3A_129 = arith.constant 3 : i32
      %dma_start3A_130 = arith.constant 0 : i32
      %dma_start3A_131 = arith.constant 0 : i32
      %dma_start3A_132 = tpu.memref_slice %arg3[%add3A, %rem3A_128, %dma_start3A_130, %dma_start3A_131] : memref<32x80x2x128xi32, #tpu.memory_space<hbm>> -> memref<1x1x2x128xi32, #tpu.memory_space<hbm>>
      %dma_start3A_133 = tpu.memref_squeeze %dma_start3A_132 : memref<1x1x2x128xi32, #tpu.memory_space<hbm>> -> memref<2x128xi32, #tpu.memory_space<hbm>>
      %dma_start3A_134 = tpu.memref_slice %arg14[%dma_start3A_129] : memref<4x!tpu.dma_semaphore, #tpu.memory_space<semaphore_mem>> -> memref<1x!tpu.dma_semaphore, #tpu.memory_space<semaphore_mem>>
      %dma_start3A_135 = tpu.memref_squeeze %dma_start3A_134 : memref<1x!tpu.dma_semaphore, #tpu.memory_space<semaphore_mem>> -> memref<!tpu.dma_semaphore, #tpu.memory_space<semaphore_mem>>
      %dma_start3A_136 = arith.constant 0 : i32
      %dma_start3A_137 = arith.constant 0 : i32
      %dma_start3A_138 = tpu.memref_slice %arg3[%add3A, %rem3A_128, %dma_start3A_136, %dma_start3A_137] : memref<32x80x2x128xi32, #tpu.memory_space<hbm>> -> memref<1x1x2x128xi32, #tpu.memory_space<hbm>>
      %dma_start3A_139 = tpu.memref_squeeze %dma_start3A_138 : memref<1x1x2x128xi32, #tpu.memory_space<hbm>> -> memref<2x128xi32, #tpu.memory_space<hbm>>
      tpu.enqueue_dma source(%dma_start3A_139 : memref<2x128xi32, #tpu.memory_space<hbm>>) target(%arg9 : memref<2x128xi32, #tpu.memory_space<vmem>>) target_semaphore(%dma_start3A_135 : memref<!tpu.dma_semaphore, #tpu.memory_space<semaphore_mem>>)
      %dma_wait3A_140 = arith.constant 0 : i32
      %dma_wait3A_141 = arith.constant 1 : i32
      %dma_wait3A_142 = arith.constant 0 : i32
      %dma_wait3A_143 = arith.constant 0 : i32
      %dma_wait3A_144 = tpu.memref_slice %arg3[%add3A, %dma_wait3A_140, %dma_wait3A_142, %dma_wait3A_143] : memref<32x80x2x128xi32, #tpu.memory_space<hbm>> -> memref<1x1x2x128xi32, #tpu.memory_space<hbm>>
      %dma_wait3A_145 = tpu.memref_squeeze %dma_wait3A_144 : memref<1x1x2x128xi32, #tpu.memory_space<hbm>> -> memref<2x128xi32, #tpu.memory_space<hbm>>
      %dma_wait3A_146 = tpu.memref_slice %arg14[%dma_wait3A_141] : memref<4x!tpu.dma_semaphore, #tpu.memory_space<semaphore_mem>> -> memref<1x!tpu.dma_semaphore, #tpu.memory_space<semaphore_mem>>
      %dma_wait3A_147 = tpu.memref_squeeze %dma_wait3A_146 : memref<1x!tpu.dma_semaphore, #tpu.memory_space<semaphore_mem>> -> memref<!tpu.dma_semaphore, #tpu.memory_space<semaphore_mem>>
      %dma_wait3A_148 = arith.constant 0 : i32
      %dma_wait3A_149 = arith.constant 0 : i32
      %dma_wait3A_150 = tpu.memref_slice %arg3[%add3A, %dma_wait3A_140, %dma_wait3A_148, %dma_wait3A_149] : memref<32x80x2x128xi32, #tpu.memory_space<hbm>> -> memref<1x1x2x128xi32, #tpu.memory_space<hbm>>
      %dma_wait3A_151 = tpu.memref_squeeze %dma_wait3A_150 : memref<1x1x2x128xi32, #tpu.memory_space<hbm>> -> memref<2x128xi32, #tpu.memory_space<hbm>>
      tpu.wait_dma2 semaphore(%dma_wait3A_147 : memref<!tpu.dma_semaphore, #tpu.memory_space<semaphore_mem>>) src(%dma_wait3A_151 : memref<2x128xi32, #tpu.memory_space<hbm>>) dst(%arg7 : memref<2x128xi32, #tpu.memory_space<vmem>>)
      %dma_start3A_152 = arith.constant 0 : i32
      %dma_start3A_153 = arith.constant 1 : i32
      %dma_start3A_154 = arith.constant 0 : i32
      %dma_start3A_155 = tpu.memref_slice %arg7[%dma_start3A_152, %dma_start3A_154] : memref<2x128xi32, #tpu.memory_space<vmem>> -> memref<1x128xi32, #tpu.memory_space<vmem>>
      %dma_start3A_156 = tpu.memref_squeeze %dma_start3A_155 : memref<1x128xi32, #tpu.memory_space<vmem>> -> memref<128xi32, #tpu.memory_space<vmem>>
      %dma_start3A_157 = arith.constant 0 : i32
      %dma_start3A_158 = arith.constant 0 : i32
      %dma_start3A_159 = tpu.memref_slice %arg2[%dma_start3A_157, %dma_start3A_158] : memref<10240x128xf32, #tpu.memory_space<hbm>> -> memref<10240x128xf32, #tpu.memory_space<hbm>>
      %dma_start3A_160 = tpu.memref_slice %arg13[%dma_start3A_153] : memref<2x!tpu.dma_semaphore, #tpu.memory_space<semaphore_mem>> -> memref<1x!tpu.dma_semaphore, #tpu.memory_space<semaphore_mem>>
      %dma_start3A_161 = tpu.memref_squeeze %dma_start3A_160 : memref<1x!tpu.dma_semaphore, #tpu.memory_space<semaphore_mem>> -> memref<!tpu.dma_semaphore, #tpu.memory_space<semaphore_mem>>
      tpu.enqueue_indirect_dma source(%dma_start3A_159 : memref<10240x128xf32, #tpu.memory_space<hbm>>) target(%arg11 : memref<128x128xf32, #tpu.memory_space<vmem>>) offsets(%dma_start3A_156 : memref<128xi32, #tpu.memory_space<vmem>>) semaphore(%dma_start3A_161 : memref<!tpu.dma_semaphore, #tpu.memory_space<semaphore_mem>>)
      %dma_wait3A_162 = arith.constant 0 : i32
      %dma_wait3A_163 = arith.constant 0 : i32
      %dma_wait3A_164 = arith.constant 0 : i32
      %dma_wait3A_165 = tpu.memref_slice %arg6[%dma_wait3A_162, %dma_wait3A_164] : memref<2x128xi32, #tpu.memory_space<vmem>> -> memref<1x128xi32, #tpu.memory_space<vmem>>
      %dma_wait3A_166 = tpu.memref_squeeze %dma_wait3A_165 : memref<1x128xi32, #tpu.memory_space<vmem>> -> memref<128xi32, #tpu.memory_space<vmem>>
      %dma_wait3A_167 = arith.constant 0 : i32
      %dma_wait3A_168 = arith.constant 0 : i32
      %dma_wait3A_169 = tpu.memref_slice %arg2[%dma_wait3A_167, %dma_wait3A_168] : memref<10240x128xf32, #tpu.memory_space<hbm>> -> memref<10240x128xf32, #tpu.memory_space<hbm>>
      %dma_wait3A_170 = tpu.memref_slice %arg13[%dma_wait3A_163] : memref<2x!tpu.dma_semaphore, #tpu.memory_space<semaphore_mem>> -> memref<1x!tpu.dma_semaphore, #tpu.memory_space<semaphore_mem>>
      %dma_wait3A_171 = tpu.memref_squeeze %dma_wait3A_170 : memref<1x!tpu.dma_semaphore, #tpu.memory_space<semaphore_mem>> -> memref<!tpu.dma_semaphore, #tpu.memory_space<semaphore_mem>>
      tpu.wait_indirect_dma semaphore(%dma_wait3A_171 : memref<!tpu.dma_semaphore, #tpu.memory_space<semaphore_mem>>) src(%dma_wait3A_169 : memref<10240x128xf32, #tpu.memory_space<hbm>>) dst(%arg10 : memref<128x128xf32, #tpu.memory_space<vmem>>)
      %dma_start3A_172 = arith.constant 1 : i32
      %dma_start3A_173 = arith.constant 0 : i32
      %dma_start3A_174 = arith.constant 0 : i32
      %dma_start3A_175 = tpu.memref_slice %arg6[%dma_start3A_172, %dma_start3A_174] : memref<2x128xi32, #tpu.memory_space<vmem>> -> memref<1x128xi32, #tpu.memory_space<vmem>>
      %dma_start3A_176 = tpu.memref_squeeze %dma_start3A_175 : memref<1x128xi32, #tpu.memory_space<vmem>> -> memref<128xi32, #tpu.memory_space<vmem>>
      %dma_start3A_177 = arith.constant 0 : i32
      %dma_start3A_178 = arith.constant 0 : i32
      %dma_start3A_179 = tpu.memref_slice %arg16[%dma_start3A_177, %dma_start3A_178] : memref<10240x128xf32, #tpu.memory_space<vmem_shared>> -> memref<10240x128xf32, #tpu.memory_space<vmem_shared>>
      %dma_start3A_180 = tpu.memref_slice %arg15[%dma_start3A_173] : memref<2x!tpu.dma_semaphore, #tpu.memory_space<semaphore_mem>> -> memref<1x!tpu.dma_semaphore, #tpu.memory_space<semaphore_mem>>
      %dma_start3A_181 = tpu.memref_squeeze %dma_start3A_180 : memref<1x!tpu.dma_semaphore, #tpu.memory_space<semaphore_mem>> -> memref<!tpu.dma_semaphore, #tpu.memory_space<semaphore_mem>>
      tpu.enqueue_indirect_dma source(%arg10 : memref<128x128xf32, #tpu.memory_space<vmem>>) target(%dma_start3A_179 : memref<10240x128xf32, #tpu.memory_space<vmem_shared>>) offsets(%dma_start3A_176 : memref<128xi32, #tpu.memory_space<vmem>>) semaphore(%dma_start3A_181 : memref<!tpu.dma_semaphore, #tpu.memory_space<semaphore_mem>>) {add = true}
      %mul3A_182 = arith.constant 4 : i32
      %mul3A_183 = arith.muli %mul3A_182, %add3A_111 : i32
      %add3A_184 = arith.constant 1 : i32
      %add3A_185 = arith.addi %mul3A_183, %add3A_184 : i32
      %dma_wait3A_186 = arith.constant 1 : i32
      %dma_wait3A_187 = arith.constant 0 : i32
      %dma_wait3A_188 = arith.constant 0 : i32
      %dma_wait3A_189 = tpu.memref_slice %arg6[%dma_wait3A_186, %dma_wait3A_188] : memref<2x128xi32, #tpu.memory_space<vmem>> -> memref<1x128xi32, #tpu.memory_space<vmem>>
      %dma_wait3A_190 = tpu.memref_squeeze %dma_wait3A_189 : memref<1x128xi32, #tpu.memory_space<vmem>> -> memref<128xi32, #tpu.memory_space<vmem>>
      %dma_wait3A_191 = arith.constant 0 : i32
      %dma_wait3A_192 = arith.constant 0 : i32
      %dma_wait3A_193 = tpu.memref_slice %arg16[%dma_wait3A_191, %dma_wait3A_192] : memref<10240x128xf32, #tpu.memory_space<vmem_shared>> -> memref<10240x128xf32, #tpu.memory_space<vmem_shared>>
      %dma_wait3A_194 = tpu.memref_slice %arg15[%dma_wait3A_187] : memref<2x!tpu.dma_semaphore, #tpu.memory_space<semaphore_mem>> -> memref<1x!tpu.dma_semaphore, #tpu.memory_space<semaphore_mem>>
      %dma_wait3A_195 = tpu.memref_squeeze %dma_wait3A_194 : memref<1x!tpu.dma_semaphore, #tpu.memory_space<semaphore_mem>> -> memref<!tpu.dma_semaphore, #tpu.memory_space<semaphore_mem>>
      tpu.wait_indirect_dma semaphore(%dma_wait3A_195 : memref<!tpu.dma_semaphore, #tpu.memory_space<semaphore_mem>>) src(%arg10 : memref<128x128xf32, #tpu.memory_space<vmem>>) dst(%dma_wait3A_193 : memref<10240x128xf32, #tpu.memory_space<vmem_shared>>)
      %add3A_196 = arith.constant 3 : i32
      %add3A_197 = arith.addi %add3A_185, %add3A_196 : i32
      %rem3A_198 = arith.constant 80 : i32
      %rem3A_199 = arith.remsi %add3A_197, %rem3A_198 : i32
      %dma_start3A_200 = arith.constant 0 : i32
      %dma_start3A_201 = arith.constant 0 : i32
      %dma_start3A_202 = arith.constant 0 : i32
      %dma_start3A_203 = tpu.memref_slice %arg3[%add3A, %rem3A_199, %dma_start3A_201, %dma_start3A_202] : memref<32x80x2x128xi32, #tpu.memory_space<hbm>> -> memref<1x1x2x128xi32, #tpu.memory_space<hbm>>
      %dma_start3A_204 = tpu.memref_squeeze %dma_start3A_203 : memref<1x1x2x128xi32, #tpu.memory_space<hbm>> -> memref<2x128xi32, #tpu.memory_space<hbm>>
      %dma_start3A_205 = tpu.memref_slice %arg14[%dma_start3A_200] : memref<4x!tpu.dma_semaphore, #tpu.memory_space<semaphore_mem>> -> memref<1x!tpu.dma_semaphore, #tpu.memory_space<semaphore_mem>>
      %dma_start3A_206 = tpu.memref_squeeze %dma_start3A_205 : memref<1x!tpu.dma_semaphore, #tpu.memory_space<semaphore_mem>> -> memref<!tpu.dma_semaphore, #tpu.memory_space<semaphore_mem>>
      %dma_start3A_207 = arith.constant 0 : i32
      %dma_start3A_208 = arith.constant 0 : i32
      %dma_start3A_209 = tpu.memref_slice %arg3[%add3A, %rem3A_199, %dma_start3A_207, %dma_start3A_208] : memref<32x80x2x128xi32, #tpu.memory_space<hbm>> -> memref<1x1x2x128xi32, #tpu.memory_space<hbm>>
      %dma_start3A_210 = tpu.memref_squeeze %dma_start3A_209 : memref<1x1x2x128xi32, #tpu.memory_space<hbm>> -> memref<2x128xi32, #tpu.memory_space<hbm>>
      tpu.enqueue_dma source(%dma_start3A_210 : memref<2x128xi32, #tpu.memory_space<hbm>>) target(%arg6 : memref<2x128xi32, #tpu.memory_space<vmem>>) target_semaphore(%dma_start3A_206 : memref<!tpu.dma_semaphore, #tpu.memory_space<semaphore_mem>>)
      %dma_wait3A_211 = arith.constant 0 : i32
      %dma_wait3A_212 = arith.constant 2 : i32
      %dma_wait3A_213 = arith.constant 0 : i32
      %dma_wait3A_214 = arith.constant 0 : i32
      %dma_wait3A_215 = tpu.memref_slice %arg3[%add3A, %dma_wait3A_211, %dma_wait3A_213, %dma_wait3A_214] : memref<32x80x2x128xi32, #tpu.memory_space<hbm>> -> memref<1x1x2x128xi32, #tpu.memory_space<hbm>>
      %dma_wait3A_216 = tpu.memref_squeeze %dma_wait3A_215 : memref<1x1x2x128xi32, #tpu.memory_space<hbm>> -> memref<2x128xi32, #tpu.memory_space<hbm>>
      %dma_wait3A_217 = tpu.memref_slice %arg14[%dma_wait3A_212] : memref<4x!tpu.dma_semaphore, #tpu.memory_space<semaphore_mem>> -> memref<1x!tpu.dma_semaphore, #tpu.memory_space<semaphore_mem>>
      %dma_wait3A_218 = tpu.memref_squeeze %dma_wait3A_217 : memref<1x!tpu.dma_semaphore, #tpu.memory_space<semaphore_mem>> -> memref<!tpu.dma_semaphore, #tpu.memory_space<semaphore_mem>>
      %dma_wait3A_219 = arith.constant 0 : i32
      %dma_wait3A_220 = arith.constant 0 : i32
      %dma_wait3A_221 = tpu.memref_slice %arg3[%add3A, %dma_wait3A_211, %dma_wait3A_219, %dma_wait3A_220] : memref<32x80x2x128xi32, #tpu.memory_space<hbm>> -> memref<1x1x2x128xi32, #tpu.memory_space<hbm>>
      %dma_wait3A_222 = tpu.memref_squeeze %dma_wait3A_221 : memref<1x1x2x128xi32, #tpu.memory_space<hbm>> -> memref<2x128xi32, #tpu.memory_space<hbm>>
      tpu.wait_dma2 semaphore(%dma_wait3A_218 : memref<!tpu.dma_semaphore, #tpu.memory_space<semaphore_mem>>) src(%dma_wait3A_222 : memref<2x128xi32, #tpu.memory_space<hbm>>) dst(%arg8 : memref<2x128xi32, #tpu.memory_space<vmem>>)
      %dma_start3A_223 = arith.constant 0 : i32
      %dma_start3A_224 = arith.constant 0 : i32
      %dma_start3A_225 = arith.constant 0 : i32
      %dma_start3A_226 = tpu.memref_slice %arg8[%dma_start3A_223, %dma_start3A_225] : memref<2x128xi32, #tpu.memory_space<vmem>> -> memref<1x128xi32, #tpu.memory_space<vmem>>
      %dma_start3A_227 = tpu.memref_squeeze %dma_start3A_226 : memref<1x128xi32, #tpu.memory_space<vmem>> -> memref<128xi32, #tpu.memory_space<vmem>>
      %dma_start3A_228 = arith.constant 0 : i32
      %dma_start3A_229 = arith.constant 0 : i32
      %dma_start3A_230 = tpu.memref_slice %arg2[%dma_start3A_228, %dma_start3A_229] : memref<10240x128xf32, #tpu.memory_space<hbm>> -> memref<10240x128xf32, #tpu.memory_space<hbm>>
      %dma_start3A_231 = tpu.memref_slice %arg13[%dma_start3A_224] : memref<2x!tpu.dma_semaphore, #tpu.memory_space<semaphore_mem>> -> memref<1x!tpu.dma_semaphore, #tpu.memory_space<semaphore_mem>>
      %dma_start3A_232 = tpu.memref_squeeze %dma_start3A_231 : memref<1x!tpu.dma_semaphore, #tpu.memory_space<semaphore_mem>> -> memref<!tpu.dma_semaphore, #tpu.memory_space<semaphore_mem>>
      tpu.enqueue_indirect_dma source(%dma_start3A_230 : memref<10240x128xf32, #tpu.memory_space<hbm>>) target(%arg10 : memref<128x128xf32, #tpu.memory_space<vmem>>) offsets(%dma_start3A_227 : memref<128xi32, #tpu.memory_space<vmem>>) semaphore(%dma_start3A_232 : memref<!tpu.dma_semaphore, #tpu.memory_space<semaphore_mem>>)
      %dma_wait3A_233 = arith.constant 0 : i32
      %dma_wait3A_234 = arith.constant 1 : i32
      %dma_wait3A_235 = arith.constant 0 : i32
      %dma_wait3A_236 = tpu.memref_slice %arg7[%dma_wait3A_233, %dma_wait3A_235] : memref<2x128xi32, #tpu.memory_space<vmem>> -> memref<1x128xi32, #tpu.memory_space<vmem>>
      %dma_wait3A_237 = tpu.memref_squeeze %dma_wait3A_236 : memref<1x128xi32, #tpu.memory_space<vmem>> -> memref<128xi32, #tpu.memory_space<vmem>>
      %dma_wait3A_238 = arith.constant 0 : i32
      %dma_wait3A_239 = arith.constant 0 : i32
      %dma_wait3A_240 = tpu.memref_slice %arg2[%dma_wait3A_238, %dma_wait3A_239] : memref<10240x128xf32, #tpu.memory_space<hbm>> -> memref<10240x128xf32, #tpu.memory_space<hbm>>
      %dma_wait3A_241 = tpu.memref_slice %arg13[%dma_wait3A_234] : memref<2x!tpu.dma_semaphore, #tpu.memory_space<semaphore_mem>> -> memref<1x!tpu.dma_semaphore, #tpu.memory_space<semaphore_mem>>
      %dma_wait3A_242 = tpu.memref_squeeze %dma_wait3A_241 : memref<1x!tpu.dma_semaphore, #tpu.memory_space<semaphore_mem>> -> memref<!tpu.dma_semaphore, #tpu.memory_space<semaphore_mem>>
      tpu.wait_indirect_dma semaphore(%dma_wait3A_242 : memref<!tpu.dma_semaphore, #tpu.memory_space<semaphore_mem>>) src(%dma_wait3A_240 : memref<10240x128xf32, #tpu.memory_space<hbm>>) dst(%arg11 : memref<128x128xf32, #tpu.memory_space<vmem>>)
      %dma_start3A_243 = arith.constant 1 : i32
      %dma_start3A_244 = arith.constant 1 : i32
      %dma_start3A_245 = arith.constant 0 : i32
      %dma_start3A_246 = tpu.memref_slice %arg7[%dma_start3A_243, %dma_start3A_245] : memref<2x128xi32, #tpu.memory_space<vmem>> -> memref<1x128xi32, #tpu.memory_space<vmem>>
      %dma_start3A_247 = tpu.memref_squeeze %dma_start3A_246 : memref<1x128xi32, #tpu.memory_space<vmem>> -> memref<128xi32, #tpu.memory_space<vmem>>
      %dma_start3A_248 = arith.constant 0 : i32
      %dma_start3A_249 = arith.constant 0 : i32
      %dma_start3A_250 = tpu.memref_slice %arg16[%dma_start3A_248, %dma_start3A_249] : memref<10240x128xf32, #tpu.memory_space<vmem_shared>> -> memref<10240x128xf32, #tpu.memory_space<vmem_shared>>
      %dma_start3A_251 = tpu.memref_slice %arg15[%dma_start3A_244] : memref<2x!tpu.dma_semaphore, #tpu.memory_space<semaphore_mem>> -> memref<1x!tpu.dma_semaphore, #tpu.memory_space<semaphore_mem>>
      %dma_start3A_252 = tpu.memref_squeeze %dma_start3A_251 : memref<1x!tpu.dma_semaphore, #tpu.memory_space<semaphore_mem>> -> memref<!tpu.dma_semaphore, #tpu.memory_space<semaphore_mem>>
      tpu.enqueue_indirect_dma source(%arg11 : memref<128x128xf32, #tpu.memory_space<vmem>>) target(%dma_start3A_250 : memref<10240x128xf32, #tpu.memory_space<vmem_shared>>) offsets(%dma_start3A_247 : memref<128xi32, #tpu.memory_space<vmem>>) semaphore(%dma_start3A_252 : memref<!tpu.dma_semaphore, #tpu.memory_space<semaphore_mem>>) {add = true}
      %mul3A_253 = arith.constant 4 : i32
      %mul3A_254 = arith.muli %mul3A_253, %add3A_111 : i32
      %add3A_255 = arith.constant 2 : i32
      %add3A_256 = arith.addi %mul3A_254, %add3A_255 : i32
      %dma_wait3A_257 = arith.constant 1 : i32
      %dma_wait3A_258 = arith.constant 1 : i32
      %dma_wait3A_259 = arith.constant 0 : i32
      %dma_wait3A_260 = tpu.memref_slice %arg7[%dma_wait3A_257, %dma_wait3A_259] : memref<2x128xi32, #tpu.memory_space<vmem>> -> memref<1x128xi32, #tpu.memory_space<vmem>>
      %dma_wait3A_261 = tpu.memref_squeeze %dma_wait3A_260 : memref<1x128xi32, #tpu.memory_space<vmem>> -> memref<128xi32, #tpu.memory_space<vmem>>
      %dma_wait3A_262 = arith.constant 0 : i32
      %dma_wait3A_263 = arith.constant 0 : i32
      %dma_wait3A_264 = tpu.memref_slice %arg16[%dma_wait3A_262, %dma_wait3A_263] : memref<10240x128xf32, #tpu.memory_space<vmem_shared>> -> memref<10240x128xf32, #tpu.memory_space<vmem_shared>>
      %dma_wait3A_265 = tpu.memref_slice %arg15[%dma_wait3A_258] : memref<2x!tpu.dma_semaphore, #tpu.memory_space<semaphore_mem>> -> memref<1x!tpu.dma_semaphore, #tpu.memory_space<semaphore_mem>>
      %dma_wait3A_266 = tpu.memref_squeeze %dma_wait3A_265 : memref<1x!tpu.dma_semaphore, #tpu.memory_space<semaphore_mem>> -> memref<!tpu.dma_semaphore, #tpu.memory_space<semaphore_mem>>
      tpu.wait_indirect_dma semaphore(%dma_wait3A_266 : memref<!tpu.dma_semaphore, #tpu.memory_space<semaphore_mem>>) src(%arg11 : memref<128x128xf32, #tpu.memory_space<vmem>>) dst(%dma_wait3A_264 : memref<10240x128xf32, #tpu.memory_space<vmem_shared>>)
      %add3A_267 = arith.constant 3 : i32
      %add3A_268 = arith.addi %add3A_256, %add3A_267 : i32
      %rem3A_269 = arith.constant 80 : i32
      %rem3A_270 = arith.remsi %add3A_268, %rem3A_269 : i32
      %dma_start3A_271 = arith.constant 1 : i32
      %dma_start3A_272 = arith.constant 0 : i32
      %dma_start3A_273 = arith.constant 0 : i32
      %dma_start3A_274 = tpu.memref_slice %arg3[%add3A, %rem3A_270, %dma_start3A_272, %dma_start3A_273] : memref<32x80x2x128xi32, #tpu.memory_space<hbm>> -> memref<1x1x2x128xi32, #tpu.memory_space<hbm>>
      %dma_start3A_275 = tpu.memref_squeeze %dma_start3A_274 : memref<1x1x2x128xi32, #tpu.memory_space<hbm>> -> memref<2x128xi32, #tpu.memory_space<hbm>>
      %dma_start3A_276 = tpu.memref_slice %arg14[%dma_start3A_271] : memref<4x!tpu.dma_semaphore, #tpu.memory_space<semaphore_mem>> -> memref<1x!tpu.dma_semaphore, #tpu.memory_space<semaphore_mem>>
      %dma_start3A_277 = tpu.memref_squeeze %dma_start3A_276 : memref<1x!tpu.dma_semaphore, #tpu.memory_space<semaphore_mem>> -> memref<!tpu.dma_semaphore, #tpu.memory_space<semaphore_mem>>
      %dma_start3A_278 = arith.constant 0 : i32
      %dma_start3A_279 = arith.constant 0 : i32
      %dma_start3A_280 = tpu.memref_slice %arg3[%add3A, %rem3A_270, %dma_start3A_278, %dma_start3A_279] : memref<32x80x2x128xi32, #tpu.memory_space<hbm>> -> memref<1x1x2x128xi32, #tpu.memory_space<hbm>>
      %dma_start3A_281 = tpu.memref_squeeze %dma_start3A_280 : memref<1x1x2x128xi32, #tpu.memory_space<hbm>> -> memref<2x128xi32, #tpu.memory_space<hbm>>
      tpu.enqueue_dma source(%dma_start3A_281 : memref<2x128xi32, #tpu.memory_space<hbm>>) target(%arg7 : memref<2x128xi32, #tpu.memory_space<vmem>>) target_semaphore(%dma_start3A_277 : memref<!tpu.dma_semaphore, #tpu.memory_space<semaphore_mem>>)
      %dma_wait3A_282 = arith.constant 0 : i32
      %dma_wait3A_283 = arith.constant 3 : i32
      %dma_wait3A_284 = arith.constant 0 : i32
      %dma_wait3A_285 = arith.constant 0 : i32
      %dma_wait3A_286 = tpu.memref_slice %arg3[%add3A, %dma_wait3A_282, %dma_wait3A_284, %dma_wait3A_285] : memref<32x80x2x128xi32, #tpu.memory_space<hbm>> -> memref<1x1x2x128xi32, #tpu.memory_space<hbm>>
      %dma_wait3A_287 = tpu.memref_squeeze %dma_wait3A_286 : memref<1x1x2x128xi32, #tpu.memory_space<hbm>> -> memref<2x128xi32, #tpu.memory_space<hbm>>
      %dma_wait3A_288 = tpu.memref_slice %arg14[%dma_wait3A_283] : memref<4x!tpu.dma_semaphore, #tpu.memory_space<semaphore_mem>> -> memref<1x!tpu.dma_semaphore, #tpu.memory_space<semaphore_mem>>
      %dma_wait3A_289 = tpu.memref_squeeze %dma_wait3A_288 : memref<1x!tpu.dma_semaphore, #tpu.memory_space<semaphore_mem>> -> memref<!tpu.dma_semaphore, #tpu.memory_space<semaphore_mem>>
      %dma_wait3A_290 = arith.constant 0 : i32
      %dma_wait3A_291 = arith.constant 0 : i32
      %dma_wait3A_292 = tpu.memref_slice %arg3[%add3A, %dma_wait3A_282, %dma_wait3A_290, %dma_wait3A_291] : memref<32x80x2x128xi32, #tpu.memory_space<hbm>> -> memref<1x1x2x128xi32, #tpu.memory_space<hbm>>
      %dma_wait3A_293 = tpu.memref_squeeze %dma_wait3A_292 : memref<1x1x2x128xi32, #tpu.memory_space<hbm>> -> memref<2x128xi32, #tpu.memory_space<hbm>>
      tpu.wait_dma2 semaphore(%dma_wait3A_289 : memref<!tpu.dma_semaphore, #tpu.memory_space<semaphore_mem>>) src(%dma_wait3A_293 : memref<2x128xi32, #tpu.memory_space<hbm>>) dst(%arg9 : memref<2x128xi32, #tpu.memory_space<vmem>>)
      %dma_start3A_294 = arith.constant 0 : i32
      %dma_start3A_295 = arith.constant 1 : i32
      %dma_start3A_296 = arith.constant 0 : i32
      %dma_start3A_297 = tpu.memref_slice %arg9[%dma_start3A_294, %dma_start3A_296] : memref<2x128xi32, #tpu.memory_space<vmem>> -> memref<1x128xi32, #tpu.memory_space<vmem>>
      %dma_start3A_298 = tpu.memref_squeeze %dma_start3A_297 : memref<1x128xi32, #tpu.memory_space<vmem>> -> memref<128xi32, #tpu.memory_space<vmem>>
      %dma_start3A_299 = arith.constant 0 : i32
      %dma_start3A_300 = arith.constant 0 : i32
      %dma_start3A_301 = tpu.memref_slice %arg2[%dma_start3A_299, %dma_start3A_300] : memref<10240x128xf32, #tpu.memory_space<hbm>> -> memref<10240x128xf32, #tpu.memory_space<hbm>>
      %dma_start3A_302 = tpu.memref_slice %arg13[%dma_start3A_295] : memref<2x!tpu.dma_semaphore, #tpu.memory_space<semaphore_mem>> -> memref<1x!tpu.dma_semaphore, #tpu.memory_space<semaphore_mem>>
      %dma_start3A_303 = tpu.memref_squeeze %dma_start3A_302 : memref<1x!tpu.dma_semaphore, #tpu.memory_space<semaphore_mem>> -> memref<!tpu.dma_semaphore, #tpu.memory_space<semaphore_mem>>
      tpu.enqueue_indirect_dma source(%dma_start3A_301 : memref<10240x128xf32, #tpu.memory_space<hbm>>) target(%arg11 : memref<128x128xf32, #tpu.memory_space<vmem>>) offsets(%dma_start3A_298 : memref<128xi32, #tpu.memory_space<vmem>>) semaphore(%dma_start3A_303 : memref<!tpu.dma_semaphore, #tpu.memory_space<semaphore_mem>>)
      %dma_wait3A_304 = arith.constant 0 : i32
      %dma_wait3A_305 = arith.constant 0 : i32
      %dma_wait3A_306 = arith.constant 0 : i32
      %dma_wait3A_307 = tpu.memref_slice %arg8[%dma_wait3A_304, %dma_wait3A_306] : memref<2x128xi32, #tpu.memory_space<vmem>> -> memref<1x128xi32, #tpu.memory_space<vmem>>
      %dma_wait3A_308 = tpu.memref_squeeze %dma_wait3A_307 : memref<1x128xi32, #tpu.memory_space<vmem>> -> memref<128xi32, #tpu.memory_space<vmem>>
      %dma_wait3A_309 = arith.constant 0 : i32
      %dma_wait3A_310 = arith.constant 0 : i32
      %dma_wait3A_311 = tpu.memref_slice %arg2[%dma_wait3A_309, %dma_wait3A_310] : memref<10240x128xf32, #tpu.memory_space<hbm>> -> memref<10240x128xf32, #tpu.memory_space<hbm>>
      %dma_wait3A_312 = tpu.memref_slice %arg13[%dma_wait3A_305] : memref<2x!tpu.dma_semaphore, #tpu.memory_space<semaphore_mem>> -> memref<1x!tpu.dma_semaphore, #tpu.memory_space<semaphore_mem>>
      %dma_wait3A_313 = tpu.memref_squeeze %dma_wait3A_312 : memref<1x!tpu.dma_semaphore, #tpu.memory_space<semaphore_mem>> -> memref<!tpu.dma_semaphore, #tpu.memory_space<semaphore_mem>>
      tpu.wait_indirect_dma semaphore(%dma_wait3A_313 : memref<!tpu.dma_semaphore, #tpu.memory_space<semaphore_mem>>) src(%dma_wait3A_311 : memref<10240x128xf32, #tpu.memory_space<hbm>>) dst(%arg10 : memref<128x128xf32, #tpu.memory_space<vmem>>)
      %dma_start3A_314 = arith.constant 1 : i32
      %dma_start3A_315 = arith.constant 0 : i32
      %dma_start3A_316 = arith.constant 0 : i32
      %dma_start3A_317 = tpu.memref_slice %arg8[%dma_start3A_314, %dma_start3A_316] : memref<2x128xi32, #tpu.memory_space<vmem>> -> memref<1x128xi32, #tpu.memory_space<vmem>>
      %dma_start3A_318 = tpu.memref_squeeze %dma_start3A_317 : memref<1x128xi32, #tpu.memory_space<vmem>> -> memref<128xi32, #tpu.memory_space<vmem>>
      %dma_start3A_319 = arith.constant 0 : i32
      %dma_start3A_320 = arith.constant 0 : i32
      %dma_start3A_321 = tpu.memref_slice %arg16[%dma_start3A_319, %dma_start3A_320] : memref<10240x128xf32, #tpu.memory_space<vmem_shared>> -> memref<10240x128xf32, #tpu.memory_space<vmem_shared>>
      %dma_start3A_322 = tpu.memref_slice %arg15[%dma_start3A_315] : memref<2x!tpu.dma_semaphore, #tpu.memory_space<semaphore_mem>> -> memref<1x!tpu.dma_semaphore, #tpu.memory_space<semaphore_mem>>
      %dma_start3A_323 = tpu.memref_squeeze %dma_start3A_322 : memref<1x!tpu.dma_semaphore, #tpu.memory_space<semaphore_mem>> -> memref<!tpu.dma_semaphore, #tpu.memory_space<semaphore_mem>>
      tpu.enqueue_indirect_dma source(%arg10 : memref<128x128xf32, #tpu.memory_space<vmem>>) target(%dma_start3A_321 : memref<10240x128xf32, #tpu.memory_space<vmem_shared>>) offsets(%dma_start3A_318 : memref<128xi32, #tpu.memory_space<vmem>>) semaphore(%dma_start3A_323 : memref<!tpu.dma_semaphore, #tpu.memory_space<semaphore_mem>>) {add = true}
      %mul3A_324 = arith.constant 4 : i32
      %mul3A_325 = arith.muli %mul3A_324, %add3A_111 : i32
      %add3A_326 = arith.constant 3 : i32
      %add3A_327 = arith.addi %mul3A_325, %add3A_326 : i32
      %dma_wait3A_328 = arith.constant 1 : i32
      %dma_wait3A_329 = arith.constant 0 : i32
      %dma_wait3A_330 = arith.constant 0 : i32
      %dma_wait3A_331 = tpu.memref_slice %arg8[%dma_wait3A_328, %dma_wait3A_330] : memref<2x128xi32, #tpu.memory_space<vmem>> -> memref<1x128xi32, #tpu.memory_space<vmem>>
      %dma_wait3A_332 = tpu.memref_squeeze %dma_wait3A_331 : memref<1x128xi32, #tpu.memory_space<vmem>> -> memref<128xi32, #tpu.memory_space<vmem>>
      %dma_wait3A_333 = arith.constant 0 : i32
      %dma_wait3A_334 = arith.constant 0 : i32
      %dma_wait3A_335 = tpu.memref_slice %arg16[%dma_wait3A_333, %dma_wait3A_334] : memref<10240x128xf32, #tpu.memory_space<vmem_shared>> -> memref<10240x128xf32, #tpu.memory_space<vmem_shared>>
      %dma_wait3A_336 = tpu.memref_slice %arg15[%dma_wait3A_329] : memref<2x!tpu.dma_semaphore, #tpu.memory_space<semaphore_mem>> -> memref<1x!tpu.dma_semaphore, #tpu.memory_space<semaphore_mem>>
      %dma_wait3A_337 = tpu.memref_squeeze %dma_wait3A_336 : memref<1x!tpu.dma_semaphore, #tpu.memory_space<semaphore_mem>> -> memref<!tpu.dma_semaphore, #tpu.memory_space<semaphore_mem>>
      tpu.wait_indirect_dma semaphore(%dma_wait3A_337 : memref<!tpu.dma_semaphore, #tpu.memory_space<semaphore_mem>>) src(%arg10 : memref<128x128xf32, #tpu.memory_space<vmem>>) dst(%dma_wait3A_335 : memref<10240x128xf32, #tpu.memory_space<vmem_shared>>)
      %add3A_338 = arith.constant 3 : i32
      %add3A_339 = arith.addi %add3A_327, %add3A_338 : i32
      %rem3A_340 = arith.constant 80 : i32
      %rem3A_341 = arith.remsi %add3A_339, %rem3A_340 : i32
      %dma_start3A_342 = arith.constant 2 : i32
      %dma_start3A_343 = arith.constant 0 : i32
      %dma_start3A_344 = arith.constant 0 : i32
      %dma_start3A_345 = tpu.memref_slice %arg3[%add3A, %rem3A_341, %dma_start3A_343, %dma_start3A_344] : memref<32x80x2x128xi32, #tpu.memory_space<hbm>> -> memref<1x1x2x128xi32, #tpu.memory_space<hbm>>
      %dma_start3A_346 = tpu.memref_squeeze %dma_start3A_345 : memref<1x1x2x128xi32, #tpu.memory_space<hbm>> -> memref<2x128xi32, #tpu.memory_space<hbm>>
      %dma_start3A_347 = tpu.memref_slice %arg14[%dma_start3A_342] : memref<4x!tpu.dma_semaphore, #tpu.memory_space<semaphore_mem>> -> memref<1x!tpu.dma_semaphore, #tpu.memory_space<semaphore_mem>>
      %dma_start3A_348 = tpu.memref_squeeze %dma_start3A_347 : memref<1x!tpu.dma_semaphore, #tpu.memory_space<semaphore_mem>> -> memref<!tpu.dma_semaphore, #tpu.memory_space<semaphore_mem>>
      %dma_start3A_349 = arith.constant 0 : i32
      %dma_start3A_350 = arith.constant 0 : i32
      %dma_start3A_351 = tpu.memref_slice %arg3[%add3A, %rem3A_341, %dma_start3A_349, %dma_start3A_350] : memref<32x80x2x128xi32, #tpu.memory_space<hbm>> -> memref<1x1x2x128xi32, #tpu.memory_space<hbm>>
      %dma_start3A_352 = tpu.memref_squeeze %dma_start3A_351 : memref<1x1x2x128xi32, #tpu.memory_space<hbm>> -> memref<2x128xi32, #tpu.memory_space<hbm>>
      tpu.enqueue_dma source(%dma_start3A_352 : memref<2x128xi32, #tpu.memory_space<hbm>>) target(%arg8 : memref<2x128xi32, #tpu.memory_space<vmem>>) target_semaphore(%dma_start3A_348 : memref<!tpu.dma_semaphore, #tpu.memory_space<semaphore_mem>>)
      %dma_wait3A_353 = arith.constant 0 : i32
      %dma_wait3A_354 = arith.constant 0 : i32
      %dma_wait3A_355 = arith.constant 0 : i32
      %dma_wait3A_356 = arith.constant 0 : i32
      %dma_wait3A_357 = tpu.memref_slice %arg3[%add3A, %dma_wait3A_353, %dma_wait3A_355, %dma_wait3A_356] : memref<32x80x2x128xi32, #tpu.memory_space<hbm>> -> memref<1x1x2x128xi32, #tpu.memory_space<hbm>>
      %dma_wait3A_358 = tpu.memref_squeeze %dma_wait3A_357 : memref<1x1x2x128xi32, #tpu.memory_space<hbm>> -> memref<2x128xi32, #tpu.memory_space<hbm>>
      %dma_wait3A_359 = tpu.memref_slice %arg14[%dma_wait3A_354] : memref<4x!tpu.dma_semaphore, #tpu.memory_space<semaphore_mem>> -> memref<1x!tpu.dma_semaphore, #tpu.memory_space<semaphore_mem>>
      %dma_wait3A_360 = tpu.memref_squeeze %dma_wait3A_359 : memref<1x!tpu.dma_semaphore, #tpu.memory_space<semaphore_mem>> -> memref<!tpu.dma_semaphore, #tpu.memory_space<semaphore_mem>>
      %dma_wait3A_361 = arith.constant 0 : i32
      %dma_wait3A_362 = arith.constant 0 : i32
      %dma_wait3A_363 = tpu.memref_slice %arg3[%add3A, %dma_wait3A_353, %dma_wait3A_361, %dma_wait3A_362] : memref<32x80x2x128xi32, #tpu.memory_space<hbm>> -> memref<1x1x2x128xi32, #tpu.memory_space<hbm>>
      %dma_wait3A_364 = tpu.memref_squeeze %dma_wait3A_363 : memref<1x1x2x128xi32, #tpu.memory_space<hbm>> -> memref<2x128xi32, #tpu.memory_space<hbm>>
      tpu.wait_dma2 semaphore(%dma_wait3A_360 : memref<!tpu.dma_semaphore, #tpu.memory_space<semaphore_mem>>) src(%dma_wait3A_364 : memref<2x128xi32, #tpu.memory_space<hbm>>) dst(%arg6 : memref<2x128xi32, #tpu.memory_space<vmem>>)
      %dma_start3A_365 = arith.constant 0 : i32
      %dma_start3A_366 = arith.constant 0 : i32
      %dma_start3A_367 = arith.constant 0 : i32
      %dma_start3A_368 = tpu.memref_slice %arg6[%dma_start3A_365, %dma_start3A_367] : memref<2x128xi32, #tpu.memory_space<vmem>> -> memref<1x128xi32, #tpu.memory_space<vmem>>
      %dma_start3A_369 = tpu.memref_squeeze %dma_start3A_368 : memref<1x128xi32, #tpu.memory_space<vmem>> -> memref<128xi32, #tpu.memory_space<vmem>>
      %dma_start3A_370 = arith.constant 0 : i32
      %dma_start3A_371 = arith.constant 0 : i32
      %dma_start3A_372 = tpu.memref_slice %arg2[%dma_start3A_370, %dma_start3A_371] : memref<10240x128xf32, #tpu.memory_space<hbm>> -> memref<10240x128xf32, #tpu.memory_space<hbm>>
      %dma_start3A_373 = tpu.memref_slice %arg13[%dma_start3A_366] : memref<2x!tpu.dma_semaphore, #tpu.memory_space<semaphore_mem>> -> memref<1x!tpu.dma_semaphore, #tpu.memory_space<semaphore_mem>>
      %dma_start3A_374 = tpu.memref_squeeze %dma_start3A_373 : memref<1x!tpu.dma_semaphore, #tpu.memory_space<semaphore_mem>> -> memref<!tpu.dma_semaphore, #tpu.memory_space<semaphore_mem>>
      tpu.enqueue_indirect_dma source(%dma_start3A_372 : memref<10240x128xf32, #tpu.memory_space<hbm>>) target(%arg10 : memref<128x128xf32, #tpu.memory_space<vmem>>) offsets(%dma_start3A_369 : memref<128xi32, #tpu.memory_space<vmem>>) semaphore(%dma_start3A_374 : memref<!tpu.dma_semaphore, #tpu.memory_space<semaphore_mem>>)
      %dma_wait3A_375 = arith.constant 0 : i32
      %dma_wait3A_376 = arith.constant 1 : i32
      %dma_wait3A_377 = arith.constant 0 : i32
      %dma_wait3A_378 = tpu.memref_slice %arg9[%dma_wait3A_375, %dma_wait3A_377] : memref<2x128xi32, #tpu.memory_space<vmem>> -> memref<1x128xi32, #tpu.memory_space<vmem>>
      %dma_wait3A_379 = tpu.memref_squeeze %dma_wait3A_378 : memref<1x128xi32, #tpu.memory_space<vmem>> -> memref<128xi32, #tpu.memory_space<vmem>>
      %dma_wait3A_380 = arith.constant 0 : i32
      %dma_wait3A_381 = arith.constant 0 : i32
      %dma_wait3A_382 = tpu.memref_slice %arg2[%dma_wait3A_380, %dma_wait3A_381] : memref<10240x128xf32, #tpu.memory_space<hbm>> -> memref<10240x128xf32, #tpu.memory_space<hbm>>
      %dma_wait3A_383 = tpu.memref_slice %arg13[%dma_wait3A_376] : memref<2x!tpu.dma_semaphore, #tpu.memory_space<semaphore_mem>> -> memref<1x!tpu.dma_semaphore, #tpu.memory_space<semaphore_mem>>
      %dma_wait3A_384 = tpu.memref_squeeze %dma_wait3A_383 : memref<1x!tpu.dma_semaphore, #tpu.memory_space<semaphore_mem>> -> memref<!tpu.dma_semaphore, #tpu.memory_space<semaphore_mem>>
      tpu.wait_indirect_dma semaphore(%dma_wait3A_384 : memref<!tpu.dma_semaphore, #tpu.memory_space<semaphore_mem>>) src(%dma_wait3A_382 : memref<10240x128xf32, #tpu.memory_space<hbm>>) dst(%arg11 : memref<128x128xf32, #tpu.memory_space<vmem>>)
      %dma_start3A_385 = arith.constant 1 : i32
      %dma_start3A_386 = arith.constant 1 : i32
      %dma_start3A_387 = arith.constant 0 : i32
      %dma_start3A_388 = tpu.memref_slice %arg9[%dma_start3A_385, %dma_start3A_387] : memref<2x128xi32, #tpu.memory_space<vmem>> -> memref<1x128xi32, #tpu.memory_space<vmem>>
      %dma_start3A_389 = tpu.memref_squeeze %dma_start3A_388 : memref<1x128xi32, #tpu.memory_space<vmem>> -> memref<128xi32, #tpu.memory_space<vmem>>
      %dma_start3A_390 = arith.constant 0 : i32
      %dma_start3A_391 = arith.constant 0 : i32
      %dma_start3A_392 = tpu.memref_slice %arg16[%dma_start3A_390, %dma_start3A_391] : memref<10240x128xf32, #tpu.memory_space<vmem_shared>> -> memref<10240x128xf32, #tpu.memory_space<vmem_shared>>
      %dma_start3A_393 = tpu.memref_slice %arg15[%dma_start3A_386] : memref<2x!tpu.dma_semaphore, #tpu.memory_space<semaphore_mem>> -> memref<1x!tpu.dma_semaphore, #tpu.memory_space<semaphore_mem>>
      %dma_start3A_394 = tpu.memref_squeeze %dma_start3A_393 : memref<1x!tpu.dma_semaphore, #tpu.memory_space<semaphore_mem>> -> memref<!tpu.dma_semaphore, #tpu.memory_space<semaphore_mem>>
      tpu.enqueue_indirect_dma source(%arg11 : memref<128x128xf32, #tpu.memory_space<vmem>>) target(%dma_start3A_392 : memref<10240x128xf32, #tpu.memory_space<vmem_shared>>) offsets(%dma_start3A_389 : memref<128xi32, #tpu.memory_space<vmem>>) semaphore(%dma_start3A_394 : memref<!tpu.dma_semaphore, #tpu.memory_space<semaphore_mem>>) {add = true}
    }
    %scan3A_57 = arith.constant 20 : i32
    %dma_wait3A = arith.constant 0 : i32
    %dma_wait3A_58 = arith.constant 1 : i32
    %dma_wait3A_59 = arith.constant 0 : i32
    %dma_wait3A_60 = arith.constant 0 : i32
    %dma_wait3A_61 = tpu.memref_slice %arg3[%add3A, %dma_wait3A, %dma_wait3A_59, %dma_wait3A_60] : memref<32x80x2x128xi32, #tpu.memory_space<hbm>> -> memref<1x1x2x128xi32, #tpu.memory_space<hbm>>
    %dma_wait3A_62 = tpu.memref_squeeze %dma_wait3A_61 : memref<1x1x2x128xi32, #tpu.memory_space<hbm>> -> memref<2x128xi32, #tpu.memory_space<hbm>>
    %dma_wait3A_63 = tpu.memref_slice %arg14[%dma_wait3A_58] : memref<4x!tpu.dma_semaphore, #tpu.memory_space<semaphore_mem>> -> memref<1x!tpu.dma_semaphore, #tpu.memory_space<semaphore_mem>>
    %dma_wait3A_64 = tpu.memref_squeeze %dma_wait3A_63 : memref<1x!tpu.dma_semaphore, #tpu.memory_space<semaphore_mem>> -> memref<!tpu.dma_semaphore, #tpu.memory_space<semaphore_mem>>
    %dma_wait3A_65 = arith.constant 0 : i32
    %dma_wait3A_66 = arith.constant 0 : i32
    %dma_wait3A_67 = tpu.memref_slice %arg3[%add3A, %dma_wait3A, %dma_wait3A_65, %dma_wait3A_66] : memref<32x80x2x128xi32, #tpu.memory_space<hbm>> -> memref<1x1x2x128xi32, #tpu.memory_space<hbm>>
    %dma_wait3A_68 = tpu.memref_squeeze %dma_wait3A_67 : memref<1x1x2x128xi32, #tpu.memory_space<hbm>> -> memref<2x128xi32, #tpu.memory_space<hbm>>
    tpu.wait_dma2 semaphore(%dma_wait3A_64 : memref<!tpu.dma_semaphore, #tpu.memory_space<semaphore_mem>>) src(%dma_wait3A_68 : memref<2x128xi32, #tpu.memory_space<hbm>>) dst(%arg7 : memref<2x128xi32, #tpu.memory_space<vmem>>)
    %dma_wait3A_69 = arith.constant 0 : i32
    %dma_wait3A_70 = arith.constant 2 : i32
    %dma_wait3A_71 = arith.constant 0 : i32
    %dma_wait3A_72 = arith.constant 0 : i32
    %dma_wait3A_73 = tpu.memref_slice %arg3[%add3A, %dma_wait3A_69, %dma_wait3A_71, %dma_wait3A_72] : memref<32x80x2x128xi32, #tpu.memory_space<hbm>> -> memref<1x1x2x128xi32, #tpu.memory_space<hbm>>
    %dma_wait3A_74 = tpu.memref_squeeze %dma_wait3A_73 : memref<1x1x2x128xi32, #tpu.memory_space<hbm>> -> memref<2x128xi32, #tpu.memory_space<hbm>>
    %dma_wait3A_75 = tpu.memref_slice %arg14[%dma_wait3A_70] : memref<4x!tpu.dma_semaphore, #tpu.memory_space<semaphore_mem>> -> memref<1x!tpu.dma_semaphore, #tpu.memory_space<semaphore_mem>>
    %dma_wait3A_76 = tpu.memref_squeeze %dma_wait3A_75 : memref<1x!tpu.dma_semaphore, #tpu.memory_space<semaphore_mem>> -> memref<!tpu.dma_semaphore, #tpu.memory_space<semaphore_mem>>
    %dma_wait3A_77 = arith.constant 0 : i32
    %dma_wait3A_78 = arith.constant 0 : i32
    %dma_wait3A_79 = tpu.memref_slice %arg3[%add3A, %dma_wait3A_69, %dma_wait3A_77, %dma_wait3A_78] : memref<32x80x2x128xi32, #tpu.memory_space<hbm>> -> memref<1x1x2x128xi32, #tpu.memory_space<hbm>>
    %dma_wait3A_80 = tpu.memref_squeeze %dma_wait3A_79 : memref<1x1x2x128xi32, #tpu.memory_space<hbm>> -> memref<2x128xi32, #tpu.memory_space<hbm>>
    tpu.wait_dma2 semaphore(%dma_wait3A_76 : memref<!tpu.dma_semaphore, #tpu.memory_space<semaphore_mem>>) src(%dma_wait3A_80 : memref<2x128xi32, #tpu.memory_space<hbm>>) dst(%arg8 : memref<2x128xi32, #tpu.memory_space<vmem>>)
    %dma_wait3A_81 = arith.constant 0 : i32
    %dma_wait3A_82 = arith.constant 0 : i32
    %dma_wait3A_83 = arith.constant 0 : i32
    %dma_wait3A_84 = tpu.memref_slice %arg6[%dma_wait3A_81, %dma_wait3A_83] : memref<2x128xi32, #tpu.memory_space<vmem>> -> memref<1x128xi32, #tpu.memory_space<vmem>>
    %dma_wait3A_85 = tpu.memref_squeeze %dma_wait3A_84 : memref<1x128xi32, #tpu.memory_space<vmem>> -> memref<128xi32, #tpu.memory_space<vmem>>
    %dma_wait3A_86 = arith.constant 0 : i32
    %dma_wait3A_87 = arith.constant 0 : i32
    %dma_wait3A_88 = tpu.memref_slice %arg2[%dma_wait3A_86, %dma_wait3A_87] : memref<10240x128xf32, #tpu.memory_space<hbm>> -> memref<10240x128xf32, #tpu.memory_space<hbm>>
    %dma_wait3A_89 = tpu.memref_slice %arg13[%dma_wait3A_82] : memref<2x!tpu.dma_semaphore, #tpu.memory_space<semaphore_mem>> -> memref<1x!tpu.dma_semaphore, #tpu.memory_space<semaphore_mem>>
    %dma_wait3A_90 = tpu.memref_squeeze %dma_wait3A_89 : memref<1x!tpu.dma_semaphore, #tpu.memory_space<semaphore_mem>> -> memref<!tpu.dma_semaphore, #tpu.memory_space<semaphore_mem>>
    tpu.wait_indirect_dma semaphore(%dma_wait3A_90 : memref<!tpu.dma_semaphore, #tpu.memory_space<semaphore_mem>>) src(%dma_wait3A_88 : memref<10240x128xf32, #tpu.memory_space<hbm>>) dst(%arg10 : memref<128x128xf32, #tpu.memory_space<vmem>>)
    %dma_wait3A_91 = arith.constant 1 : i32
    %dma_wait3A_92 = arith.constant 1 : i32
    %dma_wait3A_93 = arith.constant 0 : i32
    %dma_wait3A_94 = tpu.memref_slice %arg9[%dma_wait3A_91, %dma_wait3A_93] : memref<2x128xi32, #tpu.memory_space<vmem>> -> memref<1x128xi32, #tpu.memory_space<vmem>>
    %dma_wait3A_95 = tpu.memref_squeeze %dma_wait3A_94 : memref<1x128xi32, #tpu.memory_space<vmem>> -> memref<128xi32, #tpu.memory_space<vmem>>
    %dma_wait3A_96 = arith.constant 0 : i32
    %dma_wait3A_97 = arith.constant 0 : i32
    %dma_wait3A_98 = tpu.memref_slice %arg16[%dma_wait3A_96, %dma_wait3A_97] : memref<10240x128xf32, #tpu.memory_space<vmem_shared>> -> memref<10240x128xf32, #tpu.memory_space<vmem_shared>>
    %dma_wait3A_99 = tpu.memref_slice %arg15[%dma_wait3A_92] : memref<2x!tpu.dma_semaphore, #tpu.memory_space<semaphore_mem>> -> memref<1x!tpu.dma_semaphore, #tpu.memory_space<semaphore_mem>>
    %dma_wait3A_100 = tpu.memref_squeeze %dma_wait3A_99 : memref<1x!tpu.dma_semaphore, #tpu.memory_space<semaphore_mem>> -> memref<!tpu.dma_semaphore, #tpu.memory_space<semaphore_mem>>
    tpu.wait_indirect_dma semaphore(%dma_wait3A_100 : memref<!tpu.dma_semaphore, #tpu.memory_space<semaphore_mem>>) src(%arg11 : memref<128x128xf32, #tpu.memory_space<vmem>>) dst(%dma_wait3A_98 : memref<10240x128xf32, #tpu.memory_space<vmem_shared>>)
    %barrier3A_101 = arith.constant 0 : index
    tpu.barrier barrier_id(%barrier3A_101)
    %scan3A_102 = arith.constant 0 : i32
    %scan3A_103 = arith.constant 5 : i32
    %scan3A_104 = arith.addi %scan3A_102, %scan3A_103 : i32
    %scan3A_105 = arith.constant 1 : i32
    scf.for %scan3A_107 = %scan3A_102 to %scan3A_104 step %scan3A_105  : i32 {
      %mul3A_108 = arith.constant 1 : i32
      %mul3A_109 = arith.muli %scan3A_107, %mul3A_108 : i32
      %add3A_110 = arith.constant 0 : i32
      %add3A_111 = arith.addi %add3A_110, %mul3A_109 : i32
      "tpu.region"() ({
        %run_scoped3A_117 = tpu.sem_alloc : memref<!tpu.dma_semaphore, #tpu.memory_space<semaphore_mem>>
        %dma_start3A_118 = arith.constant 0 : i32
        %dma_start3A_119 = tpu.memref_slice %arg12[%add3A_111, %dma_start3A_118] : memref<5x128xi32, #tpu.memory_space<vmem>> -> memref<1x128xi32, #tpu.memory_space<vmem>>
        %dma_start3A_120 = tpu.memref_squeeze %dma_start3A_119 : memref<1x128xi32, #tpu.memory_space<vmem>> -> memref<128xi32, #tpu.memory_space<vmem>>
        %dma_start3A_121 = arith.constant 0 : i32
        %dma_start3A_122 = arith.constant 0 : i32
        %dma_start3A_123 = tpu.memref_slice %arg16[%dma_start3A_121, %dma_start3A_122] : memref<10240x128xf32, #tpu.memory_space<vmem_shared>> -> memref<10240x128xf32, #tpu.memory_space<vmem_shared>>
        tpu.enqueue_indirect_dma source(%dma_start3A_123 : memref<10240x128xf32, #tpu.memory_space<vmem_shared>>) target(%arg10 : memref<128x128xf32, #tpu.memory_space<vmem>>) offsets(%dma_start3A_120 : memref<128xi32, #tpu.memory_space<vmem>>) semaphore(%run_scoped3A_117 : memref<!tpu.dma_semaphore, #tpu.memory_space<semaphore_mem>>)
        %dma_wait3A_124 = arith.constant 0 : i32
        %dma_wait3A_125 = tpu.memref_slice %arg12[%add3A_111, %dma_wait3A_124] : memref<5x128xi32, #tpu.memory_space<vmem>> -> memref<1x128xi32, #tpu.memory_space<vmem>>
        %dma_wait3A_126 = tpu.memref_squeeze %dma_wait3A_125 : memref<1x128xi32, #tpu.memory_space<vmem>> -> memref<128xi32, #tpu.memory_space<vmem>>
        %dma_wait3A_127 = arith.constant 0 : i32
        %dma_wait3A_128 = arith.constant 0 : i32
        %dma_wait3A_129 = tpu.memref_slice %arg16[%dma_wait3A_127, %dma_wait3A_128] : memref<10240x128xf32, #tpu.memory_space<vmem_shared>> -> memref<10240x128xf32, #tpu.memory_space<vmem_shared>>
        tpu.wait_indirect_dma semaphore(%run_scoped3A_117 : memref<!tpu.dma_semaphore, #tpu.memory_space<semaphore_mem>>) src(%dma_wait3A_129 : memref<10240x128xf32, #tpu.memory_space<vmem_shared>>) dst(%arg10 : memref<128x128xf32, #tpu.memory_space<vmem>>)
        tpu.yield
      }) : () -> ()
      %mul3A_112 = arith.constant 640 : i32
      %mul3A_113 = arith.muli %arg1, %mul3A_112 : i32
      %mul3A_114 = arith.constant 128 : i32
      %mul3A_115 = arith.muli %add3A_111, %mul3A_114 : i32
      %add3A_116 = arith.addi %mul3A_113, %mul3A_115 : i32
      "tpu.region"() ({
        %run_scoped3A_117 = tpu.sem_alloc : memref<!tpu.dma_semaphore, #tpu.memory_space<semaphore_mem>>
        %dma_start3A_118 = arith.constant 0 : i32
        %dma_start3A_119 = tpu.memref_slice %arg5[%arg0, %add3A_116, %dma_start3A_118] : memref<2x10240x128xf32, #tpu.memory_space<hbm>> -> memref<1x128x128xf32, #tpu.memory_space<hbm>>
        %dma_start3A_120 = tpu.memref_squeeze %dma_start3A_119 : memref<1x128x128xf32, #tpu.memory_space<hbm>> -> memref<128x128xf32, #tpu.memory_space<hbm>>
        %dma_start3A_121 = arith.constant 0 : i32
        %dma_start3A_122 = tpu.memref_slice %arg5[%arg0, %add3A_116, %dma_start3A_121] : memref<2x10240x128xf32, #tpu.memory_space<hbm>> -> memref<1x128x128xf32, #tpu.memory_space<hbm>>
        %dma_start3A_123 = tpu.memref_squeeze %dma_start3A_122 : memref<1x128x128xf32, #tpu.memory_space<hbm>> -> memref<128x128xf32, #tpu.memory_space<hbm>>
        tpu.enqueue_dma source(%arg10 : memref<128x128xf32, #tpu.memory_space<vmem>>) target(%dma_start3A_123 : memref<128x128xf32, #tpu.memory_space<hbm>>) target_semaphore(%run_scoped3A_117 : memref<!tpu.dma_semaphore, #tpu.memory_space<semaphore_mem>>)
        %dma_wait3A_124 = arith.constant 0 : i32
        %dma_wait3A_125 = tpu.memref_slice %arg5[%arg0, %add3A_116, %dma_wait3A_124] : memref<2x10240x128xf32, #tpu.memory_space<hbm>> -> memref<1x128x128xf32, #tpu.memory_space<hbm>>
        %dma_wait3A_126 = tpu.memref_squeeze %dma_wait3A_125 : memref<1x128x128xf32, #tpu.memory_space<hbm>> -> memref<128x128xf32, #tpu.memory_space<hbm>>
        %dma_wait3A_127 = arith.constant 0 : i32
        %dma_wait3A_128 = tpu.memref_slice %arg5[%arg0, %add3A_116, %dma_wait3A_127] : memref<2x10240x128xf32, #tpu.memory_space<hbm>> -> memref<1x128x128xf32, #tpu.memory_space<hbm>>
        %dma_wait3A_129 = tpu.memref_squeeze %dma_wait3A_128 : memref<1x128x128xf32, #tpu.memory_space<hbm>> -> memref<128x128xf32, #tpu.memory_space<hbm>>
        tpu.wait_dma2 semaphore(%run_scoped3A_117 : memref<!tpu.dma_semaphore, #tpu.memory_space<semaphore_mem>>) src(%arg10 : memref<128x128xf32, #tpu.memory_space<vmem>>) dst(%dma_wait3A_129 : memref<128x128xf32, #tpu.memory_space<hbm>>)
        tpu.yield
      }) : () -> ()
    }
    %scan3A_106 = arith.constant 5 : i32
    return
  }
}

#map = affine_map<(d0, d1) -> (0, 0, 0)>
module attributes {stable_mosaic.version = 14 : i64} {
  func.func @_deg_body(%arg0: i32, %arg1: i32, %arg2: memref<32x80x128xi32, #tpu.memory_space<hbm>>, %arg3: memref<16x5x128xi32, #tpu.memory_space<hbm>>, %arg4: memref<2x10240x16xf32, #tpu.memory_space<hbm>>, %arg5: memref<80x128xi32, #tpu.memory_space<vmem>>, %arg6: memref<128x16xf32, #tpu.memory_space<vmem>>, %arg7: memref<128x16xf32, #tpu.memory_space<vmem>>, %arg8: memref<5x128xi32, #tpu.memory_space<vmem>>, %arg9: memref<!tpu.dma_semaphore, #tpu.memory_space<semaphore_mem>>, %arg10: memref<10240x16xf32, #tpu.memory_space<vmem_shared>>) attributes {dimension_semantics = [#tpu.dimension_semantics<core_parallel>, #tpu.dimension_semantics<subcore_parallel>], iteration_bounds = array<i64: 2, 16>, scalar_prefetch = 0 : i64, scratch_operands = 6 : i64, tpu.core_type = #tpu.core_type<sc_vector_subcore>, window_params = [{transform_indices = #map}, {transform_indices = #map}, {transform_indices = #map}]} {
    %mul3A = arith.constant 16 : i32
    %mul3A_0 = arith.muli %arg0, %mul3A : i32
    %add3A = arith.addi %mul3A_0, %arg1 : i32
    "tpu.region"() ({
      %run_scoped3A = tpu.sem_alloc : memref<!tpu.dma_semaphore, #tpu.memory_space<semaphore_mem>>
      %dma_start3A = arith.constant 0 : i32
      %dma_start3A_21 = arith.constant 0 : i32
      %dma_start3A_22 = tpu.memref_slice %arg2[%add3A, %dma_start3A, %dma_start3A_21] : memref<32x80x128xi32, #tpu.memory_space<hbm>> -> memref<1x80x128xi32, #tpu.memory_space<hbm>>
      %dma_start3A_23 = tpu.memref_squeeze %dma_start3A_22 : memref<1x80x128xi32, #tpu.memory_space<hbm>> -> memref<80x128xi32, #tpu.memory_space<hbm>>
      %dma_start3A_24 = arith.constant 0 : i32
      %dma_start3A_25 = arith.constant 0 : i32
      %dma_start3A_26 = tpu.memref_slice %arg2[%add3A, %dma_start3A_24, %dma_start3A_25] : memref<32x80x128xi32, #tpu.memory_space<hbm>> -> memref<1x80x128xi32, #tpu.memory_space<hbm>>
      %dma_start3A_27 = tpu.memref_squeeze %dma_start3A_26 : memref<1x80x128xi32, #tpu.memory_space<hbm>> -> memref<80x128xi32, #tpu.memory_space<hbm>>
      tpu.enqueue_dma source(%dma_start3A_27 : memref<80x128xi32, #tpu.memory_space<hbm>>) target(%arg5 : memref<80x128xi32, #tpu.memory_space<vmem>>) target_semaphore(%run_scoped3A : memref<!tpu.dma_semaphore, #tpu.memory_space<semaphore_mem>>)
      %dma_wait3A = arith.constant 0 : i32
      %dma_wait3A_28 = arith.constant 0 : i32
      %dma_wait3A_29 = tpu.memref_slice %arg2[%add3A, %dma_wait3A, %dma_wait3A_28] : memref<32x80x128xi32, #tpu.memory_space<hbm>> -> memref<1x80x128xi32, #tpu.memory_space<hbm>>
      %dma_wait3A_30 = tpu.memref_squeeze %dma_wait3A_29 : memref<1x80x128xi32, #tpu.memory_space<hbm>> -> memref<80x128xi32, #tpu.memory_space<hbm>>
      %dma_wait3A_31 = arith.constant 0 : i32
      %dma_wait3A_32 = arith.constant 0 : i32
      %dma_wait3A_33 = tpu.memref_slice %arg2[%add3A, %dma_wait3A_31, %dma_wait3A_32] : memref<32x80x128xi32, #tpu.memory_space<hbm>> -> memref<1x80x128xi32, #tpu.memory_space<hbm>>
      %dma_wait3A_34 = tpu.memref_squeeze %dma_wait3A_33 : memref<1x80x128xi32, #tpu.memory_space<hbm>> -> memref<80x128xi32, #tpu.memory_space<hbm>>
      tpu.wait_dma2 semaphore(%run_scoped3A : memref<!tpu.dma_semaphore, #tpu.memory_space<semaphore_mem>>) src(%dma_wait3A_34 : memref<80x128xi32, #tpu.memory_space<hbm>>) dst(%arg5 : memref<80x128xi32, #tpu.memory_space<vmem>>)
      tpu.yield
    }) : () -> ()
    "tpu.region"() ({
      %run_scoped3A = tpu.sem_alloc : memref<!tpu.dma_semaphore, #tpu.memory_space<semaphore_mem>>
      %dma_start3A = arith.constant 0 : i32
      %dma_start3A_21 = arith.constant 0 : i32
      %dma_start3A_22 = tpu.memref_slice %arg3[%arg1, %dma_start3A, %dma_start3A_21] : memref<16x5x128xi32, #tpu.memory_space<hbm>> -> memref<1x5x128xi32, #tpu.memory_space<hbm>>
      %dma_start3A_23 = tpu.memref_squeeze %dma_start3A_22 : memref<1x5x128xi32, #tpu.memory_space<hbm>> -> memref<5x128xi32, #tpu.memory_space<hbm>>
      %dma_start3A_24 = arith.constant 0 : i32
      %dma_start3A_25 = arith.constant 0 : i32
      %dma_start3A_26 = tpu.memref_slice %arg3[%arg1, %dma_start3A_24, %dma_start3A_25] : memref<16x5x128xi32, #tpu.memory_space<hbm>> -> memref<1x5x128xi32, #tpu.memory_space<hbm>>
      %dma_start3A_27 = tpu.memref_squeeze %dma_start3A_26 : memref<1x5x128xi32, #tpu.memory_space<hbm>> -> memref<5x128xi32, #tpu.memory_space<hbm>>
      tpu.enqueue_dma source(%dma_start3A_27 : memref<5x128xi32, #tpu.memory_space<hbm>>) target(%arg8 : memref<5x128xi32, #tpu.memory_space<vmem>>) target_semaphore(%run_scoped3A : memref<!tpu.dma_semaphore, #tpu.memory_space<semaphore_mem>>)
      %dma_wait3A = arith.constant 0 : i32
      %dma_wait3A_28 = arith.constant 0 : i32
      %dma_wait3A_29 = tpu.memref_slice %arg3[%arg1, %dma_wait3A, %dma_wait3A_28] : memref<16x5x128xi32, #tpu.memory_space<hbm>> -> memref<1x5x128xi32, #tpu.memory_space<hbm>>
      %dma_wait3A_30 = tpu.memref_squeeze %dma_wait3A_29 : memref<1x5x128xi32, #tpu.memory_space<hbm>> -> memref<5x128xi32, #tpu.memory_space<hbm>>
      %dma_wait3A_31 = arith.constant 0 : i32
      %dma_wait3A_32 = arith.constant 0 : i32
      %dma_wait3A_33 = tpu.memref_slice %arg3[%arg1, %dma_wait3A_31, %dma_wait3A_32] : memref<16x5x128xi32, #tpu.memory_space<hbm>> -> memref<1x5x128xi32, #tpu.memory_space<hbm>>
      %dma_wait3A_34 = tpu.memref_squeeze %dma_wait3A_33 : memref<1x5x128xi32, #tpu.memory_space<hbm>> -> memref<5x128xi32, #tpu.memory_space<hbm>>
      tpu.wait_dma2 semaphore(%run_scoped3A : memref<!tpu.dma_semaphore, #tpu.memory_space<semaphore_mem>>) src(%dma_wait3A_34 : memref<5x128xi32, #tpu.memory_space<hbm>>) dst(%arg8 : memref<5x128xi32, #tpu.memory_space<vmem>>)
      tpu.yield
    }) : () -> ()
    %scan3A = arith.constant 0 : i32
    %scan3A_1 = arith.constant 128 : i32
    %scan3A_2 = arith.addi %scan3A, %scan3A_1 : i32
    %scan3A_3 = arith.constant 1 : i32
    scf.for %scan3A_21 = %scan3A to %scan3A_2 step %scan3A_3  : i32 {
      %mul3A_22 = arith.constant 1 : i32
      %mul3A_23 = arith.muli %scan3A_21, %mul3A_22 : i32
      %add3A_24 = arith.constant 0 : i32
      %add3A_25 = arith.addi %add3A_24, %mul3A_23 : i32
      %broadcast_in_dim3A = arith.constant 1.000000e+00 : f32
      %broadcast_in_dim3A_26 = vector.broadcast %broadcast_in_dim3A : f32 to vector<16xf32>
      %swap3A = arith.index_cast %add3A_25 : i32 to index
      %swap3A_27 = arith.constant 0 : index
      %swap3A_28 = tpu.vector_load %arg6[%swap3A, %swap3A_27] {strides = array<i32>} : memref<128x16xf32, #tpu.memory_space<vmem>>, vector<1x16xf32>,
      %swap3A_29 = vector.shape_cast %swap3A_28 : vector<1x16xf32> to vector<16xf32>
      %swap3A_30 = vector.shape_cast %broadcast_in_dim3A_26 : vector<16xf32> to vector<1x16xf32>
      tpu.vector_store %arg6[%swap3A, %swap3A_27], %swap3A_30 {strides = array<i32>} : memref<128x16xf32, #tpu.memory_space<vmem>>, vector<1x16xf32>,
      %broadcast_in_dim3A_31 = arith.constant 0.000000e+00 : f32
      %broadcast_in_dim3A_32 = vector.broadcast %broadcast_in_dim3A_31 : f32 to vector<16xf32>
      %swap3A_33 = arith.index_cast %add3A_25 : i32 to index
      %swap3A_34 = arith.constant 0 : index
      %swap3A_35 = tpu.vector_load %arg7[%swap3A_33, %swap3A_34] {strides = array<i32>} : memref<128x16xf32, #tpu.memory_space<vmem>>, vector<1x16xf32>,
      %swap3A_36 = vector.shape_cast %swap3A_35 : vector<1x16xf32> to vector<16xf32>
      %swap3A_37 = vector.shape_cast %broadcast_in_dim3A_32 : vector<16xf32> to vector<1x16xf32>
      tpu.vector_store %arg7[%swap3A_33, %swap3A_34], %swap3A_37 {strides = array<i32>} : memref<128x16xf32, #tpu.memory_space<vmem>>, vector<1x16xf32>,
    }
    %scan3A_4 = arith.constant 128 : i32
    %scan3A_5 = arith.constant 0 : i32
    %scan3A_6 = arith.constant 5 : i32
    %scan3A_7 = arith.addi %scan3A_5, %scan3A_6 : i32
    %scan3A_8 = arith.constant 1 : i32
    scf.for %scan3A_21 = %scan3A_5 to %scan3A_7 step %scan3A_8  : i32 {
      %mul3A_22 = arith.constant 1 : i32
      %mul3A_23 = arith.muli %scan3A_21, %mul3A_22 : i32
      %add3A_24 = arith.constant 0 : i32
      %add3A_25 = arith.addi %add3A_24, %mul3A_23 : i32
      "tpu.region"() ({
        %run_scoped3A = tpu.sem_alloc : memref<!tpu.dma_semaphore, #tpu.memory_space<semaphore_mem>>
        %dma_start3A = arith.constant 0 : i32
        %dma_start3A_26 = tpu.memref_slice %arg8[%add3A_25, %dma_start3A] : memref<5x128xi32, #tpu.memory_space<vmem>> -> memref<1x128xi32, #tpu.memory_space<vmem>>
        %dma_start3A_27 = tpu.memref_squeeze %dma_start3A_26 : memref<1x128xi32, #tpu.memory_space<vmem>> -> memref<128xi32, #tpu.memory_space<vmem>>
        %dma_start3A_28 = arith.constant 0 : i32
        %dma_start3A_29 = arith.constant 0 : i32
        %dma_start3A_30 = tpu.memref_slice %arg10[%dma_start3A_28, %dma_start3A_29] : memref<10240x16xf32, #tpu.memory_space<vmem_shared>> -> memref<10240x16xf32, #tpu.memory_space<vmem_shared>>
        tpu.enqueue_indirect_dma source(%arg7 : memref<128x16xf32, #tpu.memory_space<vmem>>) target(%dma_start3A_30 : memref<10240x16xf32, #tpu.memory_space<vmem_shared>>) offsets(%dma_start3A_27 : memref<128xi32, #tpu.memory_space<vmem>>) semaphore(%run_scoped3A : memref<!tpu.dma_semaphore, #tpu.memory_space<semaphore_mem>>)
        %dma_wait3A = arith.constant 0 : i32
        %dma_wait3A_31 = tpu.memref_slice %arg8[%add3A_25, %dma_wait3A] : memref<5x128xi32, #tpu.memory_space<vmem>> -> memref<1x128xi32, #tpu.memory_space<vmem>>
        %dma_wait3A_32 = tpu.memref_squeeze %dma_wait3A_31 : memref<1x128xi32, #tpu.memory_space<vmem>> -> memref<128xi32, #tpu.memory_space<vmem>>
        %dma_wait3A_33 = arith.constant 0 : i32
        %dma_wait3A_34 = arith.constant 0 : i32
        %dma_wait3A_35 = tpu.memref_slice %arg10[%dma_wait3A_33, %dma_wait3A_34] : memref<10240x16xf32, #tpu.memory_space<vmem_shared>> -> memref<10240x16xf32, #tpu.memory_space<vmem_shared>>
        tpu.wait_indirect_dma semaphore(%run_scoped3A : memref<!tpu.dma_semaphore, #tpu.memory_space<semaphore_mem>>) src(%arg7 : memref<128x16xf32, #tpu.memory_space<vmem>>) dst(%dma_wait3A_35 : memref<10240x16xf32, #tpu.memory_space<vmem_shared>>)
        tpu.yield
      }) : () -> ()
    }
    %scan3A_9 = arith.constant 5 : i32
    %barrier3A = arith.constant 0 : index
    tpu.barrier barrier_id(%barrier3A)
    %scan3A_10 = arith.constant 0 : i32
    %scan3A_11 = arith.constant 80 : i32
    %scan3A_12 = arith.addi %scan3A_10, %scan3A_11 : i32
    %scan3A_13 = arith.constant 1 : i32
    scf.for %scan3A_21 = %scan3A_10 to %scan3A_12 step %scan3A_13  : i32 {
      %mul3A_22 = arith.constant 1 : i32
      %mul3A_23 = arith.muli %scan3A_21, %mul3A_22 : i32
      %add3A_24 = arith.constant 0 : i32
      %add3A_25 = arith.addi %add3A_24, %mul3A_23 : i32
      "tpu.region"() ({
        %run_scoped3A = tpu.sem_alloc : memref<!tpu.dma_semaphore, #tpu.memory_space<semaphore_mem>>
        %dma_start3A = arith.constant 0 : i32
        %dma_start3A_26 = tpu.memref_slice %arg5[%add3A_25, %dma_start3A] : memref<80x128xi32, #tpu.memory_space<vmem>> -> memref<1x128xi32, #tpu.memory_space<vmem>>
        %dma_start3A_27 = tpu.memref_squeeze %dma_start3A_26 : memref<1x128xi32, #tpu.memory_space<vmem>> -> memref<128xi32, #tpu.memory_space<vmem>>
        %dma_start3A_28 = arith.constant 0 : i32
        %dma_start3A_29 = arith.constant 0 : i32
        %dma_start3A_30 = tpu.memref_slice %arg10[%dma_start3A_28, %dma_start3A_29] : memref<10240x16xf32, #tpu.memory_space<vmem_shared>> -> memref<10240x16xf32, #tpu.memory_space<vmem_shared>>
        tpu.enqueue_indirect_dma source(%arg6 : memref<128x16xf32, #tpu.memory_space<vmem>>) target(%dma_start3A_30 : memref<10240x16xf32, #tpu.memory_space<vmem_shared>>) offsets(%dma_start3A_27 : memref<128xi32, #tpu.memory_space<vmem>>) semaphore(%run_scoped3A : memref<!tpu.dma_semaphore, #tpu.memory_space<semaphore_mem>>) {add = true}
        %dma_wait3A = arith.constant 0 : i32
        %dma_wait3A_31 = tpu.memref_slice %arg5[%add3A_25, %dma_wait3A] : memref<80x128xi32, #tpu.memory_space<vmem>> -> memref<1x128xi32, #tpu.memory_space<vmem>>
        %dma_wait3A_32 = tpu.memref_squeeze %dma_wait3A_31 : memref<1x128xi32, #tpu.memory_space<vmem>> -> memref<128xi32, #tpu.memory_space<vmem>>
        %dma_wait3A_33 = arith.constant 0 : i32
        %dma_wait3A_34 = arith.constant 0 : i32
        %dma_wait3A_35 = tpu.memref_slice %arg10[%dma_wait3A_33, %dma_wait3A_34] : memref<10240x16xf32, #tpu.memory_space<vmem_shared>> -> memref<10240x16xf32, #tpu.memory_space<vmem_shared>>
        tpu.wait_indirect_dma semaphore(%run_scoped3A : memref<!tpu.dma_semaphore, #tpu.memory_space<semaphore_mem>>) src(%arg6 : memref<128x16xf32, #tpu.memory_space<vmem>>) dst(%dma_wait3A_35 : memref<10240x16xf32, #tpu.memory_space<vmem_shared>>)
        tpu.yield
      }) : () -> ()
    }
    %scan3A_14 = arith.constant 80 : i32
    %barrier3A_15 = arith.constant 0 : index
    tpu.barrier barrier_id(%barrier3A_15)
    %scan3A_16 = arith.constant 0 : i32
    %scan3A_17 = arith.constant 5 : i32
    %scan3A_18 = arith.addi %scan3A_16, %scan3A_17 : i32
    %scan3A_19 = arith.constant 1 : i32
    scf.for %scan3A_21 = %scan3A_16 to %scan3A_18 step %scan3A_19  : i32 {
      %mul3A_22 = arith.constant 1 : i32
      %mul3A_23 = arith.muli %scan3A_21, %mul3A_22 : i32
      %add3A_24 = arith.constant 0 : i32
      %add3A_25 = arith.addi %add3A_24, %mul3A_23 : i32
      "tpu.region"() ({
        %run_scoped3A = tpu.sem_alloc : memref<!tpu.dma_semaphore, #tpu.memory_space<semaphore_mem>>
        %dma_start3A = arith.constant 0 : i32
        %dma_start3A_31 = tpu.memref_slice %arg8[%add3A_25, %dma_start3A] : memref<5x128xi32, #tpu.memory_space<vmem>> -> memref<1x128xi32, #tpu.memory_space<vmem>>
        %dma_start3A_32 = tpu.memref_squeeze %dma_start3A_31 : memref<1x128xi32, #tpu.memory_space<vmem>> -> memref<128xi32, #tpu.memory_space<vmem>>
        %dma_start3A_33 = arith.constant 0 : i32
        %dma_start3A_34 = arith.constant 0 : i32
        %dma_start3A_35 = tpu.memref_slice %arg10[%dma_start3A_33, %dma_start3A_34] : memref<10240x16xf32, #tpu.memory_space<vmem_shared>> -> memref<10240x16xf32, #tpu.memory_space<vmem_shared>>
        tpu.enqueue_indirect_dma source(%dma_start3A_35 : memref<10240x16xf32, #tpu.memory_space<vmem_shared>>) target(%arg7 : memref<128x16xf32, #tpu.memory_space<vmem>>) offsets(%dma_start3A_32 : memref<128xi32, #tpu.memory_space<vmem>>) semaphore(%run_scoped3A : memref<!tpu.dma_semaphore, #tpu.memory_space<semaphore_mem>>)
        %dma_wait3A = arith.constant 0 : i32
        %dma_wait3A_36 = tpu.memref_slice %arg8[%add3A_25, %dma_wait3A] : memref<5x128xi32, #tpu.memory_space<vmem>> -> memref<1x128xi32, #tpu.memory_space<vmem>>
        %dma_wait3A_37 = tpu.memref_squeeze %dma_wait3A_36 : memref<1x128xi32, #tpu.memory_space<vmem>> -> memref<128xi32, #tpu.memory_space<vmem>>
        %dma_wait3A_38 = arith.constant 0 : i32
        %dma_wait3A_39 = arith.constant 0 : i32
        %dma_wait3A_40 = tpu.memref_slice %arg10[%dma_wait3A_38, %dma_wait3A_39] : memref<10240x16xf32, #tpu.memory_space<vmem_shared>> -> memref<10240x16xf32, #tpu.memory_space<vmem_shared>>
        tpu.wait_indirect_dma semaphore(%run_scoped3A : memref<!tpu.dma_semaphore, #tpu.memory_space<semaphore_mem>>) src(%dma_wait3A_40 : memref<10240x16xf32, #tpu.memory_space<vmem_shared>>) dst(%arg7 : memref<128x16xf32, #tpu.memory_space<vmem>>)
        tpu.yield
      }) : () -> ()
      %mul3A_26 = arith.constant 640 : i32
      %mul3A_27 = arith.muli %arg1, %mul3A_26 : i32
      %mul3A_28 = arith.constant 128 : i32
      %mul3A_29 = arith.muli %add3A_25, %mul3A_28 : i32
      %add3A_30 = arith.addi %mul3A_27, %mul3A_29 : i32
      "tpu.region"() ({
        %run_scoped3A = tpu.sem_alloc : memref<!tpu.dma_semaphore, #tpu.memory_space<semaphore_mem>>
        %dma_start3A = arith.constant 0 : i32
        %dma_start3A_31 = tpu.memref_slice %arg4[%arg0, %add3A_30, %dma_start3A] : memref<2x10240x16xf32, #tpu.memory_space<hbm>> -> memref<1x128x16xf32, #tpu.memory_space<hbm>>
        %dma_start3A_32 = tpu.memref_squeeze %dma_start3A_31 : memref<1x128x16xf32, #tpu.memory_space<hbm>> -> memref<128x16xf32, #tpu.memory_space<hbm>>
        %dma_start3A_33 = arith.constant 0 : i32
        %dma_start3A_34 = tpu.memref_slice %arg4[%arg0, %add3A_30, %dma_start3A_33] : memref<2x10240x16xf32, #tpu.memory_space<hbm>> -> memref<1x128x16xf32, #tpu.memory_space<hbm>>
        %dma_start3A_35 = tpu.memref_squeeze %dma_start3A_34 : memref<1x128x16xf32, #tpu.memory_space<hbm>> -> memref<128x16xf32, #tpu.memory_space<hbm>>
        tpu.enqueue_dma source(%arg7 : memref<128x16xf32, #tpu.memory_space<vmem>>) target(%dma_start3A_35 : memref<128x16xf32, #tpu.memory_space<hbm>>) target_semaphore(%run_scoped3A : memref<!tpu.dma_semaphore, #tpu.memory_space<semaphore_mem>>)
        %dma_wait3A = arith.constant 0 : i32
        %dma_wait3A_36 = tpu.memref_slice %arg4[%arg0, %add3A_30, %dma_wait3A] : memref<2x10240x16xf32, #tpu.memory_space<hbm>> -> memref<1x128x16xf32, #tpu.memory_space<hbm>>
        %dma_wait3A_37 = tpu.memref_squeeze %dma_wait3A_36 : memref<1x128x16xf32, #tpu.memory_space<hbm>> -> memref<128x16xf32, #tpu.memory_space<hbm>>
        %dma_wait3A_38 = arith.constant 0 : i32
        %dma_wait3A_39 = tpu.memref_slice %arg4[%arg0, %add3A_30, %dma_wait3A_38] : memref<2x10240x16xf32, #tpu.memory_space<hbm>> -> memref<1x128x16xf32, #tpu.memory_space<hbm>>
        %dma_wait3A_40 = tpu.memref_squeeze %dma_wait3A_39 : memref<1x128x16xf32, #tpu.memory_space<hbm>> -> memref<128x16xf32, #tpu.memory_space<hbm>>
        tpu.wait_dma2 semaphore(%run_scoped3A : memref<!tpu.dma_semaphore, #tpu.memory_space<semaphore_mem>>) src(%arg7 : memref<128x16xf32, #tpu.memory_space<vmem>>) dst(%dma_wait3A_40 : memref<128x16xf32, #tpu.memory_space<hbm>>)
        tpu.yield
      }) : () -> ()
    }
    %scan3A_20 = arith.constant 5 : i32
    return
  }
}

#map = affine_map<(d0, d1) -> (0, 0)>
#map1 = affine_map<(d0, d1) -> (0, 0, 0, 0)>
#map2 = affine_map<(d0, d1) -> (0, 0, 0)>
module attributes {stable_mosaic.version = 14 : i64} {
  func.func @_hop_body(%arg0: i32, %arg1: i32, %arg2: memref<10240x128xf32, #tpu.memory_space<hbm>>, %arg3: memref<32x80x2x128xi32, #tpu.memory_space<hbm>>, %arg4: memref<16x5x128xi32, #tpu.memory_space<hbm>>, %arg5: memref<2x10240x128xf32, #tpu.memory_space<hbm>>, %arg6: memref<2x128xi32, #tpu.memory_space<vmem>>, %arg7: memref<2x128xi32, #tpu.memory_space<vmem>>, %arg8: memref<2x128xi32, #tpu.memory_space<vmem>>, %arg9: memref<2x128xi32, #tpu.memory_space<vmem>>, %arg10: memref<128x128xf32, #tpu.memory_space<vmem>>, %arg11: memref<128x128xf32, #tpu.memory_space<vmem>>, %arg12: memref<5x128xi32, #tpu.memory_space<vmem>>, %arg13: memref<2x!tpu.dma_semaphore, #tpu.memory_space<semaphore_mem>>, %arg14: memref<4x!tpu.dma_semaphore, #tpu.memory_space<semaphore_mem>>, %arg15: memref<2x!tpu.dma_semaphore, #tpu.memory_space<semaphore_mem>>, %arg16: memref<10240x128xf32, #tpu.memory_space<vmem_shared>>) attributes {dimension_semantics = [#tpu.dimension_semantics<core_parallel>, #tpu.dimension_semantics<subcore_parallel>], iteration_bounds = array<i64: 2, 16>, scalar_prefetch = 0 : i64, scratch_operands = 11 : i64, tpu.core_type = #tpu.core_type<sc_vector_subcore>, window_params = [{transform_indices = #map}, {transform_indices = #map1}, {transform_indices = #map2}, {transform_indices = #map2}]} {
    %mul3A = arith.constant 16 : i32
    %mul3A_0 = arith.muli %arg0, %mul3A : i32
    %add3A = arith.addi %mul3A_0, %arg1 : i32
    "tpu.region"() ({
      %run_scoped3A_107 = tpu.sem_alloc : memref<!tpu.dma_semaphore, #tpu.memory_space<semaphore_mem>>
      %dma_start3A_108 = arith.constant 0 : i32
      %dma_start3A_109 = arith.constant 0 : i32
      %dma_start3A_110 = tpu.memref_slice %arg4[%arg1, %dma_start3A_108, %dma_start3A_109] : memref<16x5x128xi32, #tpu.memory_space<hbm>> -> memref<1x5x128xi32, #tpu.memory_space<hbm>>
      %dma_start3A_111 = tpu.memref_squeeze %dma_start3A_110 : memref<1x5x128xi32, #tpu.memory_space<hbm>> -> memref<5x128xi32, #tpu.memory_space<hbm>>
      %dma_start3A_112 = arith.constant 0 : i32
      %dma_start3A_113 = arith.constant 0 : i32
      %dma_start3A_114 = tpu.memref_slice %arg4[%arg1, %dma_start3A_112, %dma_start3A_113] : memref<16x5x128xi32, #tpu.memory_space<hbm>> -> memref<1x5x128xi32, #tpu.memory_space<hbm>>
      %dma_start3A_115 = tpu.memref_squeeze %dma_start3A_114 : memref<1x5x128xi32, #tpu.memory_space<hbm>> -> memref<5x128xi32, #tpu.memory_space<hbm>>
      tpu.enqueue_dma source(%dma_start3A_115 : memref<5x128xi32, #tpu.memory_space<hbm>>) target(%arg12 : memref<5x128xi32, #tpu.memory_space<vmem>>) target_semaphore(%run_scoped3A_107 : memref<!tpu.dma_semaphore, #tpu.memory_space<semaphore_mem>>)
      %dma_wait3A_116 = arith.constant 0 : i32
      %dma_wait3A_117 = arith.constant 0 : i32
      %dma_wait3A_118 = tpu.memref_slice %arg4[%arg1, %dma_wait3A_116, %dma_wait3A_117] : memref<16x5x128xi32, #tpu.memory_space<hbm>> -> memref<1x5x128xi32, #tpu.memory_space<hbm>>
      %dma_wait3A_119 = tpu.memref_squeeze %dma_wait3A_118 : memref<1x5x128xi32, #tpu.memory_space<hbm>> -> memref<5x128xi32, #tpu.memory_space<hbm>>
      %dma_wait3A_120 = arith.constant 0 : i32
      %dma_wait3A_121 = arith.constant 0 : i32
      %dma_wait3A_122 = tpu.memref_slice %arg4[%arg1, %dma_wait3A_120, %dma_wait3A_121] : memref<16x5x128xi32, #tpu.memory_space<hbm>> -> memref<1x5x128xi32, #tpu.memory_space<hbm>>
      %dma_wait3A_123 = tpu.memref_squeeze %dma_wait3A_122 : memref<1x5x128xi32, #tpu.memory_space<hbm>> -> memref<5x128xi32, #tpu.memory_space<hbm>>
      tpu.wait_dma2 semaphore(%run_scoped3A_107 : memref<!tpu.dma_semaphore, #tpu.memory_space<semaphore_mem>>) src(%dma_wait3A_123 : memref<5x128xi32, #tpu.memory_space<hbm>>) dst(%arg12 : memref<5x128xi32, #tpu.memory_space<vmem>>)
      tpu.yield
    }) : () -> ()
    %scan3A = arith.constant 0 : i32
    %scan3A_1 = arith.constant 128 : i32
    %scan3A_2 = arith.addi %scan3A, %scan3A_1 : i32
    %scan3A_3 = arith.constant 1 : i32
    scf.for %scan3A_107 = %scan3A to %scan3A_2 step %scan3A_3  : i32 {
      %mul3A_108 = arith.constant 1 : i32
      %mul3A_109 = arith.muli %scan3A_107, %mul3A_108 : i32
      %add3A_110 = arith.constant 0 : i32
      %add3A_111 = arith.addi %add3A_110, %mul3A_109 : i32
      %scan3A_112 = arith.constant 0 : i32
      %scan3A_113 = arith.constant 8 : i32
      %scan3A_114 = arith.addi %scan3A_112, %scan3A_113 : i32
      %scan3A_115 = arith.constant 1 : i32
      scf.for %scan3A_117 = %scan3A_112 to %scan3A_114 step %scan3A_115  : i32 {
        %mul3A_118 = arith.constant 16 : i32
        %mul3A_119 = arith.muli %scan3A_117, %mul3A_118 : i32
        %add3A_120 = arith.constant 0 : i32
        %add3A_121 = arith.addi %add3A_120, %mul3A_119 : i32
        %broadcast_in_dim3A = arith.constant 0.000000e+00 : f32
        %broadcast_in_dim3A_122 = vector.broadcast %broadcast_in_dim3A : f32 to vector<16xf32>
        %swap3A = arith.index_cast %add3A_111 : i32 to index
        %swap3A_123 = arith.index_cast %add3A_121 : i32 to index
        %swap3A_124 = tpu.vector_load %arg10[%swap3A, %swap3A_123] {strides = array<i32>} : memref<128x128xf32, #tpu.memory_space<vmem>>, vector<1x16xf32>,
        %swap3A_125 = vector.shape_cast %swap3A_124 : vector<1x16xf32> to vector<16xf32>
        %swap3A_126 = vector.shape_cast %broadcast_in_dim3A_122 : vector<16xf32> to vector<1x16xf32>
        tpu.vector_store %arg10[%swap3A, %swap3A_123], %swap3A_126 {strides = array<i32>} : memref<128x128xf32, #tpu.memory_space<vmem>>, vector<1x16xf32>,
        %broadcast_in_dim3A_127 = arith.constant 0.000000e+00 : f32
        %broadcast_in_dim3A_128 = vector.broadcast %broadcast_in_dim3A_127 : f32 to vector<16xf32>
        %swap3A_129 = arith.index_cast %add3A_111 : i32 to index
        %swap3A_130 = arith.index_cast %add3A_121 : i32 to index
        %swap3A_131 = tpu.vector_load %arg11[%swap3A_129, %swap3A_130] {strides = array<i32>} : memref<128x128xf32, #tpu.memory_space<vmem>>, vector<1x16xf32>,
        %swap3A_132 = vector.shape_cast %swap3A_131 : vector<1x16xf32> to vector<16xf32>
        %swap3A_133 = vector.shape_cast %broadcast_in_dim3A_128 : vector<16xf32> to vector<1x16xf32>
        tpu.vector_store %arg11[%swap3A_129, %swap3A_130], %swap3A_133 {strides = array<i32>} : memref<128x128xf32, #tpu.memory_space<vmem>>, vector<1x16xf32>,
      }
      %scan3A_116 = arith.constant 8 : i32
    }
    %scan3A_4 = arith.constant 128 : i32
    %scan3A_5 = arith.constant 0 : i32
    %scan3A_6 = arith.constant 5 : i32
    %scan3A_7 = arith.addi %scan3A_5, %scan3A_6 : i32
    %scan3A_8 = arith.constant 1 : i32
    scf.for %scan3A_107 = %scan3A_5 to %scan3A_7 step %scan3A_8  : i32 {
      %mul3A_108 = arith.constant 1 : i32
      %mul3A_109 = arith.muli %scan3A_107, %mul3A_108 : i32
      %add3A_110 = arith.constant 0 : i32
      %add3A_111 = arith.addi %add3A_110, %mul3A_109 : i32
      "tpu.region"() ({
        %run_scoped3A_112 = tpu.sem_alloc : memref<!tpu.dma_semaphore, #tpu.memory_space<semaphore_mem>>
        %dma_start3A_113 = arith.constant 0 : i32
        %dma_start3A_114 = tpu.memref_slice %arg12[%add3A_111, %dma_start3A_113] : memref<5x128xi32, #tpu.memory_space<vmem>> -> memref<1x128xi32, #tpu.memory_space<vmem>>
        %dma_start3A_115 = tpu.memref_squeeze %dma_start3A_114 : memref<1x128xi32, #tpu.memory_space<vmem>> -> memref<128xi32, #tpu.memory_space<vmem>>
        %dma_start3A_116 = arith.constant 0 : i32
        %dma_start3A_117 = arith.constant 0 : i32
        %dma_start3A_118 = tpu.memref_slice %arg16[%dma_start3A_116, %dma_start3A_117] : memref<10240x128xf32, #tpu.memory_space<vmem_shared>> -> memref<10240x128xf32, #tpu.memory_space<vmem_shared>>
        tpu.enqueue_indirect_dma source(%arg10 : memref<128x128xf32, #tpu.memory_space<vmem>>) target(%dma_start3A_118 : memref<10240x128xf32, #tpu.memory_space<vmem_shared>>) offsets(%dma_start3A_115 : memref<128xi32, #tpu.memory_space<vmem>>) semaphore(%run_scoped3A_112 : memref<!tpu.dma_semaphore, #tpu.memory_space<semaphore_mem>>)
        %dma_wait3A_119 = arith.constant 0 : i32
        %dma_wait3A_120 = tpu.memref_slice %arg12[%add3A_111, %dma_wait3A_119] : memref<5x128xi32, #tpu.memory_space<vmem>> -> memref<1x128xi32, #tpu.memory_space<vmem>>
        %dma_wait3A_121 = tpu.memref_squeeze %dma_wait3A_120 : memref<1x128xi32, #tpu.memory_space<vmem>> -> memref<128xi32, #tpu.memory_space<vmem>>
        %dma_wait3A_122 = arith.constant 0 : i32
        %dma_wait3A_123 = arith.constant 0 : i32
        %dma_wait3A_124 = tpu.memref_slice %arg16[%dma_wait3A_122, %dma_wait3A_123] : memref<10240x128xf32, #tpu.memory_space<vmem_shared>> -> memref<10240x128xf32, #tpu.memory_space<vmem_shared>>
        tpu.wait_indirect_dma semaphore(%run_scoped3A_112 : memref<!tpu.dma_semaphore, #tpu.memory_space<semaphore_mem>>) src(%arg10 : memref<128x128xf32, #tpu.memory_space<vmem>>) dst(%dma_wait3A_124 : memref<10240x128xf32, #tpu.memory_space<vmem_shared>>)
        tpu.yield
      }) : () -> ()
    }
    %scan3A_9 = arith.constant 5 : i32
    %barrier3A = arith.constant 0 : index
    tpu.barrier barrier_id(%barrier3A)
    %run_scoped3A = arith.constant 0 : i32
    "tpu.region"() ({
      %run_scoped3A_107 = tpu.sem_alloc : memref<!tpu.dma_semaphore, #tpu.memory_space<semaphore_mem>>
      %dma_start3A_108 = arith.constant 0 : i32
      %dma_start3A_109 = arith.constant 0 : i32
      %dma_start3A_110 = tpu.memref_slice %arg3[%add3A, %run_scoped3A, %dma_start3A_108, %dma_start3A_109] : memref<32x80x2x128xi32, #tpu.memory_space<hbm>> -> memref<1x1x2x128xi32, #tpu.memory_space<hbm>>
      %dma_start3A_111 = tpu.memref_squeeze %dma_start3A_110 : memref<1x1x2x128xi32, #tpu.memory_space<hbm>> -> memref<2x128xi32, #tpu.memory_space<hbm>>
      %dma_start3A_112 = arith.constant 0 : i32
      %dma_start3A_113 = arith.constant 0 : i32
      %dma_start3A_114 = tpu.memref_slice %arg3[%add3A, %run_scoped3A, %dma_start3A_112, %dma_start3A_113] : memref<32x80x2x128xi32, #tpu.memory_space<hbm>> -> memref<1x1x2x128xi32, #tpu.memory_space<hbm>>
      %dma_start3A_115 = tpu.memref_squeeze %dma_start3A_114 : memref<1x1x2x128xi32, #tpu.memory_space<hbm>> -> memref<2x128xi32, #tpu.memory_space<hbm>>
      tpu.enqueue_dma source(%dma_start3A_115 : memref<2x128xi32, #tpu.memory_space<hbm>>) target(%arg6 : memref<2x128xi32, #tpu.memory_space<vmem>>) target_semaphore(%run_scoped3A_107 : memref<!tpu.dma_semaphore, #tpu.memory_space<semaphore_mem>>)
      %dma_wait3A_116 = arith.constant 0 : i32
      %dma_wait3A_117 = arith.constant 0 : i32
      %dma_wait3A_118 = tpu.memref_slice %arg3[%add3A, %run_scoped3A, %dma_wait3A_116, %dma_wait3A_117] : memref<32x80x2x128xi32, #tpu.memory_space<hbm>> -> memref<1x1x2x128xi32, #tpu.memory_space<hbm>>
      %dma_wait3A_119 = tpu.memref_squeeze %dma_wait3A_118 : memref<1x1x2x128xi32, #tpu.memory_space<hbm>> -> memref<2x128xi32, #tpu.memory_space<hbm>>
      %dma_wait3A_120 = arith.constant 0 : i32
      %dma_wait3A_121 = arith.constant 0 : i32
      %dma_wait3A_122 = tpu.memref_slice %arg3[%add3A, %run_scoped3A, %dma_wait3A_120, %dma_wait3A_121] : memref<32x80x2x128xi32, #tpu.memory_space<hbm>> -> memref<1x1x2x128xi32, #tpu.memory_space<hbm>>
      %dma_wait3A_123 = tpu.memref_squeeze %dma_wait3A_122 : memref<1x1x2x128xi32, #tpu.memory_space<hbm>> -> memref<2x128xi32, #tpu.memory_space<hbm>>
      tpu.wait_dma2 semaphore(%run_scoped3A_107 : memref<!tpu.dma_semaphore, #tpu.memory_space<semaphore_mem>>) src(%dma_wait3A_123 : memref<2x128xi32, #tpu.memory_space<hbm>>) dst(%arg6 : memref<2x128xi32, #tpu.memory_space<vmem>>)
      tpu.yield
    }) : () -> ()
    %dma_start3A = arith.constant 1 : i32
    %dma_start3A_10 = arith.constant 1 : i32
    %dma_start3A_11 = arith.constant 0 : i32
    %dma_start3A_12 = arith.constant 0 : i32
    %dma_start3A_13 = tpu.memref_slice %arg3[%add3A, %dma_start3A, %dma_start3A_11, %dma_start3A_12] : memref<32x80x2x128xi32, #tpu.memory_space<hbm>> -> memref<1x1x2x128xi32, #tpu.memory_space<hbm>>
    %dma_start3A_14 = tpu.memref_squeeze %dma_start3A_13 : memref<1x1x2x128xi32, #tpu.memory_space<hbm>> -> memref<2x128xi32, #tpu.memory_space<hbm>>
    %dma_start3A_15 = tpu.memref_slice %arg14[%dma_start3A_10] : memref<4x!tpu.dma_semaphore, #tpu.memory_space<semaphore_mem>> -> memref<1x!tpu.dma_semaphore, #tpu.memory_space<semaphore_mem>>
    %dma_start3A_16 = tpu.memref_squeeze %dma_start3A_15 : memref<1x!tpu.dma_semaphore, #tpu.memory_space<semaphore_mem>> -> memref<!tpu.dma_semaphore, #tpu.memory_space<semaphore_mem>>
    %dma_start3A_17 = arith.constant 0 : i32
    %dma_start3A_18 = arith.constant 0 : i32
    %dma_start3A_19 = tpu.memref_slice %arg3[%add3A, %dma_start3A, %dma_start3A_17, %dma_start3A_18] : memref<32x80x2x128xi32, #tpu.memory_space<hbm>> -> memref<1x1x2x128xi32, #tpu.memory_space<hbm>>
    %dma_start3A_20 = tpu.memref_squeeze %dma_start3A_19 : memref<1x1x2x128xi32, #tpu.memory_space<hbm>> -> memref<2x128xi32, #tpu.memory_space<hbm>>
    tpu.enqueue_dma source(%dma_start3A_20 : memref<2x128xi32, #tpu.memory_space<hbm>>) target(%arg7 : memref<2x128xi32, #tpu.memory_space<vmem>>) target_semaphore(%dma_start3A_16 : memref<!tpu.dma_semaphore, #tpu.memory_space<semaphore_mem>>)
    %dma_start3A_21 = arith.constant 2 : i32
    %dma_start3A_22 = arith.constant 2 : i32
    %dma_start3A_23 = arith.constant 0 : i32
    %dma_start3A_24 = arith.constant 0 : i32
    %dma_start3A_25 = tpu.memref_slice %arg3[%add3A, %dma_start3A_21, %dma_start3A_23, %dma_start3A_24] : memref<32x80x2x128xi32, #tpu.memory_space<hbm>> -> memref<1x1x2x128xi32, #tpu.memory_space<hbm>>
    %dma_start3A_26 = tpu.memref_squeeze %dma_start3A_25 : memref<1x1x2x128xi32, #tpu.memory_space<hbm>> -> memref<2x128xi32, #tpu.memory_space<hbm>>
    %dma_start3A_27 = tpu.memref_slice %arg14[%dma_start3A_22] : memref<4x!tpu.dma_semaphore, #tpu.memory_space<semaphore_mem>> -> memref<1x!tpu.dma_semaphore, #tpu.memory_space<semaphore_mem>>
    %dma_start3A_28 = tpu.memref_squeeze %dma_start3A_27 : memref<1x!tpu.dma_semaphore, #tpu.memory_space<semaphore_mem>> -> memref<!tpu.dma_semaphore, #tpu.memory_space<semaphore_mem>>
    %dma_start3A_29 = arith.constant 0 : i32
    %dma_start3A_30 = arith.constant 0 : i32
    %dma_start3A_31 = tpu.memref_slice %arg3[%add3A, %dma_start3A_21, %dma_start3A_29, %dma_start3A_30] : memref<32x80x2x128xi32, #tpu.memory_space<hbm>> -> memref<1x1x2x128xi32, #tpu.memory_space<hbm>>
    %dma_start3A_32 = tpu.memref_squeeze %dma_start3A_31 : memref<1x1x2x128xi32, #tpu.memory_space<hbm>> -> memref<2x128xi32, #tpu.memory_space<hbm>>
    tpu.enqueue_dma source(%dma_start3A_32 : memref<2x128xi32, #tpu.memory_space<hbm>>) target(%arg8 : memref<2x128xi32, #tpu.memory_space<vmem>>) target_semaphore(%dma_start3A_28 : memref<!tpu.dma_semaphore, #tpu.memory_space<semaphore_mem>>)
    %dma_start3A_33 = arith.constant 0 : i32
    %dma_start3A_34 = arith.constant 0 : i32
    %dma_start3A_35 = arith.constant 0 : i32
    %dma_start3A_36 = tpu.memref_slice %arg6[%dma_start3A_33, %dma_start3A_35] : memref<2x128xi32, #tpu.memory_space<vmem>> -> memref<1x128xi32, #tpu.memory_space<vmem>>
    %dma_start3A_37 = tpu.memref_squeeze %dma_start3A_36 : memref<1x128xi32, #tpu.memory_space<vmem>> -> memref<128xi32, #tpu.memory_space<vmem>>
    %dma_start3A_38 = arith.constant 0 : i32
    %dma_start3A_39 = arith.constant 0 : i32
    %dma_start3A_40 = tpu.memref_slice %arg2[%dma_start3A_38, %dma_start3A_39] : memref<10240x128xf32, #tpu.memory_space<hbm>> -> memref<10240x128xf32, #tpu.memory_space<hbm>>
    %dma_start3A_41 = tpu.memref_slice %arg13[%dma_start3A_34] : memref<2x!tpu.dma_semaphore, #tpu.memory_space<semaphore_mem>> -> memref<1x!tpu.dma_semaphore, #tpu.memory_space<semaphore_mem>>
    %dma_start3A_42 = tpu.memref_squeeze %dma_start3A_41 : memref<1x!tpu.dma_semaphore, #tpu.memory_space<semaphore_mem>> -> memref<!tpu.dma_semaphore, #tpu.memory_space<semaphore_mem>>
    tpu.enqueue_indirect_dma source(%dma_start3A_40 : memref<10240x128xf32, #tpu.memory_space<hbm>>) target(%arg10 : memref<128x128xf32, #tpu.memory_space<vmem>>) offsets(%dma_start3A_37 : memref<128xi32, #tpu.memory_space<vmem>>) semaphore(%dma_start3A_42 : memref<!tpu.dma_semaphore, #tpu.memory_space<semaphore_mem>>)
    %dma_start3A_43 = arith.constant 0 : i32
    %dma_start3A_44 = arith.constant 1 : i32
    %dma_start3A_45 = arith.constant 0 : i32
    %dma_start3A_46 = tpu.memref_slice %arg12[%dma_start3A_43, %dma_start3A_45] : memref<5x128xi32, #tpu.memory_space<vmem>> -> memref<1x128xi32, #tpu.memory_space<vmem>>
    %dma_start3A_47 = tpu.memref_squeeze %dma_start3A_46 : memref<1x128xi32, #tpu.memory_space<vmem>> -> memref<128xi32, #tpu.memory_space<vmem>>
    %dma_start3A_48 = arith.constant 0 : i32
    %dma_start3A_49 = arith.constant 0 : i32
    %dma_start3A_50 = tpu.memref_slice %arg16[%dma_start3A_48, %dma_start3A_49] : memref<10240x128xf32, #tpu.memory_space<vmem_shared>> -> memref<10240x128xf32, #tpu.memory_space<vmem_shared>>
    %dma_start3A_51 = tpu.memref_slice %arg15[%dma_start3A_44] : memref<2x!tpu.dma_semaphore, #tpu.memory_space<semaphore_mem>> -> memref<1x!tpu.dma_semaphore, #tpu.memory_space<semaphore_mem>>
    %dma_start3A_52 = tpu.memref_squeeze %dma_start3A_51 : memref<1x!tpu.dma_semaphore, #tpu.memory_space<semaphore_mem>> -> memref<!tpu.dma_semaphore, #tpu.memory_space<semaphore_mem>>
    tpu.enqueue_indirect_dma source(%arg11 : memref<128x128xf32, #tpu.memory_space<vmem>>) target(%dma_start3A_50 : memref<10240x128xf32, #tpu.memory_space<vmem_shared>>) offsets(%dma_start3A_47 : memref<128xi32, #tpu.memory_space<vmem>>) semaphore(%dma_start3A_52 : memref<!tpu.dma_semaphore, #tpu.memory_space<semaphore_mem>>) {add = true}
    %scan3A_53 = arith.constant 0 : i32
    %scan3A_54 = arith.constant 20 : i32
    %scan3A_55 = arith.addi %scan3A_53, %scan3A_54 : i32
    %scan3A_56 = arith.constant 1 : i32
    scf.for %scan3A_107 = %scan3A_53 to %scan3A_55 step %scan3A_56  : i32 {
      %mul3A_108 = arith.constant 1 : i32
      %mul3A_109 = arith.muli %scan3A_107, %mul3A_108 : i32
      %add3A_110 = arith.constant 0 : i32
      %add3A_111 = arith.addi %add3A_110, %mul3A_109 : i32
      %mul3A_112 = arith.constant 4 : i32
      %mul3A_113 = arith.muli %mul3A_112, %add3A_111 : i32
      %add3A_114 = arith.constant 0 : i32
      %add3A_115 = arith.addi %mul3A_113, %add3A_114 : i32
      %dma_wait3A_116 = arith.constant 1 : i32
      %dma_wait3A_117 = arith.constant 1 : i32
      %dma_wait3A_118 = arith.constant 0 : i32
      %dma_wait3A_119 = tpu.memref_slice %arg9[%dma_wait3A_116, %dma_wait3A_118] : memref<2x128xi32, #tpu.memory_space<vmem>> -> memref<1x128xi32, #tpu.memory_space<vmem>>
      %dma_wait3A_120 = tpu.memref_squeeze %dma_wait3A_119 : memref<1x128xi32, #tpu.memory_space<vmem>> -> memref<128xi32, #tpu.memory_space<vmem>>
      %dma_wait3A_121 = arith.constant 0 : i32
      %dma_wait3A_122 = arith.constant 0 : i32
      %dma_wait3A_123 = tpu.memref_slice %arg16[%dma_wait3A_121, %dma_wait3A_122] : memref<10240x128xf32, #tpu.memory_space<vmem_shared>> -> memref<10240x128xf32, #tpu.memory_space<vmem_shared>>
      %dma_wait3A_124 = tpu.memref_slice %arg15[%dma_wait3A_117] : memref<2x!tpu.dma_semaphore, #tpu.memory_space<semaphore_mem>> -> memref<1x!tpu.dma_semaphore, #tpu.memory_space<semaphore_mem>>
      %dma_wait3A_125 = tpu.memref_squeeze %dma_wait3A_124 : memref<1x!tpu.dma_semaphore, #tpu.memory_space<semaphore_mem>> -> memref<!tpu.dma_semaphore, #tpu.memory_space<semaphore_mem>>
      tpu.wait_indirect_dma semaphore(%dma_wait3A_125 : memref<!tpu.dma_semaphore, #tpu.memory_space<semaphore_mem>>) src(%arg11 : memref<128x128xf32, #tpu.memory_space<vmem>>) dst(%dma_wait3A_123 : memref<10240x128xf32, #tpu.memory_space<vmem_shared>>)
      %add3A_126 = arith.constant 3 : i32
      %add3A_127 = arith.addi %add3A_115, %add3A_126 : i32
      %rem3A = arith.constant 80 : i32
      %rem3A_128 = arith.remsi %add3A_127, %rem3A : i32
      %dma_start3A_129 = arith.constant 3 : i32
      %dma_start3A_130 = arith.constant 0 : i32
      %dma_start3A_131 = arith.constant 0 : i32
      %dma_start3A_132 = tpu.memref_slice %arg3[%add3A, %rem3A_128, %dma_start3A_130, %dma_start3A_131] : memref<32x80x2x128xi32, #tpu.memory_space<hbm>> -> memref<1x1x2x128xi32, #tpu.memory_space<hbm>>
      %dma_start3A_133 = tpu.memref_squeeze %dma_start3A_132 : memref<1x1x2x128xi32, #tpu.memory_space<hbm>> -> memref<2x128xi32, #tpu.memory_space<hbm>>
      %dma_start3A_134 = tpu.memref_slice %arg14[%dma_start3A_129] : memref<4x!tpu.dma_semaphore, #tpu.memory_space<semaphore_mem>> -> memref<1x!tpu.dma_semaphore, #tpu.memory_space<semaphore_mem>>
      %dma_start3A_135 = tpu.memref_squeeze %dma_start3A_134 : memref<1x!tpu.dma_semaphore, #tpu.memory_space<semaphore_mem>> -> memref<!tpu.dma_semaphore, #tpu.memory_space<semaphore_mem>>
      %dma_start3A_136 = arith.constant 0 : i32
      %dma_start3A_137 = arith.constant 0 : i32
      %dma_start3A_138 = tpu.memref_slice %arg3[%add3A, %rem3A_128, %dma_start3A_136, %dma_start3A_137] : memref<32x80x2x128xi32, #tpu.memory_space<hbm>> -> memref<1x1x2x128xi32, #tpu.memory_space<hbm>>
      %dma_start3A_139 = tpu.memref_squeeze %dma_start3A_138 : memref<1x1x2x128xi32, #tpu.memory_space<hbm>> -> memref<2x128xi32, #tpu.memory_space<hbm>>
      tpu.enqueue_dma source(%dma_start3A_139 : memref<2x128xi32, #tpu.memory_space<hbm>>) target(%arg9 : memref<2x128xi32, #tpu.memory_space<vmem>>) target_semaphore(%dma_start3A_135 : memref<!tpu.dma_semaphore, #tpu.memory_space<semaphore_mem>>)
      %dma_wait3A_140 = arith.constant 0 : i32
      %dma_wait3A_141 = arith.constant 1 : i32
      %dma_wait3A_142 = arith.constant 0 : i32
      %dma_wait3A_143 = arith.constant 0 : i32
      %dma_wait3A_144 = tpu.memref_slice %arg3[%add3A, %dma_wait3A_140, %dma_wait3A_142, %dma_wait3A_143] : memref<32x80x2x128xi32, #tpu.memory_space<hbm>> -> memref<1x1x2x128xi32, #tpu.memory_space<hbm>>
      %dma_wait3A_145 = tpu.memref_squeeze %dma_wait3A_144 : memref<1x1x2x128xi32, #tpu.memory_space<hbm>> -> memref<2x128xi32, #tpu.memory_space<hbm>>
      %dma_wait3A_146 = tpu.memref_slice %arg14[%dma_wait3A_141] : memref<4x!tpu.dma_semaphore, #tpu.memory_space<semaphore_mem>> -> memref<1x!tpu.dma_semaphore, #tpu.memory_space<semaphore_mem>>
      %dma_wait3A_147 = tpu.memref_squeeze %dma_wait3A_146 : memref<1x!tpu.dma_semaphore, #tpu.memory_space<semaphore_mem>> -> memref<!tpu.dma_semaphore, #tpu.memory_space<semaphore_mem>>
      %dma_wait3A_148 = arith.constant 0 : i32
      %dma_wait3A_149 = arith.constant 0 : i32
      %dma_wait3A_150 = tpu.memref_slice %arg3[%add3A, %dma_wait3A_140, %dma_wait3A_148, %dma_wait3A_149] : memref<32x80x2x128xi32, #tpu.memory_space<hbm>> -> memref<1x1x2x128xi32, #tpu.memory_space<hbm>>
      %dma_wait3A_151 = tpu.memref_squeeze %dma_wait3A_150 : memref<1x1x2x128xi32, #tpu.memory_space<hbm>> -> memref<2x128xi32, #tpu.memory_space<hbm>>
      tpu.wait_dma2 semaphore(%dma_wait3A_147 : memref<!tpu.dma_semaphore, #tpu.memory_space<semaphore_mem>>) src(%dma_wait3A_151 : memref<2x128xi32, #tpu.memory_space<hbm>>) dst(%arg7 : memref<2x128xi32, #tpu.memory_space<vmem>>)
      %dma_start3A_152 = arith.constant 0 : i32
      %dma_start3A_153 = arith.constant 1 : i32
      %dma_start3A_154 = arith.constant 0 : i32
      %dma_start3A_155 = tpu.memref_slice %arg7[%dma_start3A_152, %dma_start3A_154] : memref<2x128xi32, #tpu.memory_space<vmem>> -> memref<1x128xi32, #tpu.memory_space<vmem>>
      %dma_start3A_156 = tpu.memref_squeeze %dma_start3A_155 : memref<1x128xi32, #tpu.memory_space<vmem>> -> memref<128xi32, #tpu.memory_space<vmem>>
      %dma_start3A_157 = arith.constant 0 : i32
      %dma_start3A_158 = arith.constant 0 : i32
      %dma_start3A_159 = tpu.memref_slice %arg2[%dma_start3A_157, %dma_start3A_158] : memref<10240x128xf32, #tpu.memory_space<hbm>> -> memref<10240x128xf32, #tpu.memory_space<hbm>>
      %dma_start3A_160 = tpu.memref_slice %arg13[%dma_start3A_153] : memref<2x!tpu.dma_semaphore, #tpu.memory_space<semaphore_mem>> -> memref<1x!tpu.dma_semaphore, #tpu.memory_space<semaphore_mem>>
      %dma_start3A_161 = tpu.memref_squeeze %dma_start3A_160 : memref<1x!tpu.dma_semaphore, #tpu.memory_space<semaphore_mem>> -> memref<!tpu.dma_semaphore, #tpu.memory_space<semaphore_mem>>
      tpu.enqueue_indirect_dma source(%dma_start3A_159 : memref<10240x128xf32, #tpu.memory_space<hbm>>) target(%arg11 : memref<128x128xf32, #tpu.memory_space<vmem>>) offsets(%dma_start3A_156 : memref<128xi32, #tpu.memory_space<vmem>>) semaphore(%dma_start3A_161 : memref<!tpu.dma_semaphore, #tpu.memory_space<semaphore_mem>>)
      %dma_wait3A_162 = arith.constant 0 : i32
      %dma_wait3A_163 = arith.constant 0 : i32
      %dma_wait3A_164 = arith.constant 0 : i32
      %dma_wait3A_165 = tpu.memref_slice %arg6[%dma_wait3A_162, %dma_wait3A_164] : memref<2x128xi32, #tpu.memory_space<vmem>> -> memref<1x128xi32, #tpu.memory_space<vmem>>
      %dma_wait3A_166 = tpu.memref_squeeze %dma_wait3A_165 : memref<1x128xi32, #tpu.memory_space<vmem>> -> memref<128xi32, #tpu.memory_space<vmem>>
      %dma_wait3A_167 = arith.constant 0 : i32
      %dma_wait3A_168 = arith.constant 0 : i32
      %dma_wait3A_169 = tpu.memref_slice %arg2[%dma_wait3A_167, %dma_wait3A_168] : memref<10240x128xf32, #tpu.memory_space<hbm>> -> memref<10240x128xf32, #tpu.memory_space<hbm>>
      %dma_wait3A_170 = tpu.memref_slice %arg13[%dma_wait3A_163] : memref<2x!tpu.dma_semaphore, #tpu.memory_space<semaphore_mem>> -> memref<1x!tpu.dma_semaphore, #tpu.memory_space<semaphore_mem>>
      %dma_wait3A_171 = tpu.memref_squeeze %dma_wait3A_170 : memref<1x!tpu.dma_semaphore, #tpu.memory_space<semaphore_mem>> -> memref<!tpu.dma_semaphore, #tpu.memory_space<semaphore_mem>>
      tpu.wait_indirect_dma semaphore(%dma_wait3A_171 : memref<!tpu.dma_semaphore, #tpu.memory_space<semaphore_mem>>) src(%dma_wait3A_169 : memref<10240x128xf32, #tpu.memory_space<hbm>>) dst(%arg10 : memref<128x128xf32, #tpu.memory_space<vmem>>)
      %dma_start3A_172 = arith.constant 1 : i32
      %dma_start3A_173 = arith.constant 0 : i32
      %dma_start3A_174 = arith.constant 0 : i32
      %dma_start3A_175 = tpu.memref_slice %arg6[%dma_start3A_172, %dma_start3A_174] : memref<2x128xi32, #tpu.memory_space<vmem>> -> memref<1x128xi32, #tpu.memory_space<vmem>>
      %dma_start3A_176 = tpu.memref_squeeze %dma_start3A_175 : memref<1x128xi32, #tpu.memory_space<vmem>> -> memref<128xi32, #tpu.memory_space<vmem>>
      %dma_start3A_177 = arith.constant 0 : i32
      %dma_start3A_178 = arith.constant 0 : i32
      %dma_start3A_179 = tpu.memref_slice %arg16[%dma_start3A_177, %dma_start3A_178] : memref<10240x128xf32, #tpu.memory_space<vmem_shared>> -> memref<10240x128xf32, #tpu.memory_space<vmem_shared>>
      %dma_start3A_180 = tpu.memref_slice %arg15[%dma_start3A_173] : memref<2x!tpu.dma_semaphore, #tpu.memory_space<semaphore_mem>> -> memref<1x!tpu.dma_semaphore, #tpu.memory_space<semaphore_mem>>
      %dma_start3A_181 = tpu.memref_squeeze %dma_start3A_180 : memref<1x!tpu.dma_semaphore, #tpu.memory_space<semaphore_mem>> -> memref<!tpu.dma_semaphore, #tpu.memory_space<semaphore_mem>>
      tpu.enqueue_indirect_dma source(%arg10 : memref<128x128xf32, #tpu.memory_space<vmem>>) target(%dma_start3A_179 : memref<10240x128xf32, #tpu.memory_space<vmem_shared>>) offsets(%dma_start3A_176 : memref<128xi32, #tpu.memory_space<vmem>>) semaphore(%dma_start3A_181 : memref<!tpu.dma_semaphore, #tpu.memory_space<semaphore_mem>>) {add = true}
      %mul3A_182 = arith.constant 4 : i32
      %mul3A_183 = arith.muli %mul3A_182, %add3A_111 : i32
      %add3A_184 = arith.constant 1 : i32
      %add3A_185 = arith.addi %mul3A_183, %add3A_184 : i32
      %dma_wait3A_186 = arith.constant 1 : i32
      %dma_wait3A_187 = arith.constant 0 : i32
      %dma_wait3A_188 = arith.constant 0 : i32
      %dma_wait3A_189 = tpu.memref_slice %arg6[%dma_wait3A_186, %dma_wait3A_188] : memref<2x128xi32, #tpu.memory_space<vmem>> -> memref<1x128xi32, #tpu.memory_space<vmem>>
      %dma_wait3A_190 = tpu.memref_squeeze %dma_wait3A_189 : memref<1x128xi32, #tpu.memory_space<vmem>> -> memref<128xi32, #tpu.memory_space<vmem>>
      %dma_wait3A_191 = arith.constant 0 : i32
      %dma_wait3A_192 = arith.constant 0 : i32
      %dma_wait3A_193 = tpu.memref_slice %arg16[%dma_wait3A_191, %dma_wait3A_192] : memref<10240x128xf32, #tpu.memory_space<vmem_shared>> -> memref<10240x128xf32, #tpu.memory_space<vmem_shared>>
      %dma_wait3A_194 = tpu.memref_slice %arg15[%dma_wait3A_187] : memref<2x!tpu.dma_semaphore, #tpu.memory_space<semaphore_mem>> -> memref<1x!tpu.dma_semaphore, #tpu.memory_space<semaphore_mem>>
      %dma_wait3A_195 = tpu.memref_squeeze %dma_wait3A_194 : memref<1x!tpu.dma_semaphore, #tpu.memory_space<semaphore_mem>> -> memref<!tpu.dma_semaphore, #tpu.memory_space<semaphore_mem>>
      tpu.wait_indirect_dma semaphore(%dma_wait3A_195 : memref<!tpu.dma_semaphore, #tpu.memory_space<semaphore_mem>>) src(%arg10 : memref<128x128xf32, #tpu.memory_space<vmem>>) dst(%dma_wait3A_193 : memref<10240x128xf32, #tpu.memory_space<vmem_shared>>)
      %add3A_196 = arith.constant 3 : i32
      %add3A_197 = arith.addi %add3A_185, %add3A_196 : i32
      %rem3A_198 = arith.constant 80 : i32
      %rem3A_199 = arith.remsi %add3A_197, %rem3A_198 : i32
      %dma_start3A_200 = arith.constant 0 : i32
      %dma_start3A_201 = arith.constant 0 : i32
      %dma_start3A_202 = arith.constant 0 : i32
      %dma_start3A_203 = tpu.memref_slice %arg3[%add3A, %rem3A_199, %dma_start3A_201, %dma_start3A_202] : memref<32x80x2x128xi32, #tpu.memory_space<hbm>> -> memref<1x1x2x128xi32, #tpu.memory_space<hbm>>
      %dma_start3A_204 = tpu.memref_squeeze %dma_start3A_203 : memref<1x1x2x128xi32, #tpu.memory_space<hbm>> -> memref<2x128xi32, #tpu.memory_space<hbm>>
      %dma_start3A_205 = tpu.memref_slice %arg14[%dma_start3A_200] : memref<4x!tpu.dma_semaphore, #tpu.memory_space<semaphore_mem>> -> memref<1x!tpu.dma_semaphore, #tpu.memory_space<semaphore_mem>>
      %dma_start3A_206 = tpu.memref_squeeze %dma_start3A_205 : memref<1x!tpu.dma_semaphore, #tpu.memory_space<semaphore_mem>> -> memref<!tpu.dma_semaphore, #tpu.memory_space<semaphore_mem>>
      %dma_start3A_207 = arith.constant 0 : i32
      %dma_start3A_208 = arith.constant 0 : i32
      %dma_start3A_209 = tpu.memref_slice %arg3[%add3A, %rem3A_199, %dma_start3A_207, %dma_start3A_208] : memref<32x80x2x128xi32, #tpu.memory_space<hbm>> -> memref<1x1x2x128xi32, #tpu.memory_space<hbm>>
      %dma_start3A_210 = tpu.memref_squeeze %dma_start3A_209 : memref<1x1x2x128xi32, #tpu.memory_space<hbm>> -> memref<2x128xi32, #tpu.memory_space<hbm>>
      tpu.enqueue_dma source(%dma_start3A_210 : memref<2x128xi32, #tpu.memory_space<hbm>>) target(%arg6 : memref<2x128xi32, #tpu.memory_space<vmem>>) target_semaphore(%dma_start3A_206 : memref<!tpu.dma_semaphore, #tpu.memory_space<semaphore_mem>>)
      %dma_wait3A_211 = arith.constant 0 : i32
      %dma_wait3A_212 = arith.constant 2 : i32
      %dma_wait3A_213 = arith.constant 0 : i32
      %dma_wait3A_214 = arith.constant 0 : i32
      %dma_wait3A_215 = tpu.memref_slice %arg3[%add3A, %dma_wait3A_211, %dma_wait3A_213, %dma_wait3A_214] : memref<32x80x2x128xi32, #tpu.memory_space<hbm>> -> memref<1x1x2x128xi32, #tpu.memory_space<hbm>>
      %dma_wait3A_216 = tpu.memref_squeeze %dma_wait3A_215 : memref<1x1x2x128xi32, #tpu.memory_space<hbm>> -> memref<2x128xi32, #tpu.memory_space<hbm>>
      %dma_wait3A_217 = tpu.memref_slice %arg14[%dma_wait3A_212] : memref<4x!tpu.dma_semaphore, #tpu.memory_space<semaphore_mem>> -> memref<1x!tpu.dma_semaphore, #tpu.memory_space<semaphore_mem>>
      %dma_wait3A_218 = tpu.memref_squeeze %dma_wait3A_217 : memref<1x!tpu.dma_semaphore, #tpu.memory_space<semaphore_mem>> -> memref<!tpu.dma_semaphore, #tpu.memory_space<semaphore_mem>>
      %dma_wait3A_219 = arith.constant 0 : i32
      %dma_wait3A_220 = arith.constant 0 : i32
      %dma_wait3A_221 = tpu.memref_slice %arg3[%add3A, %dma_wait3A_211, %dma_wait3A_219, %dma_wait3A_220] : memref<32x80x2x128xi32, #tpu.memory_space<hbm>> -> memref<1x1x2x128xi32, #tpu.memory_space<hbm>>
      %dma_wait3A_222 = tpu.memref_squeeze %dma_wait3A_221 : memref<1x1x2x128xi32, #tpu.memory_space<hbm>> -> memref<2x128xi32, #tpu.memory_space<hbm>>
      tpu.wait_dma2 semaphore(%dma_wait3A_218 : memref<!tpu.dma_semaphore, #tpu.memory_space<semaphore_mem>>) src(%dma_wait3A_222 : memref<2x128xi32, #tpu.memory_space<hbm>>) dst(%arg8 : memref<2x128xi32, #tpu.memory_space<vmem>>)
      %dma_start3A_223 = arith.constant 0 : i32
      %dma_start3A_224 = arith.constant 0 : i32
      %dma_start3A_225 = arith.constant 0 : i32
      %dma_start3A_226 = tpu.memref_slice %arg8[%dma_start3A_223, %dma_start3A_225] : memref<2x128xi32, #tpu.memory_space<vmem>> -> memref<1x128xi32, #tpu.memory_space<vmem>>
      %dma_start3A_227 = tpu.memref_squeeze %dma_start3A_226 : memref<1x128xi32, #tpu.memory_space<vmem>> -> memref<128xi32, #tpu.memory_space<vmem>>
      %dma_start3A_228 = arith.constant 0 : i32
      %dma_start3A_229 = arith.constant 0 : i32
      %dma_start3A_230 = tpu.memref_slice %arg2[%dma_start3A_228, %dma_start3A_229] : memref<10240x128xf32, #tpu.memory_space<hbm>> -> memref<10240x128xf32, #tpu.memory_space<hbm>>
      %dma_start3A_231 = tpu.memref_slice %arg13[%dma_start3A_224] : memref<2x!tpu.dma_semaphore, #tpu.memory_space<semaphore_mem>> -> memref<1x!tpu.dma_semaphore, #tpu.memory_space<semaphore_mem>>
      %dma_start3A_232 = tpu.memref_squeeze %dma_start3A_231 : memref<1x!tpu.dma_semaphore, #tpu.memory_space<semaphore_mem>> -> memref<!tpu.dma_semaphore, #tpu.memory_space<semaphore_mem>>
      tpu.enqueue_indirect_dma source(%dma_start3A_230 : memref<10240x128xf32, #tpu.memory_space<hbm>>) target(%arg10 : memref<128x128xf32, #tpu.memory_space<vmem>>) offsets(%dma_start3A_227 : memref<128xi32, #tpu.memory_space<vmem>>) semaphore(%dma_start3A_232 : memref<!tpu.dma_semaphore, #tpu.memory_space<semaphore_mem>>)
      %dma_wait3A_233 = arith.constant 0 : i32
      %dma_wait3A_234 = arith.constant 1 : i32
      %dma_wait3A_235 = arith.constant 0 : i32
      %dma_wait3A_236 = tpu.memref_slice %arg7[%dma_wait3A_233, %dma_wait3A_235] : memref<2x128xi32, #tpu.memory_space<vmem>> -> memref<1x128xi32, #tpu.memory_space<vmem>>
      %dma_wait3A_237 = tpu.memref_squeeze %dma_wait3A_236 : memref<1x128xi32, #tpu.memory_space<vmem>> -> memref<128xi32, #tpu.memory_space<vmem>>
      %dma_wait3A_238 = arith.constant 0 : i32
      %dma_wait3A_239 = arith.constant 0 : i32
      %dma_wait3A_240 = tpu.memref_slice %arg2[%dma_wait3A_238, %dma_wait3A_239] : memref<10240x128xf32, #tpu.memory_space<hbm>> -> memref<10240x128xf32, #tpu.memory_space<hbm>>
      %dma_wait3A_241 = tpu.memref_slice %arg13[%dma_wait3A_234] : memref<2x!tpu.dma_semaphore, #tpu.memory_space<semaphore_mem>> -> memref<1x!tpu.dma_semaphore, #tpu.memory_space<semaphore_mem>>
      %dma_wait3A_242 = tpu.memref_squeeze %dma_wait3A_241 : memref<1x!tpu.dma_semaphore, #tpu.memory_space<semaphore_mem>> -> memref<!tpu.dma_semaphore, #tpu.memory_space<semaphore_mem>>
      tpu.wait_indirect_dma semaphore(%dma_wait3A_242 : memref<!tpu.dma_semaphore, #tpu.memory_space<semaphore_mem>>) src(%dma_wait3A_240 : memref<10240x128xf32, #tpu.memory_space<hbm>>) dst(%arg11 : memref<128x128xf32, #tpu.memory_space<vmem>>)
      %dma_start3A_243 = arith.constant 1 : i32
      %dma_start3A_244 = arith.constant 1 : i32
      %dma_start3A_245 = arith.constant 0 : i32
      %dma_start3A_246 = tpu.memref_slice %arg7[%dma_start3A_243, %dma_start3A_245] : memref<2x128xi32, #tpu.memory_space<vmem>> -> memref<1x128xi32, #tpu.memory_space<vmem>>
      %dma_start3A_247 = tpu.memref_squeeze %dma_start3A_246 : memref<1x128xi32, #tpu.memory_space<vmem>> -> memref<128xi32, #tpu.memory_space<vmem>>
      %dma_start3A_248 = arith.constant 0 : i32
      %dma_start3A_249 = arith.constant 0 : i32
      %dma_start3A_250 = tpu.memref_slice %arg16[%dma_start3A_248, %dma_start3A_249] : memref<10240x128xf32, #tpu.memory_space<vmem_shared>> -> memref<10240x128xf32, #tpu.memory_space<vmem_shared>>
      %dma_start3A_251 = tpu.memref_slice %arg15[%dma_start3A_244] : memref<2x!tpu.dma_semaphore, #tpu.memory_space<semaphore_mem>> -> memref<1x!tpu.dma_semaphore, #tpu.memory_space<semaphore_mem>>
      %dma_start3A_252 = tpu.memref_squeeze %dma_start3A_251 : memref<1x!tpu.dma_semaphore, #tpu.memory_space<semaphore_mem>> -> memref<!tpu.dma_semaphore, #tpu.memory_space<semaphore_mem>>
      tpu.enqueue_indirect_dma source(%arg11 : memref<128x128xf32, #tpu.memory_space<vmem>>) target(%dma_start3A_250 : memref<10240x128xf32, #tpu.memory_space<vmem_shared>>) offsets(%dma_start3A_247 : memref<128xi32, #tpu.memory_space<vmem>>) semaphore(%dma_start3A_252 : memref<!tpu.dma_semaphore, #tpu.memory_space<semaphore_mem>>) {add = true}
      %mul3A_253 = arith.constant 4 : i32
      %mul3A_254 = arith.muli %mul3A_253, %add3A_111 : i32
      %add3A_255 = arith.constant 2 : i32
      %add3A_256 = arith.addi %mul3A_254, %add3A_255 : i32
      %dma_wait3A_257 = arith.constant 1 : i32
      %dma_wait3A_258 = arith.constant 1 : i32
      %dma_wait3A_259 = arith.constant 0 : i32
      %dma_wait3A_260 = tpu.memref_slice %arg7[%dma_wait3A_257, %dma_wait3A_259] : memref<2x128xi32, #tpu.memory_space<vmem>> -> memref<1x128xi32, #tpu.memory_space<vmem>>
      %dma_wait3A_261 = tpu.memref_squeeze %dma_wait3A_260 : memref<1x128xi32, #tpu.memory_space<vmem>> -> memref<128xi32, #tpu.memory_space<vmem>>
      %dma_wait3A_262 = arith.constant 0 : i32
      %dma_wait3A_263 = arith.constant 0 : i32
      %dma_wait3A_264 = tpu.memref_slice %arg16[%dma_wait3A_262, %dma_wait3A_263] : memref<10240x128xf32, #tpu.memory_space<vmem_shared>> -> memref<10240x128xf32, #tpu.memory_space<vmem_shared>>
      %dma_wait3A_265 = tpu.memref_slice %arg15[%dma_wait3A_258] : memref<2x!tpu.dma_semaphore, #tpu.memory_space<semaphore_mem>> -> memref<1x!tpu.dma_semaphore, #tpu.memory_space<semaphore_mem>>
      %dma_wait3A_266 = tpu.memref_squeeze %dma_wait3A_265 : memref<1x!tpu.dma_semaphore, #tpu.memory_space<semaphore_mem>> -> memref<!tpu.dma_semaphore, #tpu.memory_space<semaphore_mem>>
      tpu.wait_indirect_dma semaphore(%dma_wait3A_266 : memref<!tpu.dma_semaphore, #tpu.memory_space<semaphore_mem>>) src(%arg11 : memref<128x128xf32, #tpu.memory_space<vmem>>) dst(%dma_wait3A_264 : memref<10240x128xf32, #tpu.memory_space<vmem_shared>>)
      %add3A_267 = arith.constant 3 : i32
      %add3A_268 = arith.addi %add3A_256, %add3A_267 : i32
      %rem3A_269 = arith.constant 80 : i32
      %rem3A_270 = arith.remsi %add3A_268, %rem3A_269 : i32
      %dma_start3A_271 = arith.constant 1 : i32
      %dma_start3A_272 = arith.constant 0 : i32
      %dma_start3A_273 = arith.constant 0 : i32
      %dma_start3A_274 = tpu.memref_slice %arg3[%add3A, %rem3A_270, %dma_start3A_272, %dma_start3A_273] : memref<32x80x2x128xi32, #tpu.memory_space<hbm>> -> memref<1x1x2x128xi32, #tpu.memory_space<hbm>>
      %dma_start3A_275 = tpu.memref_squeeze %dma_start3A_274 : memref<1x1x2x128xi32, #tpu.memory_space<hbm>> -> memref<2x128xi32, #tpu.memory_space<hbm>>
      %dma_start3A_276 = tpu.memref_slice %arg14[%dma_start3A_271] : memref<4x!tpu.dma_semaphore, #tpu.memory_space<semaphore_mem>> -> memref<1x!tpu.dma_semaphore, #tpu.memory_space<semaphore_mem>>
      %dma_start3A_277 = tpu.memref_squeeze %dma_start3A_276 : memref<1x!tpu.dma_semaphore, #tpu.memory_space<semaphore_mem>> -> memref<!tpu.dma_semaphore, #tpu.memory_space<semaphore_mem>>
      %dma_start3A_278 = arith.constant 0 : i32
      %dma_start3A_279 = arith.constant 0 : i32
      %dma_start3A_280 = tpu.memref_slice %arg3[%add3A, %rem3A_270, %dma_start3A_278, %dma_start3A_279] : memref<32x80x2x128xi32, #tpu.memory_space<hbm>> -> memref<1x1x2x128xi32, #tpu.memory_space<hbm>>
      %dma_start3A_281 = tpu.memref_squeeze %dma_start3A_280 : memref<1x1x2x128xi32, #tpu.memory_space<hbm>> -> memref<2x128xi32, #tpu.memory_space<hbm>>
      tpu.enqueue_dma source(%dma_start3A_281 : memref<2x128xi32, #tpu.memory_space<hbm>>) target(%arg7 : memref<2x128xi32, #tpu.memory_space<vmem>>) target_semaphore(%dma_start3A_277 : memref<!tpu.dma_semaphore, #tpu.memory_space<semaphore_mem>>)
      %dma_wait3A_282 = arith.constant 0 : i32
      %dma_wait3A_283 = arith.constant 3 : i32
      %dma_wait3A_284 = arith.constant 0 : i32
      %dma_wait3A_285 = arith.constant 0 : i32
      %dma_wait3A_286 = tpu.memref_slice %arg3[%add3A, %dma_wait3A_282, %dma_wait3A_284, %dma_wait3A_285] : memref<32x80x2x128xi32, #tpu.memory_space<hbm>> -> memref<1x1x2x128xi32, #tpu.memory_space<hbm>>
      %dma_wait3A_287 = tpu.memref_squeeze %dma_wait3A_286 : memref<1x1x2x128xi32, #tpu.memory_space<hbm>> -> memref<2x128xi32, #tpu.memory_space<hbm>>
      %dma_wait3A_288 = tpu.memref_slice %arg14[%dma_wait3A_283] : memref<4x!tpu.dma_semaphore, #tpu.memory_space<semaphore_mem>> -> memref<1x!tpu.dma_semaphore, #tpu.memory_space<semaphore_mem>>
      %dma_wait3A_289 = tpu.memref_squeeze %dma_wait3A_288 : memref<1x!tpu.dma_semaphore, #tpu.memory_space<semaphore_mem>> -> memref<!tpu.dma_semaphore, #tpu.memory_space<semaphore_mem>>
      %dma_wait3A_290 = arith.constant 0 : i32
      %dma_wait3A_291 = arith.constant 0 : i32
      %dma_wait3A_292 = tpu.memref_slice %arg3[%add3A, %dma_wait3A_282, %dma_wait3A_290, %dma_wait3A_291] : memref<32x80x2x128xi32, #tpu.memory_space<hbm>> -> memref<1x1x2x128xi32, #tpu.memory_space<hbm>>
      %dma_wait3A_293 = tpu.memref_squeeze %dma_wait3A_292 : memref<1x1x2x128xi32, #tpu.memory_space<hbm>> -> memref<2x128xi32, #tpu.memory_space<hbm>>
      tpu.wait_dma2 semaphore(%dma_wait3A_289 : memref<!tpu.dma_semaphore, #tpu.memory_space<semaphore_mem>>) src(%dma_wait3A_293 : memref<2x128xi32, #tpu.memory_space<hbm>>) dst(%arg9 : memref<2x128xi32, #tpu.memory_space<vmem>>)
      %dma_start3A_294 = arith.constant 0 : i32
      %dma_start3A_295 = arith.constant 1 : i32
      %dma_start3A_296 = arith.constant 0 : i32
      %dma_start3A_297 = tpu.memref_slice %arg9[%dma_start3A_294, %dma_start3A_296] : memref<2x128xi32, #tpu.memory_space<vmem>> -> memref<1x128xi32, #tpu.memory_space<vmem>>
      %dma_start3A_298 = tpu.memref_squeeze %dma_start3A_297 : memref<1x128xi32, #tpu.memory_space<vmem>> -> memref<128xi32, #tpu.memory_space<vmem>>
      %dma_start3A_299 = arith.constant 0 : i32
      %dma_start3A_300 = arith.constant 0 : i32
      %dma_start3A_301 = tpu.memref_slice %arg2[%dma_start3A_299, %dma_start3A_300] : memref<10240x128xf32, #tpu.memory_space<hbm>> -> memref<10240x128xf32, #tpu.memory_space<hbm>>
      %dma_start3A_302 = tpu.memref_slice %arg13[%dma_start3A_295] : memref<2x!tpu.dma_semaphore, #tpu.memory_space<semaphore_mem>> -> memref<1x!tpu.dma_semaphore, #tpu.memory_space<semaphore_mem>>
      %dma_start3A_303 = tpu.memref_squeeze %dma_start3A_302 : memref<1x!tpu.dma_semaphore, #tpu.memory_space<semaphore_mem>> -> memref<!tpu.dma_semaphore, #tpu.memory_space<semaphore_mem>>
      tpu.enqueue_indirect_dma source(%dma_start3A_301 : memref<10240x128xf32, #tpu.memory_space<hbm>>) target(%arg11 : memref<128x128xf32, #tpu.memory_space<vmem>>) offsets(%dma_start3A_298 : memref<128xi32, #tpu.memory_space<vmem>>) semaphore(%dma_start3A_303 : memref<!tpu.dma_semaphore, #tpu.memory_space<semaphore_mem>>)
      %dma_wait3A_304 = arith.constant 0 : i32
      %dma_wait3A_305 = arith.constant 0 : i32
      %dma_wait3A_306 = arith.constant 0 : i32
      %dma_wait3A_307 = tpu.memref_slice %arg8[%dma_wait3A_304, %dma_wait3A_306] : memref<2x128xi32, #tpu.memory_space<vmem>> -> memref<1x128xi32, #tpu.memory_space<vmem>>
      %dma_wait3A_308 = tpu.memref_squeeze %dma_wait3A_307 : memref<1x128xi32, #tpu.memory_space<vmem>> -> memref<128xi32, #tpu.memory_space<vmem>>
      %dma_wait3A_309 = arith.constant 0 : i32
      %dma_wait3A_310 = arith.constant 0 : i32
      %dma_wait3A_311 = tpu.memref_slice %arg2[%dma_wait3A_309, %dma_wait3A_310] : memref<10240x128xf32, #tpu.memory_space<hbm>> -> memref<10240x128xf32, #tpu.memory_space<hbm>>
      %dma_wait3A_312 = tpu.memref_slice %arg13[%dma_wait3A_305] : memref<2x!tpu.dma_semaphore, #tpu.memory_space<semaphore_mem>> -> memref<1x!tpu.dma_semaphore, #tpu.memory_space<semaphore_mem>>
      %dma_wait3A_313 = tpu.memref_squeeze %dma_wait3A_312 : memref<1x!tpu.dma_semaphore, #tpu.memory_space<semaphore_mem>> -> memref<!tpu.dma_semaphore, #tpu.memory_space<semaphore_mem>>
      tpu.wait_indirect_dma semaphore(%dma_wait3A_313 : memref<!tpu.dma_semaphore, #tpu.memory_space<semaphore_mem>>) src(%dma_wait3A_311 : memref<10240x128xf32, #tpu.memory_space<hbm>>) dst(%arg10 : memref<128x128xf32, #tpu.memory_space<vmem>>)
      %dma_start3A_314 = arith.constant 1 : i32
      %dma_start3A_315 = arith.constant 0 : i32
      %dma_start3A_316 = arith.constant 0 : i32
      %dma_start3A_317 = tpu.memref_slice %arg8[%dma_start3A_314, %dma_start3A_316] : memref<2x128xi32, #tpu.memory_space<vmem>> -> memref<1x128xi32, #tpu.memory_space<vmem>>
      %dma_start3A_318 = tpu.memref_squeeze %dma_start3A_317 : memref<1x128xi32, #tpu.memory_space<vmem>> -> memref<128xi32, #tpu.memory_space<vmem>>
      %dma_start3A_319 = arith.constant 0 : i32
      %dma_start3A_320 = arith.constant 0 : i32
      %dma_start3A_321 = tpu.memref_slice %arg16[%dma_start3A_319, %dma_start3A_320] : memref<10240x128xf32, #tpu.memory_space<vmem_shared>> -> memref<10240x128xf32, #tpu.memory_space<vmem_shared>>
      %dma_start3A_322 = tpu.memref_slice %arg15[%dma_start3A_315] : memref<2x!tpu.dma_semaphore, #tpu.memory_space<semaphore_mem>> -> memref<1x!tpu.dma_semaphore, #tpu.memory_space<semaphore_mem>>
      %dma_start3A_323 = tpu.memref_squeeze %dma_start3A_322 : memref<1x!tpu.dma_semaphore, #tpu.memory_space<semaphore_mem>> -> memref<!tpu.dma_semaphore, #tpu.memory_space<semaphore_mem>>
      tpu.enqueue_indirect_dma source(%arg10 : memref<128x128xf32, #tpu.memory_space<vmem>>) target(%dma_start3A_321 : memref<10240x128xf32, #tpu.memory_space<vmem_shared>>) offsets(%dma_start3A_318 : memref<128xi32, #tpu.memory_space<vmem>>) semaphore(%dma_start3A_323 : memref<!tpu.dma_semaphore, #tpu.memory_space<semaphore_mem>>) {add = true}
      %mul3A_324 = arith.constant 4 : i32
      %mul3A_325 = arith.muli %mul3A_324, %add3A_111 : i32
      %add3A_326 = arith.constant 3 : i32
      %add3A_327 = arith.addi %mul3A_325, %add3A_326 : i32
      %dma_wait3A_328 = arith.constant 1 : i32
      %dma_wait3A_329 = arith.constant 0 : i32
      %dma_wait3A_330 = arith.constant 0 : i32
      %dma_wait3A_331 = tpu.memref_slice %arg8[%dma_wait3A_328, %dma_wait3A_330] : memref<2x128xi32, #tpu.memory_space<vmem>> -> memref<1x128xi32, #tpu.memory_space<vmem>>
      %dma_wait3A_332 = tpu.memref_squeeze %dma_wait3A_331 : memref<1x128xi32, #tpu.memory_space<vmem>> -> memref<128xi32, #tpu.memory_space<vmem>>
      %dma_wait3A_333 = arith.constant 0 : i32
      %dma_wait3A_334 = arith.constant 0 : i32
      %dma_wait3A_335 = tpu.memref_slice %arg16[%dma_wait3A_333, %dma_wait3A_334] : memref<10240x128xf32, #tpu.memory_space<vmem_shared>> -> memref<10240x128xf32, #tpu.memory_space<vmem_shared>>
      %dma_wait3A_336 = tpu.memref_slice %arg15[%dma_wait3A_329] : memref<2x!tpu.dma_semaphore, #tpu.memory_space<semaphore_mem>> -> memref<1x!tpu.dma_semaphore, #tpu.memory_space<semaphore_mem>>
      %dma_wait3A_337 = tpu.memref_squeeze %dma_wait3A_336 : memref<1x!tpu.dma_semaphore, #tpu.memory_space<semaphore_mem>> -> memref<!tpu.dma_semaphore, #tpu.memory_space<semaphore_mem>>
      tpu.wait_indirect_dma semaphore(%dma_wait3A_337 : memref<!tpu.dma_semaphore, #tpu.memory_space<semaphore_mem>>) src(%arg10 : memref<128x128xf32, #tpu.memory_space<vmem>>) dst(%dma_wait3A_335 : memref<10240x128xf32, #tpu.memory_space<vmem_shared>>)
      %add3A_338 = arith.constant 3 : i32
      %add3A_339 = arith.addi %add3A_327, %add3A_338 : i32
      %rem3A_340 = arith.constant 80 : i32
      %rem3A_341 = arith.remsi %add3A_339, %rem3A_340 : i32
      %dma_start3A_342 = arith.constant 2 : i32
      %dma_start3A_343 = arith.constant 0 : i32
      %dma_start3A_344 = arith.constant 0 : i32
      %dma_start3A_345 = tpu.memref_slice %arg3[%add3A, %rem3A_341, %dma_start3A_343, %dma_start3A_344] : memref<32x80x2x128xi32, #tpu.memory_space<hbm>> -> memref<1x1x2x128xi32, #tpu.memory_space<hbm>>
      %dma_start3A_346 = tpu.memref_squeeze %dma_start3A_345 : memref<1x1x2x128xi32, #tpu.memory_space<hbm>> -> memref<2x128xi32, #tpu.memory_space<hbm>>
      %dma_start3A_347 = tpu.memref_slice %arg14[%dma_start3A_342] : memref<4x!tpu.dma_semaphore, #tpu.memory_space<semaphore_mem>> -> memref<1x!tpu.dma_semaphore, #tpu.memory_space<semaphore_mem>>
      %dma_start3A_348 = tpu.memref_squeeze %dma_start3A_347 : memref<1x!tpu.dma_semaphore, #tpu.memory_space<semaphore_mem>> -> memref<!tpu.dma_semaphore, #tpu.memory_space<semaphore_mem>>
      %dma_start3A_349 = arith.constant 0 : i32
      %dma_start3A_350 = arith.constant 0 : i32
      %dma_start3A_351 = tpu.memref_slice %arg3[%add3A, %rem3A_341, %dma_start3A_349, %dma_start3A_350] : memref<32x80x2x128xi32, #tpu.memory_space<hbm>> -> memref<1x1x2x128xi32, #tpu.memory_space<hbm>>
      %dma_start3A_352 = tpu.memref_squeeze %dma_start3A_351 : memref<1x1x2x128xi32, #tpu.memory_space<hbm>> -> memref<2x128xi32, #tpu.memory_space<hbm>>
      tpu.enqueue_dma source(%dma_start3A_352 : memref<2x128xi32, #tpu.memory_space<hbm>>) target(%arg8 : memref<2x128xi32, #tpu.memory_space<vmem>>) target_semaphore(%dma_start3A_348 : memref<!tpu.dma_semaphore, #tpu.memory_space<semaphore_mem>>)
      %dma_wait3A_353 = arith.constant 0 : i32
      %dma_wait3A_354 = arith.constant 0 : i32
      %dma_wait3A_355 = arith.constant 0 : i32
      %dma_wait3A_356 = arith.constant 0 : i32
      %dma_wait3A_357 = tpu.memref_slice %arg3[%add3A, %dma_wait3A_353, %dma_wait3A_355, %dma_wait3A_356] : memref<32x80x2x128xi32, #tpu.memory_space<hbm>> -> memref<1x1x2x128xi32, #tpu.memory_space<hbm>>
      %dma_wait3A_358 = tpu.memref_squeeze %dma_wait3A_357 : memref<1x1x2x128xi32, #tpu.memory_space<hbm>> -> memref<2x128xi32, #tpu.memory_space<hbm>>
      %dma_wait3A_359 = tpu.memref_slice %arg14[%dma_wait3A_354] : memref<4x!tpu.dma_semaphore, #tpu.memory_space<semaphore_mem>> -> memref<1x!tpu.dma_semaphore, #tpu.memory_space<semaphore_mem>>
      %dma_wait3A_360 = tpu.memref_squeeze %dma_wait3A_359 : memref<1x!tpu.dma_semaphore, #tpu.memory_space<semaphore_mem>> -> memref<!tpu.dma_semaphore, #tpu.memory_space<semaphore_mem>>
      %dma_wait3A_361 = arith.constant 0 : i32
      %dma_wait3A_362 = arith.constant 0 : i32
      %dma_wait3A_363 = tpu.memref_slice %arg3[%add3A, %dma_wait3A_353, %dma_wait3A_361, %dma_wait3A_362] : memref<32x80x2x128xi32, #tpu.memory_space<hbm>> -> memref<1x1x2x128xi32, #tpu.memory_space<hbm>>
      %dma_wait3A_364 = tpu.memref_squeeze %dma_wait3A_363 : memref<1x1x2x128xi32, #tpu.memory_space<hbm>> -> memref<2x128xi32, #tpu.memory_space<hbm>>
      tpu.wait_dma2 semaphore(%dma_wait3A_360 : memref<!tpu.dma_semaphore, #tpu.memory_space<semaphore_mem>>) src(%dma_wait3A_364 : memref<2x128xi32, #tpu.memory_space<hbm>>) dst(%arg6 : memref<2x128xi32, #tpu.memory_space<vmem>>)
      %dma_start3A_365 = arith.constant 0 : i32
      %dma_start3A_366 = arith.constant 0 : i32
      %dma_start3A_367 = arith.constant 0 : i32
      %dma_start3A_368 = tpu.memref_slice %arg6[%dma_start3A_365, %dma_start3A_367] : memref<2x128xi32, #tpu.memory_space<vmem>> -> memref<1x128xi32, #tpu.memory_space<vmem>>
      %dma_start3A_369 = tpu.memref_squeeze %dma_start3A_368 : memref<1x128xi32, #tpu.memory_space<vmem>> -> memref<128xi32, #tpu.memory_space<vmem>>
      %dma_start3A_370 = arith.constant 0 : i32
      %dma_start3A_371 = arith.constant 0 : i32
      %dma_start3A_372 = tpu.memref_slice %arg2[%dma_start3A_370, %dma_start3A_371] : memref<10240x128xf32, #tpu.memory_space<hbm>> -> memref<10240x128xf32, #tpu.memory_space<hbm>>
      %dma_start3A_373 = tpu.memref_slice %arg13[%dma_start3A_366] : memref<2x!tpu.dma_semaphore, #tpu.memory_space<semaphore_mem>> -> memref<1x!tpu.dma_semaphore, #tpu.memory_space<semaphore_mem>>
      %dma_start3A_374 = tpu.memref_squeeze %dma_start3A_373 : memref<1x!tpu.dma_semaphore, #tpu.memory_space<semaphore_mem>> -> memref<!tpu.dma_semaphore, #tpu.memory_space<semaphore_mem>>
      tpu.enqueue_indirect_dma source(%dma_start3A_372 : memref<10240x128xf32, #tpu.memory_space<hbm>>) target(%arg10 : memref<128x128xf32, #tpu.memory_space<vmem>>) offsets(%dma_start3A_369 : memref<128xi32, #tpu.memory_space<vmem>>) semaphore(%dma_start3A_374 : memref<!tpu.dma_semaphore, #tpu.memory_space<semaphore_mem>>)
      %dma_wait3A_375 = arith.constant 0 : i32
      %dma_wait3A_376 = arith.constant 1 : i32
      %dma_wait3A_377 = arith.constant 0 : i32
      %dma_wait3A_378 = tpu.memref_slice %arg9[%dma_wait3A_375, %dma_wait3A_377] : memref<2x128xi32, #tpu.memory_space<vmem>> -> memref<1x128xi32, #tpu.memory_space<vmem>>
      %dma_wait3A_379 = tpu.memref_squeeze %dma_wait3A_378 : memref<1x128xi32, #tpu.memory_space<vmem>> -> memref<128xi32, #tpu.memory_space<vmem>>
      %dma_wait3A_380 = arith.constant 0 : i32
      %dma_wait3A_381 = arith.constant 0 : i32
      %dma_wait3A_382 = tpu.memref_slice %arg2[%dma_wait3A_380, %dma_wait3A_381] : memref<10240x128xf32, #tpu.memory_space<hbm>> -> memref<10240x128xf32, #tpu.memory_space<hbm>>
      %dma_wait3A_383 = tpu.memref_slice %arg13[%dma_wait3A_376] : memref<2x!tpu.dma_semaphore, #tpu.memory_space<semaphore_mem>> -> memref<1x!tpu.dma_semaphore, #tpu.memory_space<semaphore_mem>>
      %dma_wait3A_384 = tpu.memref_squeeze %dma_wait3A_383 : memref<1x!tpu.dma_semaphore, #tpu.memory_space<semaphore_mem>> -> memref<!tpu.dma_semaphore, #tpu.memory_space<semaphore_mem>>
      tpu.wait_indirect_dma semaphore(%dma_wait3A_384 : memref<!tpu.dma_semaphore, #tpu.memory_space<semaphore_mem>>) src(%dma_wait3A_382 : memref<10240x128xf32, #tpu.memory_space<hbm>>) dst(%arg11 : memref<128x128xf32, #tpu.memory_space<vmem>>)
      %dma_start3A_385 = arith.constant 1 : i32
      %dma_start3A_386 = arith.constant 1 : i32
      %dma_start3A_387 = arith.constant 0 : i32
      %dma_start3A_388 = tpu.memref_slice %arg9[%dma_start3A_385, %dma_start3A_387] : memref<2x128xi32, #tpu.memory_space<vmem>> -> memref<1x128xi32, #tpu.memory_space<vmem>>
      %dma_start3A_389 = tpu.memref_squeeze %dma_start3A_388 : memref<1x128xi32, #tpu.memory_space<vmem>> -> memref<128xi32, #tpu.memory_space<vmem>>
      %dma_start3A_390 = arith.constant 0 : i32
      %dma_start3A_391 = arith.constant 0 : i32
      %dma_start3A_392 = tpu.memref_slice %arg16[%dma_start3A_390, %dma_start3A_391] : memref<10240x128xf32, #tpu.memory_space<vmem_shared>> -> memref<10240x128xf32, #tpu.memory_space<vmem_shared>>
      %dma_start3A_393 = tpu.memref_slice %arg15[%dma_start3A_386] : memref<2x!tpu.dma_semaphore, #tpu.memory_space<semaphore_mem>> -> memref<1x!tpu.dma_semaphore, #tpu.memory_space<semaphore_mem>>
      %dma_start3A_394 = tpu.memref_squeeze %dma_start3A_393 : memref<1x!tpu.dma_semaphore, #tpu.memory_space<semaphore_mem>> -> memref<!tpu.dma_semaphore, #tpu.memory_space<semaphore_mem>>
      tpu.enqueue_indirect_dma source(%arg11 : memref<128x128xf32, #tpu.memory_space<vmem>>) target(%dma_start3A_392 : memref<10240x128xf32, #tpu.memory_space<vmem_shared>>) offsets(%dma_start3A_389 : memref<128xi32, #tpu.memory_space<vmem>>) semaphore(%dma_start3A_394 : memref<!tpu.dma_semaphore, #tpu.memory_space<semaphore_mem>>) {add = true}
    }
    %scan3A_57 = arith.constant 20 : i32
    %dma_wait3A = arith.constant 0 : i32
    %dma_wait3A_58 = arith.constant 1 : i32
    %dma_wait3A_59 = arith.constant 0 : i32
    %dma_wait3A_60 = arith.constant 0 : i32
    %dma_wait3A_61 = tpu.memref_slice %arg3[%add3A, %dma_wait3A, %dma_wait3A_59, %dma_wait3A_60] : memref<32x80x2x128xi32, #tpu.memory_space<hbm>> -> memref<1x1x2x128xi32, #tpu.memory_space<hbm>>
    %dma_wait3A_62 = tpu.memref_squeeze %dma_wait3A_61 : memref<1x1x2x128xi32, #tpu.memory_space<hbm>> -> memref<2x128xi32, #tpu.memory_space<hbm>>
    %dma_wait3A_63 = tpu.memref_slice %arg14[%dma_wait3A_58] : memref<4x!tpu.dma_semaphore, #tpu.memory_space<semaphore_mem>> -> memref<1x!tpu.dma_semaphore, #tpu.memory_space<semaphore_mem>>
    %dma_wait3A_64 = tpu.memref_squeeze %dma_wait3A_63 : memref<1x!tpu.dma_semaphore, #tpu.memory_space<semaphore_mem>> -> memref<!tpu.dma_semaphore, #tpu.memory_space<semaphore_mem>>
    %dma_wait3A_65 = arith.constant 0 : i32
    %dma_wait3A_66 = arith.constant 0 : i32
    %dma_wait3A_67 = tpu.memref_slice %arg3[%add3A, %dma_wait3A, %dma_wait3A_65, %dma_wait3A_66] : memref<32x80x2x128xi32, #tpu.memory_space<hbm>> -> memref<1x1x2x128xi32, #tpu.memory_space<hbm>>
    %dma_wait3A_68 = tpu.memref_squeeze %dma_wait3A_67 : memref<1x1x2x128xi32, #tpu.memory_space<hbm>> -> memref<2x128xi32, #tpu.memory_space<hbm>>
    tpu.wait_dma2 semaphore(%dma_wait3A_64 : memref<!tpu.dma_semaphore, #tpu.memory_space<semaphore_mem>>) src(%dma_wait3A_68 : memref<2x128xi32, #tpu.memory_space<hbm>>) dst(%arg7 : memref<2x128xi32, #tpu.memory_space<vmem>>)
    %dma_wait3A_69 = arith.constant 0 : i32
    %dma_wait3A_70 = arith.constant 2 : i32
    %dma_wait3A_71 = arith.constant 0 : i32
    %dma_wait3A_72 = arith.constant 0 : i32
    %dma_wait3A_73 = tpu.memref_slice %arg3[%add3A, %dma_wait3A_69, %dma_wait3A_71, %dma_wait3A_72] : memref<32x80x2x128xi32, #tpu.memory_space<hbm>> -> memref<1x1x2x128xi32, #tpu.memory_space<hbm>>
    %dma_wait3A_74 = tpu.memref_squeeze %dma_wait3A_73 : memref<1x1x2x128xi32, #tpu.memory_space<hbm>> -> memref<2x128xi32, #tpu.memory_space<hbm>>
    %dma_wait3A_75 = tpu.memref_slice %arg14[%dma_wait3A_70] : memref<4x!tpu.dma_semaphore, #tpu.memory_space<semaphore_mem>> -> memref<1x!tpu.dma_semaphore, #tpu.memory_space<semaphore_mem>>
    %dma_wait3A_76 = tpu.memref_squeeze %dma_wait3A_75 : memref<1x!tpu.dma_semaphore, #tpu.memory_space<semaphore_mem>> -> memref<!tpu.dma_semaphore, #tpu.memory_space<semaphore_mem>>
    %dma_wait3A_77 = arith.constant 0 : i32
    %dma_wait3A_78 = arith.constant 0 : i32
    %dma_wait3A_79 = tpu.memref_slice %arg3[%add3A, %dma_wait3A_69, %dma_wait3A_77, %dma_wait3A_78] : memref<32x80x2x128xi32, #tpu.memory_space<hbm>> -> memref<1x1x2x128xi32, #tpu.memory_space<hbm>>
    %dma_wait3A_80 = tpu.memref_squeeze %dma_wait3A_79 : memref<1x1x2x128xi32, #tpu.memory_space<hbm>> -> memref<2x128xi32, #tpu.memory_space<hbm>>
    tpu.wait_dma2 semaphore(%dma_wait3A_76 : memref<!tpu.dma_semaphore, #tpu.memory_space<semaphore_mem>>) src(%dma_wait3A_80 : memref<2x128xi32, #tpu.memory_space<hbm>>) dst(%arg8 : memref<2x128xi32, #tpu.memory_space<vmem>>)
    %dma_wait3A_81 = arith.constant 0 : i32
    %dma_wait3A_82 = arith.constant 0 : i32
    %dma_wait3A_83 = arith.constant 0 : i32
    %dma_wait3A_84 = tpu.memref_slice %arg6[%dma_wait3A_81, %dma_wait3A_83] : memref<2x128xi32, #tpu.memory_space<vmem>> -> memref<1x128xi32, #tpu.memory_space<vmem>>
    %dma_wait3A_85 = tpu.memref_squeeze %dma_wait3A_84 : memref<1x128xi32, #tpu.memory_space<vmem>> -> memref<128xi32, #tpu.memory_space<vmem>>
    %dma_wait3A_86 = arith.constant 0 : i32
    %dma_wait3A_87 = arith.constant 0 : i32
    %dma_wait3A_88 = tpu.memref_slice %arg2[%dma_wait3A_86, %dma_wait3A_87] : memref<10240x128xf32, #tpu.memory_space<hbm>> -> memref<10240x128xf32, #tpu.memory_space<hbm>>
    %dma_wait3A_89 = tpu.memref_slice %arg13[%dma_wait3A_82] : memref<2x!tpu.dma_semaphore, #tpu.memory_space<semaphore_mem>> -> memref<1x!tpu.dma_semaphore, #tpu.memory_space<semaphore_mem>>
    %dma_wait3A_90 = tpu.memref_squeeze %dma_wait3A_89 : memref<1x!tpu.dma_semaphore, #tpu.memory_space<semaphore_mem>> -> memref<!tpu.dma_semaphore, #tpu.memory_space<semaphore_mem>>
    tpu.wait_indirect_dma semaphore(%dma_wait3A_90 : memref<!tpu.dma_semaphore, #tpu.memory_space<semaphore_mem>>) src(%dma_wait3A_88 : memref<10240x128xf32, #tpu.memory_space<hbm>>) dst(%arg10 : memref<128x128xf32, #tpu.memory_space<vmem>>)
    %dma_wait3A_91 = arith.constant 1 : i32
    %dma_wait3A_92 = arith.constant 1 : i32
    %dma_wait3A_93 = arith.constant 0 : i32
    %dma_wait3A_94 = tpu.memref_slice %arg9[%dma_wait3A_91, %dma_wait3A_93] : memref<2x128xi32, #tpu.memory_space<vmem>> -> memref<1x128xi32, #tpu.memory_space<vmem>>
    %dma_wait3A_95 = tpu.memref_squeeze %dma_wait3A_94 : memref<1x128xi32, #tpu.memory_space<vmem>> -> memref<128xi32, #tpu.memory_space<vmem>>
    %dma_wait3A_96 = arith.constant 0 : i32
    %dma_wait3A_97 = arith.constant 0 : i32
    %dma_wait3A_98 = tpu.memref_slice %arg16[%dma_wait3A_96, %dma_wait3A_97] : memref<10240x128xf32, #tpu.memory_space<vmem_shared>> -> memref<10240x128xf32, #tpu.memory_space<vmem_shared>>
    %dma_wait3A_99 = tpu.memref_slice %arg15[%dma_wait3A_92] : memref<2x!tpu.dma_semaphore, #tpu.memory_space<semaphore_mem>> -> memref<1x!tpu.dma_semaphore, #tpu.memory_space<semaphore_mem>>
    %dma_wait3A_100 = tpu.memref_squeeze %dma_wait3A_99 : memref<1x!tpu.dma_semaphore, #tpu.memory_space<semaphore_mem>> -> memref<!tpu.dma_semaphore, #tpu.memory_space<semaphore_mem>>
    tpu.wait_indirect_dma semaphore(%dma_wait3A_100 : memref<!tpu.dma_semaphore, #tpu.memory_space<semaphore_mem>>) src(%arg11 : memref<128x128xf32, #tpu.memory_space<vmem>>) dst(%dma_wait3A_98 : memref<10240x128xf32, #tpu.memory_space<vmem_shared>>)
    %barrier3A_101 = arith.constant 0 : index
    tpu.barrier barrier_id(%barrier3A_101)
    %scan3A_102 = arith.constant 0 : i32
    %scan3A_103 = arith.constant 5 : i32
    %scan3A_104 = arith.addi %scan3A_102, %scan3A_103 : i32
    %scan3A_105 = arith.constant 1 : i32
    scf.for %scan3A_107 = %scan3A_102 to %scan3A_104 step %scan3A_105  : i32 {
      %mul3A_108 = arith.constant 1 : i32
      %mul3A_109 = arith.muli %scan3A_107, %mul3A_108 : i32
      %add3A_110 = arith.constant 0 : i32
      %add3A_111 = arith.addi %add3A_110, %mul3A_109 : i32
      "tpu.region"() ({
        %run_scoped3A_117 = tpu.sem_alloc : memref<!tpu.dma_semaphore, #tpu.memory_space<semaphore_mem>>
        %dma_start3A_118 = arith.constant 0 : i32
        %dma_start3A_119 = tpu.memref_slice %arg12[%add3A_111, %dma_start3A_118] : memref<5x128xi32, #tpu.memory_space<vmem>> -> memref<1x128xi32, #tpu.memory_space<vmem>>
        %dma_start3A_120 = tpu.memref_squeeze %dma_start3A_119 : memref<1x128xi32, #tpu.memory_space<vmem>> -> memref<128xi32, #tpu.memory_space<vmem>>
        %dma_start3A_121 = arith.constant 0 : i32
        %dma_start3A_122 = arith.constant 0 : i32
        %dma_start3A_123 = tpu.memref_slice %arg16[%dma_start3A_121, %dma_start3A_122] : memref<10240x128xf32, #tpu.memory_space<vmem_shared>> -> memref<10240x128xf32, #tpu.memory_space<vmem_shared>>
        tpu.enqueue_indirect_dma source(%dma_start3A_123 : memref<10240x128xf32, #tpu.memory_space<vmem_shared>>) target(%arg10 : memref<128x128xf32, #tpu.memory_space<vmem>>) offsets(%dma_start3A_120 : memref<128xi32, #tpu.memory_space<vmem>>) semaphore(%run_scoped3A_117 : memref<!tpu.dma_semaphore, #tpu.memory_space<semaphore_mem>>)
        %dma_wait3A_124 = arith.constant 0 : i32
        %dma_wait3A_125 = tpu.memref_slice %arg12[%add3A_111, %dma_wait3A_124] : memref<5x128xi32, #tpu.memory_space<vmem>> -> memref<1x128xi32, #tpu.memory_space<vmem>>
        %dma_wait3A_126 = tpu.memref_squeeze %dma_wait3A_125 : memref<1x128xi32, #tpu.memory_space<vmem>> -> memref<128xi32, #tpu.memory_space<vmem>>
        %dma_wait3A_127 = arith.constant 0 : i32
        %dma_wait3A_128 = arith.constant 0 : i32
        %dma_wait3A_129 = tpu.memref_slice %arg16[%dma_wait3A_127, %dma_wait3A_128] : memref<10240x128xf32, #tpu.memory_space<vmem_shared>> -> memref<10240x128xf32, #tpu.memory_space<vmem_shared>>
        tpu.wait_indirect_dma semaphore(%run_scoped3A_117 : memref<!tpu.dma_semaphore, #tpu.memory_space<semaphore_mem>>) src(%dma_wait3A_129 : memref<10240x128xf32, #tpu.memory_space<vmem_shared>>) dst(%arg10 : memref<128x128xf32, #tpu.memory_space<vmem>>)
        tpu.yield
      }) : () -> ()
      %mul3A_112 = arith.constant 640 : i32
      %mul3A_113 = arith.muli %arg1, %mul3A_112 : i32
      %mul3A_114 = arith.constant 128 : i32
      %mul3A_115 = arith.muli %add3A_111, %mul3A_114 : i32
      %add3A_116 = arith.addi %mul3A_113, %mul3A_115 : i32
      "tpu.region"() ({
        %run_scoped3A_117 = tpu.sem_alloc : memref<!tpu.dma_semaphore, #tpu.memory_space<semaphore_mem>>
        %dma_start3A_118 = arith.constant 0 : i32
        %dma_start3A_119 = tpu.memref_slice %arg5[%arg0, %add3A_116, %dma_start3A_118] : memref<2x10240x128xf32, #tpu.memory_space<hbm>> -> memref<1x128x128xf32, #tpu.memory_space<hbm>>
        %dma_start3A_120 = tpu.memref_squeeze %dma_start3A_119 : memref<1x128x128xf32, #tpu.memory_space<hbm>> -> memref<128x128xf32, #tpu.memory_space<hbm>>
        %dma_start3A_121 = arith.constant 0 : i32
        %dma_start3A_122 = tpu.memref_slice %arg5[%arg0, %add3A_116, %dma_start3A_121] : memref<2x10240x128xf32, #tpu.memory_space<hbm>> -> memref<1x128x128xf32, #tpu.memory_space<hbm>>
        %dma_start3A_123 = tpu.memref_squeeze %dma_start3A_122 : memref<1x128x128xf32, #tpu.memory_space<hbm>> -> memref<128x128xf32, #tpu.memory_space<hbm>>
        tpu.enqueue_dma source(%arg10 : memref<128x128xf32, #tpu.memory_space<vmem>>) target(%dma_start3A_123 : memref<128x128xf32, #tpu.memory_space<hbm>>) target_semaphore(%run_scoped3A_117 : memref<!tpu.dma_semaphore, #tpu.memory_space<semaphore_mem>>)
        %dma_wait3A_124 = arith.constant 0 : i32
        %dma_wait3A_125 = tpu.memref_slice %arg5[%arg0, %add3A_116, %dma_wait3A_124] : memref<2x10240x128xf32, #tpu.memory_space<hbm>> -> memref<1x128x128xf32, #tpu.memory_space<hbm>>
        %dma_wait3A_126 = tpu.memref_squeeze %dma_wait3A_125 : memref<1x128x128xf32, #tpu.memory_space<hbm>> -> memref<128x128xf32, #tpu.memory_space<hbm>>
        %dma_wait3A_127 = arith.constant 0 : i32
        %dma_wait3A_128 = tpu.memref_slice %arg5[%arg0, %add3A_116, %dma_wait3A_127] : memref<2x10240x128xf32, #tpu.memory_space<hbm>> -> memref<1x128x128xf32, #tpu.memory_space<hbm>>
        %dma_wait3A_129 = tpu.memref_squeeze %dma_wait3A_128 : memref<1x128x128xf32, #tpu.memory_space<hbm>> -> memref<128x128xf32, #tpu.memory_space<hbm>>
        tpu.wait_dma2 semaphore(%run_scoped3A_117 : memref<!tpu.dma_semaphore, #tpu.memory_space<semaphore_mem>>) src(%arg10 : memref<128x128xf32, #tpu.memory_space<vmem>>) dst(%dma_wait3A_129 : memref<128x128xf32, #tpu.memory_space<hbm>>)
        tpu.yield
      }) : () -> ()
    }
    %scan3A_106 = arith.constant 5 : i32
    return
  }
}

module attributes {stable_mosaic.version = 14 : i64} {
  func.func @_lin1_kernel(%arg0: i32, %arg1: memref<1000x128xf32, #tpu.memory_space<vmem>>, %arg2: memref<128x128xf32, #tpu.memory_space<vmem>>, %arg3: memref<1x128xf32, #tpu.memory_space<vmem>>, %arg4: memref<1000x128xf32, #tpu.memory_space<vmem>>) attributes {dimension_semantics = [#tpu.dimension_semantics<arbitrary>], iteration_bounds = array<i64: 10>, scalar_prefetch = 0 : i64, scratch_operands = 0 : i64, tpu.core_type = #tpu.core_type<tc>, window_params = [{transform_indices = @transform_0, window_bounds = array<i64: 1000, 128>}, {pipeline_mode = #tpu.pipeline_mode<synchronous>, transform_indices = @transform_1, window_bounds = array<i64: 128, 128>}, {pipeline_mode = #tpu.pipeline_mode<synchronous>, transform_indices = @transform_2, window_bounds = array<i64: 1, 128>}, {transform_indices = @transform_3, window_bounds = array<i64: 1000, 128>}]} {
    %get3A = arith.constant 0 : index
    %get3A_0 = arith.constant 0 : index
    %get3A_1 = vector.load %arg1[%get3A, %get3A_0] : memref<1000x128xf32, #tpu.memory_space<vmem>>, vector<1000x128xf32>
    %get3A_2 = arith.constant 0 : index
    %get3A_3 = arith.constant 0 : index
    %get3A_4 = vector.load %arg2[%get3A_2, %get3A_3] : memref<128x128xf32, #tpu.memory_space<vmem>>, vector<128x128xf32>
    %dot_general3A = arith.constant dense<0.000000e+00> : vector<1000x128xf32>
    %dot_general3A_5 = tpu.matmul %get3A_1, %get3A_4, %dot_general3A {dimension_numbers = #tpu.dot_dimension_numbers<[1], [0], [0], [1], [0, 0, 1, 1], [], []>, precision = #tpu.contract_precision<fp32>, transpose_lhs_hint = false} : vector<1000x128xf32>, vector<128x128xf32>, vector<1000x128xf32> -> vector<1000x128xf32>
    %get3A_6 = arith.constant 0 : index
    %get3A_7 = arith.constant 0 : index
    %get3A_8 = vector.load %arg3[%get3A_6, %get3A_7] : memref<1x128xf32, #tpu.memory_space<vmem>>, vector<1x128xf32>
    %add3A = vector.broadcast %get3A_8 : vector<1x128xf32> to vector<1000x128xf32>
    %add3A_9 = arith.addf %dot_general3A_5, %add3A : vector<1000x128xf32>
    %swap3A = arith.constant 0 : index
    %swap3A_10 = arith.constant 0 : index
    %swap3A_11 = vector.load %arg4[%swap3A, %swap3A_10] : memref<1000x128xf32, #tpu.memory_space<vmem>>, vector<1000x128xf32>
    tpu.vector_store %arg4[%swap3A, %swap3A_10], %add3A_9 {strides = array<i32>} : memref<1000x128xf32, #tpu.memory_space<vmem>>, vector<1000x128xf32>,
    return
  }
  func.func @transform_0(%arg0: i32) -> (i32, i32) {
    %c0_i32 = arith.constant 0 : i32
    %c0_i32_0 = arith.constant 0 : i32
    return %arg0, %c0_i32 : i32, i32
  }
  func.func @transform_1(%arg0: i32) -> (i32, i32) {
    %c0_i32 = arith.constant 0 : i32
    %c0_i32_0 = arith.constant 0 : i32
    %c0_i32_1 = arith.constant 0 : i32
    return %c0_i32, %c0_i32_0 : i32, i32
  }
  func.func @transform_2(%arg0: i32) -> (i32, i32) {
    %c0_i32 = arith.constant 0 : i32
    %c0_i32_0 = arith.constant 0 : i32
    %c0_i32_1 = arith.constant 0 : i32
    return %c0_i32, %c0_i32_0 : i32, i32
  }
  func.func @transform_3(%arg0: i32) -> (i32, i32) {
    %c0_i32 = arith.constant 0 : i32
    %c0_i32_0 = arith.constant 0 : i32
    return %arg0, %c0_i32 : i32, i32
  }
}

module attributes {stable_mosaic.version = 14 : i64} {
  func.func @_scale0_kernel(%arg0: i32, %arg1: memref<2x1024x16xf32, #tpu.memory_space<vmem>>, %arg2: memref<1024x128xf32, #tpu.memory_space<vmem>>, %arg3: memref<1024x128xf32, #tpu.memory_space<vmem>>, %arg4: memref<1024x128xf32, #tpu.memory_space<vmem>>) attributes {dimension_semantics = [#tpu.dimension_semantics<arbitrary>], iteration_bounds = array<i64: 10>, scalar_prefetch = 0 : i64, scratch_operands = 0 : i64, tpu.core_type = #tpu.core_type<tc>, window_params = [{transform_indices = @transform_0, window_bounds = array<i64: 2, 1024, 16>}, {transform_indices = @transform_1, window_bounds = array<i64: 1024, 128>}, {transform_indices = @transform_2, window_bounds = array<i64: 1024, 128>}, {transform_indices = @transform_3, window_bounds = array<i64: 1024, 128>}]} {
    %get3A = arith.constant 0 : index
    %get3A_0 = arith.constant 0 : index
    %get3A_1 = arith.constant 0 : index
    %get3A_2 = vector.load %arg1[%get3A, %get3A_0, %get3A_1] : memref<2x1024x16xf32, #tpu.memory_space<vmem>>, vector<1x1024x1xf32>
    %get3A_3 = vector.shape_cast %get3A_2 : vector<1x1024x1xf32> to vector<1024x1xf32>
    %get3A_4 = arith.constant 1 : index
    %get3A_5 = arith.constant 0 : index
    %get3A_6 = arith.constant 0 : index
    %get3A_7 = vector.load %arg1[%get3A_4, %get3A_5, %get3A_6] : memref<2x1024x16xf32, #tpu.memory_space<vmem>>, vector<1x1024x1xf32>
    %get3A_8 = vector.shape_cast %get3A_7 : vector<1x1024x1xf32> to vector<1024x1xf32>
    %add3A = arith.addf %get3A_3, %get3A_8 : vector<1024x1xf32>
    %add3A_9 = arith.constant 1.000000e+00 : f32
    %add3A_10 = vector.broadcast %add3A_9 : f32 to vector<1024x1xf32>
    %add3A_11 = arith.addf %add3A, %add3A_10 : vector<1024x1xf32>
    %rsqrt3A = math.rsqrt %add3A_11 : vector<1024x1xf32>
    %mul3A = arith.constant 1024 : i32
    %mul3A_12 = arith.muli %arg0, %mul3A : i32
    %iota3A = tpu.iota {dimensions = array<i32: 0>} : vector<1024x1xi32>
    %add3A_13 = vector.broadcast %mul3A_12 : i32 to vector<1024x1xi32>
    %add3A_14 = arith.addi %add3A_13, %iota3A : vector<1024x1xi32>
    %lt3A = arith.constant 10000 : i32
    %lt3A_15 = vector.broadcast %lt3A : i32 to vector<1024x1xi32>
    %lt3A_16 = arith.cmpi slt, %add3A_14, %lt3A_15 : vector<1024x1xi32>
    %jit3A = arith.constant 0.000000e+00 : f32
    %broadcast_in_dim3A = vector.broadcast %jit3A : f32 to vector<1024x1xf32>
    %select_n3A = arith.select %lt3A_16, %rsqrt3A, %broadcast_in_dim3A : vector<1024x1xi1>, vector<1024x1xf32>
    %get3A_17 = arith.constant 0 : index
    %get3A_18 = arith.constant 0 : index
    %get3A_19 = vector.load %arg2[%get3A_17, %get3A_18] : memref<1024x128xf32, #tpu.memory_space<vmem>>, vector<1024x128xf32>
    %mul3A_20 = vector.broadcast %select_n3A : vector<1024x1xf32> to vector<1024x128xf32>
    %mul3A_21 = arith.mulf %get3A_19, %mul3A_20 : vector<1024x128xf32>
    %swap3A = arith.constant 0 : index
    %swap3A_22 = arith.constant 0 : index
    %swap3A_23 = vector.load %arg3[%swap3A, %swap3A_22] : memref<1024x128xf32, #tpu.memory_space<vmem>>, vector<1024x128xf32>
    tpu.vector_store %arg3[%swap3A, %swap3A_22], %mul3A_21 {strides = array<i32>} : memref<1024x128xf32, #tpu.memory_space<vmem>>, vector<1024x128xf32>,
    %max3A = arith.constant 0.000000e+00 : f32
    %max3A_24 = vector.broadcast %max3A : f32 to vector<1024x128xf32>
    %max3A_25 = arith.maximumf %get3A_19, %max3A_24 : vector<1024x128xf32>
    %swap3A_26 = arith.constant 0 : index
    %swap3A_27 = arith.constant 0 : index
    %swap3A_28 = vector.load %arg4[%swap3A_26, %swap3A_27] : memref<1024x128xf32, #tpu.memory_space<vmem>>, vector<1024x128xf32>
    tpu.vector_store %arg4[%swap3A_26, %swap3A_27], %max3A_25 {strides = array<i32>} : memref<1024x128xf32, #tpu.memory_space<vmem>>, vector<1024x128xf32>,
    return
  }
  func.func @transform_0(%arg0: i32) -> (i32, i32, i32) {
    %c0_i32 = arith.constant 0 : i32
    %c0_i32_0 = arith.constant 0 : i32
    %c0_i32_1 = arith.constant 0 : i32
    return %c0_i32, %arg0, %c0_i32_0 : i32, i32, i32
  }
  func.func @transform_1(%arg0: i32) -> (i32, i32) {
    %c0_i32 = arith.constant 0 : i32
    %c0_i32_0 = arith.constant 0 : i32
    return %arg0, %c0_i32 : i32, i32
  }
  func.func @transform_2(%arg0: i32) -> (i32, i32) {
    %c0_i32 = arith.constant 0 : i32
    %c0_i32_0 = arith.constant 0 : i32
    return %arg0, %c0_i32 : i32, i32
  }
  func.func @transform_3(%arg0: i32) -> (i32, i32) {
    %c0_i32 = arith.constant 0 : i32
    %c0_i32_0 = arith.constant 0 : i32
    return %arg0, %c0_i32 : i32, i32
  }
}

module attributes {stable_mosaic.version = 14 : i64} {
  func.func @_mid_kernel(%arg0: i32, %arg1: memref<2x1024x16xf32, #tpu.memory_space<vmem>>, %arg2: memref<2x1024x128xf32, #tpu.memory_space<vmem>>, %arg3: memref<1024x128xf32, #tpu.memory_space<vmem>>, %arg4: memref<1024x128xf32, #tpu.memory_space<vmem>>, %arg5: memref<1024x128xf32, #tpu.memory_space<vmem>>) attributes {dimension_semantics = [#tpu.dimension_semantics<arbitrary>], iteration_bounds = array<i64: 10>, scalar_prefetch = 0 : i64, scratch_operands = 0 : i64, tpu.core_type = #tpu.core_type<tc>, window_params = [{transform_indices = @transform_0, window_bounds = array<i64: 2, 1024, 16>}, {transform_indices = @transform_1, window_bounds = array<i64: 2, 1024, 128>}, {transform_indices = @transform_2, window_bounds = array<i64: 1024, 128>}, {transform_indices = @transform_3, window_bounds = array<i64: 1024, 128>}, {transform_indices = @transform_4, window_bounds = array<i64: 1024, 128>}]} {
    %get3A = arith.constant 0 : index
    %get3A_0 = arith.constant 0 : index
    %get3A_1 = arith.constant 0 : index
    %get3A_2 = vector.load %arg1[%get3A, %get3A_0, %get3A_1] : memref<2x1024x16xf32, #tpu.memory_space<vmem>>, vector<1x1024x1xf32>
    %get3A_3 = vector.shape_cast %get3A_2 : vector<1x1024x1xf32> to vector<1024x1xf32>
    %get3A_4 = arith.constant 1 : index
    %get3A_5 = arith.constant 0 : index
    %get3A_6 = arith.constant 0 : index
    %get3A_7 = vector.load %arg1[%get3A_4, %get3A_5, %get3A_6] : memref<2x1024x16xf32, #tpu.memory_space<vmem>>, vector<1x1024x1xf32>
    %get3A_8 = vector.shape_cast %get3A_7 : vector<1x1024x1xf32> to vector<1024x1xf32>
    %add3A = arith.addf %get3A_3, %get3A_8 : vector<1024x1xf32>
    %add3A_9 = arith.constant 1.000000e+00 : f32
    %add3A_10 = vector.broadcast %add3A_9 : f32 to vector<1024x1xf32>
    %add3A_11 = arith.addf %add3A, %add3A_10 : vector<1024x1xf32>
    %rsqrt3A = math.rsqrt %add3A_11 : vector<1024x1xf32>
    %mul3A = arith.constant 1024 : i32
    %mul3A_12 = arith.muli %arg0, %mul3A : i32
    %iota3A = tpu.iota {dimensions = array<i32: 0>} : vector<1024x1xi32>
    %add3A_13 = vector.broadcast %mul3A_12 : i32 to vector<1024x1xi32>
    %add3A_14 = arith.addi %add3A_13, %iota3A : vector<1024x1xi32>
    %lt3A = arith.constant 10000 : i32
    %lt3A_15 = vector.broadcast %lt3A : i32 to vector<1024x1xi32>
    %lt3A_16 = arith.cmpi slt, %add3A_14, %lt3A_15 : vector<1024x1xi32>
    %jit3A = arith.constant 0.000000e+00 : f32
    %broadcast_in_dim3A = vector.broadcast %jit3A : f32 to vector<1024x1xf32>
    %select_n3A = arith.select %lt3A_16, %rsqrt3A, %broadcast_in_dim3A : vector<1024x1xi1>, vector<1024x1xf32>
    %get3A_17 = arith.constant 0 : index
    %get3A_18 = arith.constant 0 : index
    %get3A_19 = arith.constant 0 : index
    %get3A_20 = vector.load %arg2[%get3A_17, %get3A_18, %get3A_19] : memref<2x1024x128xf32, #tpu.memory_space<vmem>>, vector<1x1024x128xf32>
    %get3A_21 = vector.shape_cast %get3A_20 : vector<1x1024x128xf32> to vector<1024x128xf32>
    %get3A_22 = arith.constant 1 : index
    %get3A_23 = arith.constant 0 : index
    %get3A_24 = arith.constant 0 : index
    %get3A_25 = vector.load %arg2[%get3A_22, %get3A_23, %get3A_24] : memref<2x1024x128xf32, #tpu.memory_space<vmem>>, vector<1x1024x128xf32>
    %get3A_26 = vector.shape_cast %get3A_25 : vector<1x1024x128xf32> to vector<1024x128xf32>
    %add3A_27 = arith.addf %get3A_21, %get3A_26 : vector<1024x128xf32>
    %get3A_28 = arith.constant 0 : index
    %get3A_29 = arith.constant 0 : index
    %get3A_30 = vector.load %arg3[%get3A_28, %get3A_29] : memref<1024x128xf32, #tpu.memory_space<vmem>>, vector<1024x128xf32>
    %add3A_31 = arith.addf %add3A_27, %get3A_30 : vector<1024x128xf32>
    %mul3A_32 = vector.broadcast %select_n3A : vector<1024x1xf32> to vector<1024x128xf32>
    %mul3A_33 = arith.mulf %add3A_31, %mul3A_32 : vector<1024x128xf32>
    %mul3A_34 = vector.broadcast %select_n3A : vector<1024x1xf32> to vector<1024x128xf32>
    %mul3A_35 = arith.mulf %mul3A_33, %mul3A_34 : vector<1024x128xf32>
    %swap3A = arith.constant 0 : index
    %swap3A_36 = arith.constant 0 : index
    %swap3A_37 = vector.load %arg4[%swap3A, %swap3A_36] : memref<1024x128xf32, #tpu.memory_space<vmem>>, vector<1024x128xf32>
    tpu.vector_store %arg4[%swap3A, %swap3A_36], %mul3A_35 {strides = array<i32>} : memref<1024x128xf32, #tpu.memory_space<vmem>>, vector<1024x128xf32>,
    %max3A = arith.constant 0.000000e+00 : f32
    %max3A_38 = vector.broadcast %max3A : f32 to vector<1024x128xf32>
    %max3A_39 = arith.maximumf %mul3A_33, %max3A_38 : vector<1024x128xf32>
    %swap3A_40 = arith.constant 0 : index
    %swap3A_41 = arith.constant 0 : index
    %swap3A_42 = vector.load %arg5[%swap3A_40, %swap3A_41] : memref<1024x128xf32, #tpu.memory_space<vmem>>, vector<1024x128xf32>
    tpu.vector_store %arg5[%swap3A_40, %swap3A_41], %max3A_39 {strides = array<i32>} : memref<1024x128xf32, #tpu.memory_space<vmem>>, vector<1024x128xf32>,
    return
  }
  func.func @transform_0(%arg0: i32) -> (i32, i32, i32) {
    %c0_i32 = arith.constant 0 : i32
    %c0_i32_0 = arith.constant 0 : i32
    %c0_i32_1 = arith.constant 0 : i32
    return %c0_i32, %arg0, %c0_i32_0 : i32, i32, i32
  }
  func.func @transform_1(%arg0: i32) -> (i32, i32, i32) {
    %c0_i32 = arith.constant 0 : i32
    %c0_i32_0 = arith.constant 0 : i32
    %c0_i32_1 = arith.constant 0 : i32
    return %c0_i32, %arg0, %c0_i32_0 : i32, i32, i32
  }
  func.func @transform_2(%arg0: i32) -> (i32, i32) {
    %c0_i32 = arith.constant 0 : i32
    %c0_i32_0 = arith.constant 0 : i32
    return %arg0, %c0_i32 : i32, i32
  }
  func.func @transform_3(%arg0: i32) -> (i32, i32) {
    %c0_i32 = arith.constant 0 : i32
    %c0_i32_0 = arith.constant 0 : i32
    return %arg0, %c0_i32 : i32, i32
  }
  func.func @transform_4(%arg0: i32) -> (i32, i32) {
    %c0_i32 = arith.constant 0 : i32
    %c0_i32_0 = arith.constant 0 : i32
    return %arg0, %c0_i32 : i32, i32
  }
}

module attributes {stable_mosaic.version = 14 : i64} {
  func.func @_mid_kernel(%arg0: i32, %arg1: memref<2x1024x16xf32, #tpu.memory_space<vmem>>, %arg2: memref<2x1024x128xf32, #tpu.memory_space<vmem>>, %arg3: memref<1024x128xf32, #tpu.memory_space<vmem>>, %arg4: memref<1024x128xf32, #tpu.memory_space<vmem>>, %arg5: memref<1024x128xf32, #tpu.memory_space<vmem>>) attributes {dimension_semantics = [#tpu.dimension_semantics<arbitrary>], iteration_bounds = array<i64: 10>, scalar_prefetch = 0 : i64, scratch_operands = 0 : i64, tpu.core_type = #tpu.core_type<tc>, window_params = [{transform_indices = @transform_0, window_bounds = array<i64: 2, 1024, 16>}, {transform_indices = @transform_1, window_bounds = array<i64: 2, 1024, 128>}, {transform_indices = @transform_2, window_bounds = array<i64: 1024, 128>}, {transform_indices = @transform_3, window_bounds = array<i64: 1024, 128>}, {transform_indices = @transform_4, window_bounds = array<i64: 1024, 128>}]} {
    %get3A = arith.constant 0 : index
    %get3A_0 = arith.constant 0 : index
    %get3A_1 = arith.constant 0 : index
    %get3A_2 = vector.load %arg1[%get3A, %get3A_0, %get3A_1] : memref<2x1024x16xf32, #tpu.memory_space<vmem>>, vector<1x1024x1xf32>
    %get3A_3 = vector.shape_cast %get3A_2 : vector<1x1024x1xf32> to vector<1024x1xf32>
    %get3A_4 = arith.constant 1 : index
    %get3A_5 = arith.constant 0 : index
    %get3A_6 = arith.constant 0 : index
    %get3A_7 = vector.load %arg1[%get3A_4, %get3A_5, %get3A_6] : memref<2x1024x16xf32, #tpu.memory_space<vmem>>, vector<1x1024x1xf32>
    %get3A_8 = vector.shape_cast %get3A_7 : vector<1x1024x1xf32> to vector<1024x1xf32>
    %add3A = arith.addf %get3A_3, %get3A_8 : vector<1024x1xf32>
    %add3A_9 = arith.constant 1.000000e+00 : f32
    %add3A_10 = vector.broadcast %add3A_9 : f32 to vector<1024x1xf32>
    %add3A_11 = arith.addf %add3A, %add3A_10 : vector<1024x1xf32>
    %rsqrt3A = math.rsqrt %add3A_11 : vector<1024x1xf32>
    %mul3A = arith.constant 1024 : i32
    %mul3A_12 = arith.muli %arg0, %mul3A : i32
    %iota3A = tpu.iota {dimensions = array<i32: 0>} : vector<1024x1xi32>
    %add3A_13 = vector.broadcast %mul3A_12 : i32 to vector<1024x1xi32>
    %add3A_14 = arith.addi %add3A_13, %iota3A : vector<1024x1xi32>
    %lt3A = arith.constant 10000 : i32
    %lt3A_15 = vector.broadcast %lt3A : i32 to vector<1024x1xi32>
    %lt3A_16 = arith.cmpi slt, %add3A_14, %lt3A_15 : vector<1024x1xi32>
    %jit3A = arith.constant 0.000000e+00 : f32
    %broadcast_in_dim3A = vector.broadcast %jit3A : f32 to vector<1024x1xf32>
    %select_n3A = arith.select %lt3A_16, %rsqrt3A, %broadcast_in_dim3A : vector<1024x1xi1>, vector<1024x1xf32>
    %get3A_17 = arith.constant 0 : index
    %get3A_18 = arith.constant 0 : index
    %get3A_19 = arith.constant 0 : index
    %get3A_20 = vector.load %arg2[%get3A_17, %get3A_18, %get3A_19] : memref<2x1024x128xf32, #tpu.memory_space<vmem>>, vector<1x1024x128xf32>
    %get3A_21 = vector.shape_cast %get3A_20 : vector<1x1024x128xf32> to vector<1024x128xf32>
    %get3A_22 = arith.constant 1 : index
    %get3A_23 = arith.constant 0 : index
    %get3A_24 = arith.constant 0 : index
    %get3A_25 = vector.load %arg2[%get3A_22, %get3A_23, %get3A_24] : memref<2x1024x128xf32, #tpu.memory_space<vmem>>, vector<1x1024x128xf32>
    %get3A_26 = vector.shape_cast %get3A_25 : vector<1x1024x128xf32> to vector<1024x128xf32>
    %add3A_27 = arith.addf %get3A_21, %get3A_26 : vector<1024x128xf32>
    %get3A_28 = arith.constant 0 : index
    %get3A_29 = arith.constant 0 : index
    %get3A_30 = vector.load %arg3[%get3A_28, %get3A_29] : memref<1024x128xf32, #tpu.memory_space<vmem>>, vector<1024x128xf32>
    %add3A_31 = arith.addf %add3A_27, %get3A_30 : vector<1024x128xf32>
    %mul3A_32 = vector.broadcast %select_n3A : vector<1024x1xf32> to vector<1024x128xf32>
    %mul3A_33 = arith.mulf %add3A_31, %mul3A_32 : vector<1024x128xf32>
    %mul3A_34 = vector.broadcast %select_n3A : vector<1024x1xf32> to vector<1024x128xf32>
    %mul3A_35 = arith.mulf %mul3A_33, %mul3A_34 : vector<1024x128xf32>
    %swap3A = arith.constant 0 : index
    %swap3A_36 = arith.constant 0 : index
    %swap3A_37 = vector.load %arg4[%swap3A, %swap3A_36] : memref<1024x128xf32, #tpu.memory_space<vmem>>, vector<1024x128xf32>
    tpu.vector_store %arg4[%swap3A, %swap3A_36], %mul3A_35 {strides = array<i32>} : memref<1024x128xf32, #tpu.memory_space<vmem>>, vector<1024x128xf32>,
    %max3A = arith.constant 0.000000e+00 : f32
    %max3A_38 = vector.broadcast %max3A : f32 to vector<1024x128xf32>
    %max3A_39 = arith.maximumf %mul3A_33, %max3A_38 : vector<1024x128xf32>
    %swap3A_40 = arith.constant 0 : index
    %swap3A_41 = arith.constant 0 : index
    %swap3A_42 = vector.load %arg5[%swap3A_40, %swap3A_41] : memref<1024x128xf32, #tpu.memory_space<vmem>>, vector<1024x128xf32>
    tpu.vector_store %arg5[%swap3A_40, %swap3A_41], %max3A_39 {strides = array<i32>} : memref<1024x128xf32, #tpu.memory_space<vmem>>, vector<1024x128xf32>,
    return
  }
  func.func @transform_0(%arg0: i32) -> (i32, i32, i32) {
    %c0_i32 = arith.constant 0 : i32
    %c0_i32_0 = arith.constant 0 : i32
    %c0_i32_1 = arith.constant 0 : i32
    return %c0_i32, %arg0, %c0_i32_0 : i32, i32, i32
  }
  func.func @transform_1(%arg0: i32) -> (i32, i32, i32) {
    %c0_i32 = arith.constant 0 : i32
    %c0_i32_0 = arith.constant 0 : i32
    %c0_i32_1 = arith.constant 0 : i32
    return %c0_i32, %arg0, %c0_i32_0 : i32, i32, i32
  }
  func.func @transform_2(%arg0: i32) -> (i32, i32) {
    %c0_i32 = arith.constant 0 : i32
    %c0_i32_0 = arith.constant 0 : i32
    return %arg0, %c0_i32 : i32, i32
  }
  func.func @transform_3(%arg0: i32) -> (i32, i32) {
    %c0_i32 = arith.constant 0 : i32
    %c0_i32_0 = arith.constant 0 : i32
    return %arg0, %c0_i32 : i32, i32
  }
  func.func @transform_4(%arg0: i32) -> (i32, i32) {
    %c0_i32 = arith.constant 0 : i32
    %c0_i32_0 = arith.constant 0 : i32
    return %arg0, %c0_i32 : i32, i32
  }
}

module attributes {stable_mosaic.version = 14 : i64} {
  func.func @_out_kernel(%arg0: i32, %arg1: memref<1000x128xf32, #tpu.memory_space<vmem>>, %arg2: memref<1000x128xf32, #tpu.memory_space<vmem>>, %arg3: memref<1000x128xf32, #tpu.memory_space<vmem>>, %arg4: memref<128x40xf32, #tpu.memory_space<vmem>>, %arg5: memref<128x40xf32, #tpu.memory_space<vmem>>, %arg6: memref<128x40xf32, #tpu.memory_space<vmem>>, %arg7: memref<1x40xf32, #tpu.memory_space<vmem>>, %arg8: memref<1000x40xf32, #tpu.memory_space<vmem>>) attributes {dimension_semantics = [#tpu.dimension_semantics<arbitrary>], iteration_bounds = array<i64: 10>, scalar_prefetch = 0 : i64, scratch_operands = 0 : i64, tpu.core_type = #tpu.core_type<tc>, window_params = [{transform_indices = @transform_0, window_bounds = array<i64: 1000, 128>}, {transform_indices = @transform_1, window_bounds = array<i64: 1000, 128>}, {transform_indices = @transform_2, window_bounds = array<i64: 1000, 128>}, {pipeline_mode = #tpu.pipeline_mode<synchronous>, transform_indices = @transform_3, window_bounds = array<i64: 128, 40>}, {pipeline_mode = #tpu.pipeline_mode<synchronous>, transform_indices = @transform_4, window_bounds = array<i64: 128, 40>}, {pipeline_mode = #tpu.pipeline_mode<synchronous>, transform_indices = @transform_5, window_bounds = array<i64: 128, 40>}, {pipeline_mode = #tpu.pipeline_mode<synchronous>, transform_indices = @transform_6, window_bounds = array<i64: 1, 40>}, {transform_indices = @transform_7, window_bounds = array<i64: 1000, 40>}]} {
    %get3A = arith.constant 0 : index
    %get3A_0 = arith.constant 0 : index
    %get3A_1 = vector.load %arg1[%get3A, %get3A_0] : memref<1000x128xf32, #tpu.memory_space<vmem>>, vector<1000x128xf32>
    %get3A_2 = arith.constant 0 : index
    %get3A_3 = arith.constant 0 : index
    %get3A_4 = vector.load %arg4[%get3A_2, %get3A_3] : memref<128x40xf32, #tpu.memory_space<vmem>>, vector<128x40xf32>
    %dot_general3A = arith.constant dense<0.000000e+00> : vector<1000x40xf32>
    %dot_general3A_5 = tpu.matmul %get3A_1, %get3A_4, %dot_general3A {dimension_numbers = #tpu.dot_dimension_numbers<[1], [0], [0], [1], [0, 0, 1, 1], [], []>, precision = #tpu.contract_precision<fp32>, transpose_lhs_hint = false} : vector<1000x128xf32>, vector<128x40xf32>, vector<1000x40xf32> -> vector<1000x40xf32>
    %get3A_6 = arith.constant 0 : index
    %get3A_7 = arith.constant 0 : index
    %get3A_8 = vector.load %arg2[%get3A_6, %get3A_7] : memref<1000x128xf32, #tpu.memory_space<vmem>>, vector<1000x128xf32>
    %get3A_9 = arith.constant 0 : index
    %get3A_10 = arith.constant 0 : index
    %get3A_11 = vector.load %arg5[%get3A_9, %get3A_10] : memref<128x40xf32, #tpu.memory_space<vmem>>, vector<128x40xf32>
    %dot_general3A_12 = arith.constant dense<0.000000e+00> : vector<1000x40xf32>
    %dot_general3A_13 = tpu.matmul %get3A_8, %get3A_11, %dot_general3A_12 {dimension_numbers = #tpu.dot_dimension_numbers<[1], [0], [0], [1], [0, 0, 1, 1], [], []>, precision = #tpu.contract_precision<fp32>, transpose_lhs_hint = false} : vector<1000x128xf32>, vector<128x40xf32>, vector<1000x40xf32> -> vector<1000x40xf32>
    %add3A = arith.addf %dot_general3A_5, %dot_general3A_13 : vector<1000x40xf32>
    %get3A_14 = arith.constant 0 : index
    %get3A_15 = arith.constant 0 : index
    %get3A_16 = vector.load %arg3[%get3A_14, %get3A_15] : memref<1000x128xf32, #tpu.memory_space<vmem>>, vector<1000x128xf32>
    %get3A_17 = arith.constant 0 : index
    %get3A_18 = arith.constant 0 : index
    %get3A_19 = vector.load %arg6[%get3A_17, %get3A_18] : memref<128x40xf32, #tpu.memory_space<vmem>>, vector<128x40xf32>
    %dot_general3A_20 = arith.constant dense<0.000000e+00> : vector<1000x40xf32>
    %dot_general3A_21 = tpu.matmul %get3A_16, %get3A_19, %dot_general3A_20 {dimension_numbers = #tpu.dot_dimension_numbers<[1], [0], [0], [1], [0, 0, 1, 1], [], []>, precision = #tpu.contract_precision<fp32>, transpose_lhs_hint = false} : vector<1000x128xf32>, vector<128x40xf32>, vector<1000x40xf32> -> vector<1000x40xf32>
    %add3A_22 = arith.addf %add3A, %dot_general3A_21 : vector<1000x40xf32>
    %get3A_23 = arith.constant 0 : index
    %get3A_24 = arith.constant 0 : index
    %get3A_25 = vector.load %arg7[%get3A_23, %get3A_24] : memref<1x40xf32, #tpu.memory_space<vmem>>, vector<1x40xf32>
    %add3A_26 = vector.broadcast %get3A_25 : vector<1x40xf32> to vector<1000x40xf32>
    %add3A_27 = arith.addf %add3A_22, %add3A_26 : vector<1000x40xf32>
    %reduce_max3A = arith.constant dense<0xFF800000> : vector<1000xf32>
    %reduce_max3A_28 = vector.multi_reduction <maximumf>, %add3A_27, %reduce_max3A [1] : vector<1000x40xf32> to vector<1000xf32>
    %broadcast_in_dim3A = vector.shape_cast %reduce_max3A_28 : vector<1000xf32> to vector<1000x1xf32>
    %sub3A = vector.broadcast %broadcast_in_dim3A : vector<1000x1xf32> to vector<1000x40xf32>
    %sub3A_29 = arith.subf %add3A_27, %sub3A : vector<1000x40xf32>
    %exp3A = math.exp %sub3A_29 : vector<1000x40xf32>
    %reduce_sum3A = arith.constant dense<0.000000e+00> : vector<1000xf32>
    %reduce_sum3A_30 = vector.multi_reduction <add>, %exp3A, %reduce_sum3A [1] : vector<1000x40xf32> to vector<1000xf32>
    %broadcast_in_dim3A_31 = vector.shape_cast %reduce_sum3A_30 : vector<1000xf32> to vector<1000x1xf32>
    %sub3A_32 = vector.broadcast %broadcast_in_dim3A : vector<1000x1xf32> to vector<1000x40xf32>
    %sub3A_33 = arith.subf %add3A_27, %sub3A_32 : vector<1000x40xf32>
    %log3A = math.log %broadcast_in_dim3A_31 : vector<1000x1xf32>
    %sub3A_34 = vector.broadcast %log3A : vector<1000x1xf32> to vector<1000x40xf32>
    %sub3A_35 = arith.subf %sub3A_33, %sub3A_34 : vector<1000x40xf32>
    %swap3A = arith.constant 0 : index
    %swap3A_36 = arith.constant 0 : index
    %swap3A_37 = vector.load %arg8[%swap3A, %swap3A_36] : memref<1000x40xf32, #tpu.memory_space<vmem>>, vector<1000x40xf32>
    tpu.vector_store %arg8[%swap3A, %swap3A_36], %sub3A_35 {strides = array<i32>} : memref<1000x40xf32, #tpu.memory_space<vmem>>, vector<1000x40xf32>,
    return
  }
  func.func @transform_0(%arg0: i32) -> (i32, i32) {
    %c0_i32 = arith.constant 0 : i32
    %c0_i32_0 = arith.constant 0 : i32
    return %arg0, %c0_i32 : i32, i32
  }
  func.func @transform_1(%arg0: i32) -> (i32, i32) {
    %c0_i32 = arith.constant 0 : i32
    %c0_i32_0 = arith.constant 0 : i32
    return %arg0, %c0_i32 : i32, i32
  }
  func.func @transform_2(%arg0: i32) -> (i32, i32) {
    %c0_i32 = arith.constant 0 : i32
    %c0_i32_0 = arith.constant 0 : i32
    return %arg0, %c0_i32 : i32, i32
  }
  func.func @transform_3(%arg0: i32) -> (i32, i32) {
    %c0_i32 = arith.constant 0 : i32
    %c0_i32_0 = arith.constant 0 : i32
    %c0_i32_1 = arith.constant 0 : i32
    return %c0_i32, %c0_i32_0 : i32, i32
  }
  func.func @transform_4(%arg0: i32) -> (i32, i32) {
    %c0_i32 = arith.constant 0 : i32
    %c0_i32_0 = arith.constant 0 : i32
    %c0_i32_1 = arith.constant 0 : i32
    return %c0_i32, %c0_i32_0 : i32, i32
  }
  func.func @transform_5(%arg0: i32) -> (i32, i32) {
    %c0_i32 = arith.constant 0 : i32
    %c0_i32_0 = arith.constant 0 : i32
    %c0_i32_1 = arith.constant 0 : i32
    return %c0_i32, %c0_i32_0 : i32, i32
  }
  func.func @transform_6(%arg0: i32) -> (i32, i32) {
    %c0_i32 = arith.constant 0 : i32
    %c0_i32_0 = arith.constant 0 : i32
    %c0_i32_1 = arith.constant 0 : i32
    return %c0_i32, %c0_i32_0 : i32, i32
  }
  func.func @transform_7(%arg0: i32) -> (i32, i32) {
    %c0_i32 = arith.constant 0 : i32
    %c0_i32_0 = arith.constant 0 : i32
    return %arg0, %c0_i32 : i32, i32
  }
}

</mosaic_0001>

<sc_bundles>
// kernel: kernel.10.cloned.1.call-start
scs
__scs_entry_jumppad:
0x0: {  	(pc) =	sbr.rel $0x88, $3  }
0x1: {  	(tag) =	ssettag $0x0;
	lr =	simm.s32 $0x1  }
0x2: {  	[smem:$0x3F9B] =	sst lr;
	_ =	strace $0xD0000000  }
0x3: {  	_ = 	snop  }
0x4: {  	_ = 	snop  }
0x5: {  	_ = 	snop  }
0x6: {  	_ = 	snop  }
0x7: {  	_ = 	snop  }
__scs_overlays_trampoline_lowered:
0x8: {  	[smem:$0x3FAA] =	sst s0  }
0x9: {  	[smem:$0x3FAB] =	sst s1  }
0xa: {  	[smem:$0x3FAC] =	sst s2  }
0xb: {  	[smem:$0x3FAD] =	sst s3  }
0xc: {  	[smem:$0x3FAE] =	sst s4  }
0xd: {  	[smem:$0x3FAF] =	sst s5  }
0xe: {  	[smem:$0x3FB0] =	sst s6  }
0xf: {  	[smem:$0x3FB1] =	sst s7  }
0x10: {  	[smem:$0x3FB2] =	sst s8  }
0x11: {  	[smem:$0x3FB3] =	sst s9;
	s0 =	simm.s32 @!p0 $0x0  }
0x12: {  	s1 =	sld [smem:$0x3F99];
	s0 =	simm.s32 @p0 $0x1  }
0x13: {  	[smem:$0x3FB4] =	sst s0;
	s0 =	simm.s32 @!p1 $0x0  }
0x14: {  	s2 =	sld [smem:$0x3F98];
	s0 =	simm.s32 @p1 $0x1  }
0x15: {  	[smem:$0x3FB5] =	sst s0;
	s0 =	simm.s32 @!p2 $0x0  }
0x16: {  	s3 =	sld [smem:$0x3FDB];
	s0 =	simm.s32 @p2 $0x1  }
0x17: {  	s4 =	simm.s32 $0x1BF5;
	[smem:$0x3FB7] =	sst s0  }
0x18: {  	s0 =	sld [smem:$0x3F9A];
	_ =	swait.ge [sflag:s4], $0x0  }
0x19: {  	s7 =	sld [smem:$0x3F9B]  }
0x1a: {  	s8 =	sadd.s32 $0xFFFFE003, lr  }
0x1b: {  	s9 =	sadd.s32 $0xFFFFFEF7, lr;
	s5 =	simm.s32 $0xFFFFFFFF;
	p2 =	slt.u32 s8, $0xFFFFF086  }
0x1c: {  	p1 =	slt.u32 s9, $0xF7A;
	s5 =	simm.s32 @!p2 $0x0  }
0x1d: {  	s5 =	simm.s32 @p1 $0x1;
	p0 =	seq.s32 s7, s2  }
0x1e: {  	s7 =	smul.u32 @!p0 $0xF7A, s2;
	p2 =	seq.s32 @!p0 s5, $0x0  }
0x1f: {  	s9 =	smul.u32 $0xF7A, s1;
	s8 =	simm.s32 @!p0 $0x1BF5;
	p2 =	por !p2, p0  }
0x20: {  	[sflag:s8] =	ssyncset.s32 @!p0 $0xFFFFF086;
	s6 =	sadd.s32 @!p0 s3, s7;
	s7 =	simm.s32 @!p0 $0x108  }
0x21: {  	s3 =	sadd.s32 s3, s9;
	s6 =	sadd.s32 @!p0 $0x88, s6;
	s7 =	simm.s32 @p2 $0x1082  }
0x22: {  	[simem:s7], [sflag:s8] =	dma.local @!p0 [hbm:s6], $0xF7A  }
0x23: {  	s9 =	sor.u32 $0xD0000000, s2;
	s6 =	simm.s32 $0x108;
	_ =	swait.ge @!p0 [sflag:s8], $0x0  }
0x24: {  	s3 =	sadd.s32 $0x88, s3;
	s6 =	simm.s32 @!p1 $0x1082;
	[sflag:s4] =	ssyncset.s32 $0xFFFFF086  }
0x25: {  	[simem:s6], [sflag:s4] =	dma.local [hbm:s3], $0xF7A  }
0x26: {  	[smem:$0x3F9B] =	sst s1;
	(tag) =	ssettag s2;
	_ =	strace s9  }
0x27: {  	s1 =	sld [smem:$0x3FAB]  }
0x28: {  	s2 =	sld [smem:$0x3FAC]  }
0x29: {  	s4 =	sld [smem:$0x3FAE]  }
0x2a: {  	p0 =	seq.s32 s5, $0x0;
	s5 =	sld [smem:$0x3FAF]  }
0x2b: {  	s6 =	sld [smem:$0x3FB0]  }
0x2c: {  	s7 =	sld [smem:$0x3FB1]  }
0x2d: {  	s3 =	simm.s32 $0x108;
	s8 =	sld [smem:$0x3FB2]  }
0x2e: {  	s3 =	simm.s32 @!p0 $0x1082;
	s9 =	sld [smem:$0x3FB3]  }
0x2f: {  	lr =	sadd.s32 s0, s3;
	s0 =	sld [smem:$0x3FAA]  }
0x30: {  	s3 =	sld [smem:$0x3FAD]  }
0x31: {  	[smem:$0x3FB6] =	sst s10  }
0x32: {  	s10 =	sld [smem:$0x3FB4];
	_ =	sdelay $0x3  }
0x33: {  	p0 =	seq.s32 s10, $0x1;
	s10 =	sld [smem:$0x3FB6];
	_ =	sdelay $0x3  }
0x34: {  	[smem:$0x3FB6] =	sst s10  }
0x35: {  	s10 =	sld [smem:$0x3FB5];
	_ =	sdelay $0x3  }
0x36: {  	p1 =	seq.s32 s10, $0x1;
	s10 =	sld [smem:$0x3FB6];
	_ =	sdelay $0x3  }
0x37: {  	[smem:$0x3FB6] =	sst s10  }
0x38: {  	s10 =	sld [smem:$0x3FB7]  }
0x39: {  	_ = 	snop;
	(pc) =	sbr.ind lr, $3  }
0x3a: {  	_ = 	snop  }
0x3b: {  	_ = 	snop  }
0x3c: {  	p2 =	seq.s32 s10, $0x1;
	s10 =	sld [smem:$0x3FB6]  }
0x3d: {  	_ =	shalt  }
0x3e: {  	_ =	shalt  }
0x3f: {  	_ =	shalt  }
0x40: {  	_ =	shalt  }
0x41: {  	_ =	shalt  }
0x42: {  	_ =	shalt  }
0x43: {  	_ =	shalt  }
0x44: {  	_ =	shalt  }
0x45: {  	_ =	shalt  }
0x46: {  	_ =	shalt  }
0x47: {  	_ =	shalt  }
0x48: {  	_ =	shalt  }
0x49: {  	_ =	shalt  }
0x4a: {  	_ =	shalt  }
0x4b: {  	_ =	shalt  }
0x4c: {  	_ =	shalt  }
0x4d: {  	_ =	shalt  }
0x4e: {  	_ =	shalt  }
0x4f: {  	_ =	shalt  }
0x50: {  	_ =	shalt  }
0x51: {  	_ =	shalt  }
0x52: {  	_ =	shalt  }
0x53: {  	_ =	shalt  }
0x54: {  	_ =	shalt  }
0x55: {  	_ =	shalt  }
0x56: {  	_ =	shalt  }
0x57: {  	_ =	shalt  }
0x58: {  	_ =	shalt  }
0x59: {  	_ =	shalt  }
0x5a: {  	_ =	shalt  }
0x5b: {  	_ =	shalt  }
0x5c: {  	_ =	shalt  }
0x5d: {  	_ =	shalt  }
0x5e: {  	_ =	shalt  }
0x5f: {  	_ =	shalt  }
0x60: {  	_ =	shalt  }
0x61: {  	_ =	shalt  }
0x62: {  	_ =	shalt  }
0x63: {  	_ =	shalt  }
0x64: {  	_ =	shalt  }
0x65: {  	_ =	shalt  }
0x66: {  	_ =	shalt  }
0x67: {  	_ =	shalt  }
0x68: {  	_ =	shalt  }
0x69: {  	_ =	shalt  }
0x6a: {  	_ =	shalt  }
0x6b: {  	_ =	shalt  }
0x6c: {  	_ =	shalt  }
0x6d: {  	_ =	shalt  }
0x6e: {  	_ =	shalt  }
0x6f: {  	_ =	shalt  }
0x70: {  	_ =	shalt  }
0x71: {  	_ =	shalt  }
0x72: {  	_ =	shalt  }
0x73: {  	_ =	shalt  }
0x74: {  	_ =	shalt  }
0x75: {  	_ =	shalt  }
0x76: {  	_ =	shalt  }
0x77: {  	_ =	shalt  }
0x78: {  	_ =	shalt  }
0x79: {  	_ =	shalt  }
0x7a: {  	_ =	shalt  }
0x7b: {  	_ =	shalt  }
0x7c: {  	_ =	shalt  }
0x7d: {  	_ =	shalt  }
0x7e: {  	_ =	shalt  }
0x7f: {  	_ =	shalt  }
0x80: {  	_ =	shalt  }
0x81: {  	_ =	shalt  }
0x82: {  	_ =	shalt  }
0x83: {  	_ =	shalt  }
0x84: {  	_ =	shalt  }
0x85: {  	_ =	shalt  }
0x86: {  	_ =	shalt  }
0x87: {  	_ =	shalt  }
.Lfunc_end0:
.L_simem_size_0:
called_computation_lowered:
.L_overlay_start_0:
0x88: {  	s2 =	sld [smem:$0x3FD9]  }
0x89: {  	s3 =	sld [smem:$0x3FFE];
	_ =	sdelay $0x1  }
0x8a: {  	s1 =	srdreg.scid  }
0x8b: {  	s0 =	sand.u32 $0x1, s1  }
0x8c: {  	s17 =	sshll.u32 s0, $0xA;
	s2 =	sadd.s32 s3, s2  }
0x8d: {  	s2 =	sadd.s32 s2, s17  }
0x8e: {  	[smem:$0x3FC2] =	sst s2  }
0x8f: {  	_ = 	snop  }
0x90: {  	s2 =	sld [smem:$0x3FD0];
	(tm) =	ssettm $0x1  }
0x91: {  	s18 =	sld [smem:$0x3FFB];
	_ =	sdelay $0x3  }
0x92: {  	_ =	strace s18  }
0x93: {  	s3 =	sld [smem:$0x3FFC];
	_ =	sdelay $0x3  }
0x94: {  	_ =	strace s3  }
0x95: {  	s3 =	sld [smem:$0x3FFD];
	_ =	sdelay $0x3  }
0x96: {  	_ =	strace s3  }
0x97: {  	_ =	strace $0x8FFFFFFF  }
0x98: {  	s19 =	sld [smem:$0x3FDB];
	_ =	sdelay $0x1  }
0x99: {  	s4 =	simm.s32 $_scs_section_size  }
0x9a: {  	s5 =	simm.s32 $_size__tile_overlayer_lowered;
	s6 =	simm.s32 $_tile_overlayer_lowered  }
0x9b: {  	s22 =	simm.s32 $0x1BFF;
	s21 =	sshll.u32 s6, $0x1;
	s3 =	sadd.s32 s4, s19  }
0x9c: {  	s7 =	simm.s32 $0x0;
	s20 =	sshll.u32 s5, $0x1;
	s5 =	sadd.s32 s21, s3  }
0x9d: {  	[timem:s7], [sflag:s22] =	dma.local [hbm:s5], s20  }
0x9e: {  	_ =	swait.ge [sflag:s22], s20  }
0x9f: {  	s4 =	ssub.s32 $0x0, s20;
	[sflag:s22] =	ssyncset.done $0x0  }
0xa0: {  	[sflag:s22] =	ssyncadd.s32 s4;
	_ =	sdelay $0x1  }
0xa1: {  	s23 =	simm.s32 $0x1B8B  }
0xa2: {  	_ =	swait.ge [sflag:s23], $0x1  }
0xa3: {  	[sflag:s23] =	ssyncset.done $0x0  }
0xa4: {  	s25 =	simm.s32 $0x1B8E;
	s24 =	sld [smem:$0x3FFE];
	[sflag:s23] =	ssyncadd.s32 $0xFFFFFFFF  }
0xa5: {  	s26 =	simm.s32 $execute0_lowered;
	[smem:$0x3FD2] =	sst s25  }
0xa6: {  	s5 =	sshll.u32 s26, $0x1;
	_ =	strace $0x80000046;
	[dreg:$0x1] =	wrdreg $0xFFFFFFFF  }
0xa7: {  	s28 =	simm.s32 $_size_execute0_lowered;
	s3 =	sadd.s32 s3, s5;
	[dreg:$0x0] =	wrdreg $0x0  }
0xa8: {  	s5 =	sshll.u32 s28, $0x1;
	[dreg:$0x2] =	wrdreg s3  }
0xa9: {  	[dreg:$0x3] =	wrdreg s5  }
0xaa: {  	[dreg:$0x4] =	wrdreg $0xC0  }
0xab: {  	_ =	task [dreg:s7], $0x5FFFF  }
0xac: {  	[dreg:$0x1] =	wrdreg $0xFFFFFFFF  }
0xad: {  	[dreg:$0x0] =	wrdreg $0x60  }
0xae: {  	[dreg:$0x2] =	wrdreg s2  }
0xaf: {  	[dreg:$0x3] =	wrdreg s24  }
0xb0: {  	[dreg:$0x4] =	wrdreg $0xAC000  }
0xb1: {  	[dreg:$0x5] =	wrdreg $0x9  }
0xb2: {  	_ =	task.clear_ibuf [dreg:s7], $0x6FFFF;
	_ =	strace $0x90000046  }
0xb3: {  	s29 =	simm.s32 $0x9;
	_ =	strace $0x80000048  }
0xb4: {  	_ =	swait.ge [sflag:s29], $0x1  }
0xb5: {  	[sflag:s29] =	ssyncadd.s32 $0xFFFFFFFF  }
0xb6: {  	_ =	strace $0x90000048  }
0xb7: {  	_ =	sfence  }
0xb8: {  	s30 =	sld [smem:$0x0];
	_ =	sdelay $0x2  }
0xb9: {  	s31 =	sshll.u32 s1, $0xD;
	s1 =	sshrl.u32 s1, $0x2  }
0xba: {  	s3 =	sand.u32 $0x4000, s31;
	s1 =	sadd.s32 s1, s30  }
0xbb: {  	s0 =	sor.u32 s3, s0;
	s1 =	sshll.u32 s1, $0x11  }
0xbc: {  	s0 =	sor.u32 s1, s0  }
0xbd: {  	s0 =	sadd.s32 $0x8F2B, s0  }
0xbe: {  	[sflag:s0] =	ssyncadd.remote.s32 $0x1  }
0xbf: {  	_ =	sfence.sel $0xFFFF  }
0xc0: {  	[dreg:$0x0] =	wrdreg $0xFFFFFFFF;
	(pc) =	sbr.abs _section_cstart, $3  }
0xc1: {  	[dreg:$0x1] =	wrdreg $0xFFFFFFFF  }
0xc2: {  	_ =	task.clear_ibuf [dreg:s7], $0x2FFFF;
	_ =	strace $0x9FFFFFFF  }
0xc3: {  	(tm) =	ssettm $0x7FFFFFFF  }
tec
execute0_lowered:
.L_overlay_start_1:
0x0: {  	(tag) =	ssettag $0x1  }
0x1: {  	s4 =	rddreg [dreg:$0x0]  }
0x2: {  	s5 =	rddreg [dreg:$0x1]  }
0x3: {  	s1 =	rddreg [dreg:$0x2]  }
0x4: {  	s2 =	srdreg.scid;
	s0 =	rddreg [dreg:$0x3]  }
0x5: {  	s3 =	simm.s32 $0x0;
	s12 =	simm.s32 $0x1;
	s13 =	simm.s32 $0xA800  }
0x6: {  	s14 =	simm.s32 $0x80;
	s15 =	simm.s32 $0x6800;
	s16 =	simm.s32 $0xA880  }
0x7: {  	s17 =	simm.s32 $0xA900;
	s18 =	simm.s32 $0xA980;
	s19 =	simm.s32 $0xAA00  }
0x8: {  	s20 =	simm.s32 $0x2800;
	s6 =	sand.u32 $0x1, s2;
	s2 =	stileid.u32  }
0x9: {  	s21 =	simm.s32 $0x0;
	[smem:$0x7FF] =	sst s3;
	s7 =	smul.u32 $0x140000, s6  }
0xa: {  	s8 =	smul.u32 $0x14000, s2;
	_ =	strace $0x80000047;
	s10 =	sshll.u32 s6, $0x4  }
0xb: {  	s9 =	sshll.u32 s2, $0x7;
	s6 =	ssub.s32 $0x2, s6;
	s30 =	sor.u32 s2, s10  }
0xc: {  	s31 =	sshrl.u32 s6, $0x1;
	s7 =	sadd.s32 s7, s8;
	s8 =	smul.u32 $0x500, s30  }
0xd: {  	s9 =	sadd.s32 s9, s5;
	s6 =	ssub.s32 s6, s31;
	s7 =	sshrl.u32 s7, $0x3  }
0xe: {  	s6 =	smax.u32 s6, $0x1;
	s11 =	sadd.s32 s7, s5;
	s4 =	sadd.s32 s4, s8  }
0xf: {  	s5 =	sadd.s32 $0x3200, s9;
	s7 =	sadd.s32 $0x3A00, s11;
	s8 =	sadd.s32 $0x4200, s11  }
0x10: {  	v0 =	vimm.f32 $1.000000000e+00;
	v1 =	vimm.f32 $0.0e+00;
	s9 =	sadd.s32 $0x4A00, s11;
	s10 =	sadd.s32 $0x5200, s11;
	s11 =	sadd.s32 $0x5A00, s11  }
.LBB2_1:
0x11: {  	[tilespmem:s3], [sflag:$0x1] =	stream.linear.gather [hbm4b:s4+s3], $0x2800, $0x38;
	[tilespmem:$0xD400] =	vst v63  }
0x12: {  	_ =	swait.ge [sflag:s12], $0x2800  }
0x13: {  	[sflag:s12] =	ssyncset.done $0x0  }
0x14: {  	[sflag:s12] =	ssyncadd.s32 $0xFFFFD800  }
0x15: {  	[tilespmem:s13], [sflag:$0x1] =	stream.linear.gather [hbm4b:s5+s3], $0x280, $0x38;
	[tilespmem:$0xD400] =	vst v63  }
0x16: {  	_ =	swait.ge [sflag:s12], $0x280  }
0x17: {  	[sflag:s12] =	ssyncset.done $0x0  }
0x18: {  	s22 =	simm.s32 $0x200;
	s23 =	simm.s32 $0x0;
	[sflag:s12] =	ssyncadd.s32 $0xFFFFFD80  }
.LBB2_2:
0x19: {  	p0 =	sne.s32 s22, $0xFE00;
	[tilespmem:s23+$0x2800] =	vst v0;
	s24 =	smov.u32 s22;
	s22 =	sadd.s32 $0x200, s22  }
.Ltmp0:
0x1a: {  	[tilespmem:s23+$0x6800] =	vst v1;
	(pc) =	sbr.rel @p0 .LBB2_2-.Ltmp0, $2  }
0x1b: {  	_ =	sdelay $0x2  }
0x1c: {  	s23 =	sshra.s32 s24, $0x2  }
0x1d: {  	[tilespmem:s23+$0x2800] =	vst v0  }
0x1e: {  	[tilespmem:s23+$0x6800] =	vst v1  }
0x1f: {  	[spmem:s1] =	stream.indirect.scatter [tilespmem:s15], [sflag:$0x1], $0x10, s13, s14, $0xb8;
	[tilespmem:$0xD400] =	vst v63  }
0x20: {  	_ =	swait.ge [sflag:s12], $0x800  }
0x21: {  	[sflag:s12] =	ssyncset.done $0x0  }
0x22: {  	[sflag:s12] =	ssyncadd.s32 $0xFFFFF800  }
0x23: {  	[spmem:s1] =	stream.indirect.scatter [tilespmem:s15], [sflag:$0x1], $0x10, s16, s14, $0xb8;
	[tilespmem:$0xD400] =	vst v63  }
0x24: {  	_ =	swait.ge [sflag:s12], $0x800  }
0x25: {  	[sflag:s12] =	ssyncset.done $0x0  }
0x26: {  	[sflag:s12] =	ssyncadd.s32 $0xFFFFF800  }
0x27: {  	[spmem:s1] =	stream.indirect.scatter [tilespmem:s15], [sflag:$0x1], $0x10, s17, s14, $0xb8;
	[tilespmem:$0xD400] =	vst v63  }
0x28: {  	_ =	swait.ge [sflag:s12], $0x800  }
0x29: {  	[sflag:s12] =	ssyncset.done $0x0  }
0x2a: {  	[sflag:s12] =	ssyncadd.s32 $0xFFFFF800  }
0x2b: {  	[spmem:s1] =	stream.indirect.scatter [tilespmem:s15], [sflag:$0x1], $0x10, s18, s14, $0xb8;
	[tilespmem:$0xD400] =	vst v63  }
0x2c: {  	_ =	swait.ge [sflag:s12], $0x800  }
0x2d: {  	[sflag:s12] =	ssyncset.done $0x0  }
0x2e: {  	[sflag:s12] =	ssyncadd.s32 $0xFFFFF800  }
0x2f: {  	[spmem:s1] =	stream.indirect.scatter [tilespmem:s15], [sflag:$0x1], $0x10, s19, s14, $0xb8;
	[tilespmem:$0xD400] =	vst v63  }
0x30: {  	_ =	swait.ge [sflag:s12], $0x800  }
0x31: {  	[sflag:s12] =	ssyncset.done $0x0  }
0x32: {  	[sflag:s12] =	ssyncadd.s32 $0xFFFFF800  }
0x33: {  	s22 =	simm.s32 $0x0;
	[bflag:$0x0] =	sbarrier.arrive $0xFFFF  }
0x34: {  	[spmem:s1] =	stream.indirect.scatter.add.f32 [tilespmem:s20], [sflag:$0x1], $0x10, s22, s14, $0xb8;
	[tilespmem:$0xD400] =	vst v63  }
0x35: {  	_ =	swait.ge [sflag:s12], $0x800  }
0x36: {  	s22 =	simm.s32 $0x200;
	[sflag:s12] =	ssyncset.done $0x0  }
.LBB2_4:
0x37: {  	s23 =	sshra.s32 s22, $0x2;
	[sflag:s12] =	ssyncadd.s32 $0xFFFFF800;
	p0 =	sne.s32 s22, $0x9E00  }
0x38: {  	[spmem:s1] =	stream.indirect.scatter.add.f32 [tilespmem:s20], [sflag:$0x1], $0x10, s23, s14, $0xb8;
	[tilespmem:$0xD400] =	vst v63  }
.Ltmp1:
0x39: {  	_ = 	snop;
	(pc) =	sbr.rel @p0 .LBB2_4-.Ltmp1, $4  }
0x3a: {  	_ = 	snop  }
0x3b: {  	s22 =	sadd.s32 $0x200, s22  }
0x3c: {  	_ =	swait.ge [sflag:s12], $0x800  }
0x3d: {  	[sflag:s12] =	ssyncset.done $0x0  }
0x3e: {  	[sflag:s12] =	ssyncadd.s32 $0xFFFFF800  }
0x3f: {  	[bflag:$0x0] =	sbarrier.arrive $0xFFFF  }
0x40: {  	[tilespmem:s15], [sflag:$0x1] =	stream.indirect.gather [spmem:s1], $0x10, s13, s14, $0xb8;
	[tilespmem:$0xD400] =	vst v63  }
0x41: {  	_ =	swait.ge [sflag:s12], $0x800  }
0x42: {  	[sflag:s12] =	ssyncset.done $0x0  }
0x43: {  	[sflag:s12] =	ssyncadd.s32 $0xFFFFF800  }
0x44: {  	[hbm4b:s7+s3] =	stream.linear.scatter [tilespmem:s15], [sflag:$0x1], $0x4000, $0x38;
	[tilespmem:$0xD400] =	vst v63  }
0x45: {  	_ =	swait.ge [sflag:s12], $0x4000  }
0x46: {  	[sflag:s12] =	ssyncset.done $0x0  }
0x47: {  	[sflag:s12] =	ssyncadd.s32 $0xFFFFC000  }
0x48: {  	[tilespmem:s15], [sflag:$0x1] =	stream.indirect.gather [spmem:s1], $0x10, s16, s14, $0xb8;
	[tilespmem:$0xD400] =	vst v63  }
0x49: {  	_ =	swait.ge [sflag:s12], $0x800  }
0x4a: {  	[sflag:s12] =	ssyncset.done $0x0  }
0x4b: {  	[sflag:s12] =	ssyncadd.s32 $0xFFFFF800  }
0x4c: {  	[hbm4b:s8+s3] =	stream.linear.scatter [tilespmem:s15], [sflag:$0x1], $0x4000, $0x38;
	[tilespmem:$0xD400] =	vst v63  }
0x4d: {  	_ =	swait.ge [sflag:s12], $0x4000  }
0x4e: {  	[sflag:s12] =	ssyncset.done $0x0  }
0x4f: {  	[sflag:s12] =	ssyncadd.s32 $0xFFFFC000  }
0x50: {  	[tilespmem:s15], [sflag:$0x1] =	stream.indirect.gather [spmem:s1], $0x10, s17, s14, $0xb8;
	[tilespmem:$0xD400] =	vst v63  }
0x51: {  	_ =	swait.ge [sflag:s12], $0x800  }
0x52: {  	[sflag:s12] =	ssyncset.done $0x0  }
0x53: {  	[sflag:s12] =	ssyncadd.s32 $0xFFFFF800  }
0x54: {  	[hbm4b:s9+s3] =	stream.linear.scatter [tilespmem:s15], [sflag:$0x1], $0x4000, $0x38;
	[tilespmem:$0xD400] =	vst v63  }
0x55: {  	_ =	swait.ge [sflag:s12], $0x4000  }
0x56: {  	[sflag:s12] =	ssyncset.done $0x0  }
0x57: {  	[sflag:s12] =	ssyncadd.s32 $0xFFFFC000  }
0x58: {  	[tilespmem:s15], [sflag:$0x1] =	stream.indirect.gather [spmem:s1], $0x10, s18, s14, $0xb8;
	[tilespmem:$0xD400] =	vst v63  }
0x59: {  	_ =	swait.ge [sflag:s12], $0x800  }
0x5a: {  	[sflag:s12] =	ssyncset.done $0x0  }
0x5b: {  	[sflag:s12] =	ssyncadd.s32 $0xFFFFF800  }
0x5c: {  	[hbm4b:s10+s3] =	stream.linear.scatter [tilespmem:s15], [sflag:$0x1], $0x4000, $0x38;
	[tilespmem:$0xD400] =	vst v63  }
0x5d: {  	_ =	swait.ge [sflag:s12], $0x4000  }
0x5e: {  	[sflag:s12] =	ssyncset.done $0x0  }
0x5f: {  	[sflag:s12] =	ssyncadd.s32 $0xFFFFC000  }
0x60: {  	[tilespmem:s15], [sflag:$0x1] =	stream.indirect.gather [spmem:s1], $0x10, s19, s14, $0xb8;
	[tilespmem:$0xD400] =	vst v63  }
0x61: {  	s21 =	sadd.s32 $0x1, s21;
	_ =	swait.ge [sflag:s12], $0x800  }
0x62: {  	p0 =	sne.s32 s21, s6;
	[sflag:s12] =	ssyncset.done $0x0  }
.Ltmp2:
0x63: {  	[sflag:s12] =	ssyncadd.s32 $0xFFFFF800;
	(pc) =	sbr.rel @p0 .LBB2_1-.Ltmp2, $4  }
0x64: {  	[hbm4b:s11+s3] =	stream.linear.scatter [tilespmem:s15], [sflag:$0x1], $0x4000, $0x38;
	[tilespmem:$0xD400] =	vst v63  }
0x65: {  	_ =	swait.ge [sflag:s12], $0x4000  }
0x66: {  	[sflag:s12] =	ssyncset.done $0x0  }
0x67: {  	[sflag:s12] =	ssyncadd.s32 $0xFFFFC000  }
0x68: {  	_ =	sfence.sel $0x180000  }
0x69: {  	[bflag:$0x0] =	sbarrier.arrive $0xFFFF  }
0x6a: {  	p0 =	sne.s32 s2, $0x0;
	_ =	strace $0x90000047  }
0x6b: {  	s0 =	sadd.s32 @!p0 $0x100000, s0;
	[bflag:$0x2] =	sbarrier.arrive $0xFFFF  }
0x6c: {  	[sflag:s0] =	ssyncadd.tile.s32 @!p0 $0x1;
	_ =	shalt  }
.Lfunc_end2:
_tile_overlayer_lowered:
.L_overlay_start_2:
0x6d: {  	(tag) =	ssettag $0x2  }
0x6e: {  	s0 =	rddreg [dreg:$0x0];
	s2 =	stileid.u32  }
0x6f: {  	s1 =	rddreg [dreg:$0x1];
	p0 =	sne.s32 s2, $0x0  }
0x70: {  	s3 =	rddreg [dreg:$0x2];
	[bflag:$0x3] =	sbarrier.arrive $0xFFFF;
	s2 =	simm.s32 @!p0 $0x1C01  }
0x71: {  	[timem:s3], [sflag:s2] =	dma.local @!p0 [hbm:s0], s1  }
0x72: {  	s0 =	simm.s32 @!p0 $0x1  }
0x73: {  	_ =	swait.ge @!p0 [sflag:s0], s1  }
0x74: {  	s1 =	ssub.s32 @!p0 $0x0, s1;
	[sflag:s0] =	ssyncset.done @!p0 $0x0  }
0x75: {  	[sflag:s0] =	ssyncadd.s32 @!p0 s1  }
0x76: {  	[bflag:$0x3] =	sbarrier.arrive $0xFFFF  }
0x77: {  	_ =	shalt  }

// kernel: kernel.13.cloned.1.call-start
scs
__scs_entry_jumppad:
0x0: {  	(pc) =	sbr.rel $0x88, $3  }
0x1: {  	(tag) =	ssettag $0x0;
	lr =	simm.s32 $0x1  }
0x2: {  	[smem:$0x3F9B] =	sst lr;
	_ =	strace $0xD0000000  }
0x3: {  	_ = 	snop  }
0x4: {  	_ = 	snop  }
0x5: {  	_ = 	snop  }
0x6: {  	_ = 	snop  }
0x7: {  	_ = 	snop  }
__scs_overlays_trampoline_lowered:
0x8: {  	[smem:$0x3FAA] =	sst s0  }
0x9: {  	[smem:$0x3FAB] =	sst s1  }
0xa: {  	[smem:$0x3FAC] =	sst s2  }
0xb: {  	[smem:$0x3FAD] =	sst s3  }
0xc: {  	[smem:$0x3FAE] =	sst s4  }
0xd: {  	[smem:$0x3FAF] =	sst s5  }
0xe: {  	[smem:$0x3FB0] =	sst s6  }
0xf: {  	[smem:$0x3FB1] =	sst s7  }
0x10: {  	[smem:$0x3FB2] =	sst s8  }
0x11: {  	[smem:$0x3FB3] =	sst s9;
	s0 =	simm.s32 @!p0 $0x0  }
0x12: {  	s1 =	sld [smem:$0x3F99];
	s0 =	simm.s32 @p0 $0x1  }
0x13: {  	[smem:$0x3FB4] =	sst s0;
	s0 =	simm.s32 @!p1 $0x0  }
0x14: {  	s2 =	sld [smem:$0x3F98];
	s0 =	simm.s32 @p1 $0x1  }
0x15: {  	[smem:$0x3FB5] =	sst s0;
	s0 =	simm.s32 @!p2 $0x0  }
0x16: {  	s3 =	sld [smem:$0x3FDB];
	s0 =	simm.s32 @p2 $0x1  }
0x17: {  	s4 =	simm.s32 $0x1BF5;
	[smem:$0x3FB7] =	sst s0  }
0x18: {  	s0 =	sld [smem:$0x3F9A];
	_ =	swait.ge [sflag:s4], $0x0  }
0x19: {  	s7 =	sld [smem:$0x3F9B]  }
0x1a: {  	s8 =	sadd.s32 $0xFFFFE003, lr  }
0x1b: {  	s9 =	sadd.s32 $0xFFFFFEF7, lr;
	s5 =	simm.s32 $0xFFFFFFFF;
	p2 =	slt.u32 s8, $0xFFFFF086  }
0x1c: {  	p1 =	slt.u32 s9, $0xF7A;
	s5 =	simm.s32 @!p2 $0x0  }
0x1d: {  	s5 =	simm.s32 @p1 $0x1;
	p0 =	seq.s32 s7, s2  }
0x1e: {  	s7 =	smul.u32 @!p0 $0xF7A, s2;
	p2 =	seq.s32 @!p0 s5, $0x0  }
0x1f: {  	s9 =	smul.u32 $0xF7A, s1;
	s8 =	simm.s32 @!p0 $0x1BF5;
	p2 =	por !p2, p0  }
0x20: {  	[sflag:s8] =	ssyncset.s32 @!p0 $0xFFFFF086;
	s6 =	sadd.s32 @!p0 s3, s7;
	s7 =	simm.s32 @!p0 $0x108  }
0x21: {  	s3 =	sadd.s32 s3, s9;
	s6 =	sadd.s32 @!p0 $0x88, s6;
	s7 =	simm.s32 @p2 $0x1082  }
0x22: {  	[simem:s7], [sflag:s8] =	dma.local @!p0 [hbm:s6], $0xF7A  }
0x23: {  	s9 =	sor.u32 $0xD0000000, s2;
	s6 =	simm.s32 $0x108;
	_ =	swait.ge @!p0 [sflag:s8], $0x0  }
0x24: {  	s3 =	sadd.s32 $0x88, s3;
	s6 =	simm.s32 @!p1 $0x1082;
	[sflag:s4] =	ssyncset.s32 $0xFFFFF086  }
0x25: {  	[simem:s6], [sflag:s4] =	dma.local [hbm:s3], $0xF7A  }
0x26: {  	[smem:$0x3F9B] =	sst s1;
	(tag) =	ssettag s2;
	_ =	strace s9  }
0x27: {  	s1 =	sld [smem:$0x3FAB]  }
0x28: {  	s2 =	sld [smem:$0x3FAC]  }
0x29: {  	s4 =	sld [smem:$0x3FAE]  }
0x2a: {  	p0 =	seq.s32 s5, $0x0;
	s5 =	sld [smem:$0x3FAF]  }
0x2b: {  	s6 =	sld [smem:$0x3FB0]  }
0x2c: {  	s7 =	sld [smem:$0x3FB1]  }
0x2d: {  	s3 =	simm.s32 $0x108;
	s8 =	sld [smem:$0x3FB2]  }
0x2e: {  	s3 =	simm.s32 @!p0 $0x1082;
	s9 =	sld [smem:$0x3FB3]  }
0x2f: {  	lr =	sadd.s32 s0, s3;
	s0 =	sld [smem:$0x3FAA]  }
0x30: {  	s3 =	sld [smem:$0x3FAD]  }
0x31: {  	[smem:$0x3FB6] =	sst s10  }
0x32: {  	s10 =	sld [smem:$0x3FB4];
	_ =	sdelay $0x3  }
0x33: {  	p0 =	seq.s32 s10, $0x1;
	s10 =	sld [smem:$0x3FB6];
	_ =	sdelay $0x3  }
0x34: {  	[smem:$0x3FB6] =	sst s10  }
0x35: {  	s10 =	sld [smem:$0x3FB5];
	_ =	sdelay $0x3  }
0x36: {  	p1 =	seq.s32 s10, $0x1;
	s10 =	sld [smem:$0x3FB6];
	_ =	sdelay $0x3  }
0x37: {  	[smem:$0x3FB6] =	sst s10  }
0x38: {  	s10 =	sld [smem:$0x3FB7]  }
0x39: {  	_ = 	snop;
	(pc) =	sbr.ind lr, $3  }
0x3a: {  	_ = 	snop  }
0x3b: {  	_ = 	snop  }
0x3c: {  	p2 =	seq.s32 s10, $0x1;
	s10 =	sld [smem:$0x3FB6]  }
0x3d: {  	_ =	shalt  }
0x3e: {  	_ =	shalt  }
0x3f: {  	_ =	shalt  }
0x40: {  	_ =	shalt  }
0x41: {  	_ =	shalt  }
0x42: {  	_ =	shalt  }
0x43: {  	_ =	shalt  }
0x44: {  	_ =	shalt  }
0x45: {  	_ =	shalt  }
0x46: {  	_ =	shalt  }
0x47: {  	_ =	shalt  }
0x48: {  	_ =	shalt  }
0x49: {  	_ =	shalt  }
0x4a: {  	_ =	shalt  }
0x4b: {  	_ =	shalt  }
0x4c: {  	_ =	shalt  }
0x4d: {  	_ =	shalt  }
0x4e: {  	_ =	shalt  }
0x4f: {  	_ =	shalt  }
0x50: {  	_ =	shalt  }
0x51: {  	_ =	shalt  }
0x52: {  	_ =	shalt  }
0x53: {  	_ =	shalt  }
0x54: {  	_ =	shalt  }
0x55: {  	_ =	shalt  }
0x56: {  	_ =	shalt  }
0x57: {  	_ =	shalt  }
0x58: {  	_ =	shalt  }
0x59: {  	_ =	shalt  }
0x5a: {  	_ =	shalt  }
0x5b: {  	_ =	shalt  }
0x5c: {  	_ =	shalt  }
0x5d: {  	_ =	shalt  }
0x5e: {  	_ =	shalt  }
0x5f: {  	_ =	shalt  }
0x60: {  	_ =	shalt  }
0x61: {  	_ =	shalt  }
0x62: {  	_ =	shalt  }
0x63: {  	_ =	shalt  }
0x64: {  	_ =	shalt  }
0x65: {  	_ =	shalt  }
0x66: {  	_ =	shalt  }
0x67: {  	_ =	shalt  }
0x68: {  	_ =	shalt  }
0x69: {  	_ =	shalt  }
0x6a: {  	_ =	shalt  }
0x6b: {  	_ =	shalt  }
0x6c: {  	_ =	shalt  }
0x6d: {  	_ =	shalt  }
0x6e: {  	_ =	shalt  }
0x6f: {  	_ =	shalt  }
0x70: {  	_ =	shalt  }
0x71: {  	_ =	shalt  }
0x72: {  	_ =	shalt  }
0x73: {  	_ =	shalt  }
0x74: {  	_ =	shalt  }
0x75: {  	_ =	shalt  }
0x76: {  	_ =	shalt  }
0x77: {  	_ =	shalt  }
0x78: {  	_ =	shalt  }
0x79: {  	_ =	shalt  }
0x7a: {  	_ =	shalt  }
0x7b: {  	_ =	shalt  }
0x7c: {  	_ =	shalt  }
0x7d: {  	_ =	shalt  }
0x7e: {  	_ =	shalt  }
0x7f: {  	_ =	shalt  }
0x80: {  	_ =	shalt  }
0x81: {  	_ =	shalt  }
0x82: {  	_ =	shalt  }
0x83: {  	_ =	shalt  }
0x84: {  	_ =	shalt  }
0x85: {  	_ =	shalt  }
0x86: {  	_ =	shalt  }
0x87: {  	_ =	shalt  }
.Lfunc_end0:
.L_simem_size_0:
called_computation.1_lowered:
.L_overlay_start_0:
0x88: {  	s2 =	sld [smem:$0x3FD9]  }
0x89: {  	s3 =	sld [smem:$0x3FFE];
	_ =	sdelay $0x1  }
0x8a: {  	s1 =	srdreg.scid  }
0x8b: {  	s0 =	sand.u32 $0x1, s1  }
0x8c: {  	s16 =	sshll.u32 s0, $0xA;
	s2 =	sadd.s32 s3, s2  }
0x8d: {  	s2 =	sadd.s32 s2, s16  }
0x8e: {  	[smem:$0x3FC2] =	sst s2  }
0x8f: {  	_ = 	snop  }
0x90: {  	(tm) =	ssettm $0x1  }
0x91: {  	s17 =	sld [smem:$0x3FFB];
	_ =	sdelay $0x3  }
0x92: {  	_ =	strace s17  }
0x93: {  	s2 =	sld [smem:$0x3FFC];
	_ =	sdelay $0x3  }
0x94: {  	_ =	strace s2  }
0x95: {  	s2 =	sld [smem:$0x3FFD];
	_ =	sdelay $0x3  }
0x96: {  	_ =	strace s2  }
0x97: {  	_ =	strace $0x8FFFFFFF  }
0x98: {  	s18 =	sld [smem:$0x3FDB];
	_ =	sdelay $0x1  }
0x99: {  	s19 =	simm.s32 $_scs_section_size  }
0x9a: {  	s4 =	simm.s32 $_size__tile_overlayer_lowered;
	s5 =	simm.s32 $_tile_overlayer_lowered  }
0x9b: {  	s22 =	simm.s32 $0x1BFF;
	s21 =	sshll.u32 s5, $0x1;
	s2 =	sadd.s32 s19, s18  }
0x9c: {  	s6 =	simm.s32 $0x0;
	s20 =	sshll.u32 s4, $0x1;
	s4 =	sadd.s32 s21, s2  }
0x9d: {  	[timem:s6], [sflag:s22] =	dma.local [hbm:s4], s20  }
0x9e: {  	_ =	swait.ge [sflag:s22], s20  }
0x9f: {  	s3 =	ssub.s32 $0x0, s20;
	[sflag:s22] =	ssyncset.done $0x0  }
0xa0: {  	[sflag:s22] =	ssyncadd.s32 s3;
	_ =	sdelay $0x1  }
0xa1: {  	s23 =	simm.s32 $0x1B8B  }
0xa2: {  	_ =	swait.ge [sflag:s23], $0x1  }
0xa3: {  	[sflag:s23] =	ssyncset.done $0x0  }
0xa4: {  	s25 =	simm.s32 $0x1B8E;
	s24 =	sld [smem:$0x3FFE];
	[sflag:s23] =	ssyncadd.s32 $0xFFFFFFFF  }
0xa5: {  	s26 =	simm.s32 $execute0_lowered;
	[smem:$0x3FD2] =	sst s25  }
0xa6: {  	s4 =	sshll.u32 s26, $0x1;
	_ =	strace $0x80000049;
	[dreg:$0x1] =	wrdreg $0xFFFFFFFF  }
0xa7: {  	s28 =	simm.s32 $_size_execute0_lowered;
	s2 =	sadd.s32 s2, s4;
	[dreg:$0x0] =	wrdreg $0x0  }
0xa8: {  	s4 =	sshll.u32 s28, $0x1;
	[dreg:$0x2] =	wrdreg s2  }
0xa9: {  	[dreg:$0x3] =	wrdreg s4  }
0xaa: {  	[dreg:$0x4] =	wrdreg $0xC0  }
0xab: {  	_ =	task [dreg:s6], $0x5FFFF  }
0xac: {  	[dreg:$0x1] =	wrdreg $0xFFFFFFFF  }
0xad: {  	[dreg:$0x0] =	wrdreg $0x60  }
0xae: {  	[dreg:$0x2] =	wrdreg s24  }
0xaf: {  	[dreg:$0x3] =	wrdreg $0x88000  }
0xb0: {  	[dreg:$0x4] =	wrdreg $0x9  }
0xb1: {  	_ =	task.clear_ibuf [dreg:s6], $0x5FFFF;
	_ =	strace $0x90000049  }
0xb2: {  	s29 =	simm.s32 $0x9;
	_ =	strace $0x8000004B  }
0xb3: {  	_ =	swait.ge [sflag:s29], $0x1  }
0xb4: {  	[sflag:s29] =	ssyncadd.s32 $0xFFFFFFFF  }
0xb5: {  	_ =	strace $0x9000004B  }
0xb6: {  	_ =	sfence  }
0xb7: {  	s30 =	sld [smem:$0x0];
	_ =	sdelay $0x2  }
0xb8: {  	s31 =	sshll.u32 s1, $0xD;
	s1 =	sshrl.u32 s1, $0x2  }
0xb9: {  	s3 =	sand.u32 $0x4000, s31;
	s1 =	sadd.s32 s1, s30  }
0xba: {  	s0 =	sor.u32 s3, s0;
	s1 =	sshll.u32 s1, $0x11  }
0xbb: {  	s0 =	sor.u32 s1, s0  }
0xbc: {  	s0 =	sadd.s32 $0x8F2B, s0  }
0xbd: {  	[sflag:s0] =	ssyncadd.remote.s32 $0x1  }
0xbe: {  	_ =	sfence.sel $0xFFFF  }
0xbf: {  	[dreg:$0x0] =	wrdreg $0xFFFFFFFF;
	(pc) =	sbr.abs _section_cstart, $3  }
0xc0: {  	[dreg:$0x1] =	wrdreg $0xFFFFFFFF  }
0xc1: {  	_ =	task.clear_ibuf [dreg:s6], $0x2FFFF;
	_ =	strace $0x9FFFFFFF  }
0xc2: {  	(tm) =	ssettm $0x7FFFFFFF  }
0xc3: {  	_ =	shalt  }
tec
execute0_lowered:
.L_overlay_start_1:
0x0: {  	(tag) =	ssettag $0x1  }
0x1: {  	s0 =	rddreg [dreg:$0x0]  }
0x2: {  	s1 =	rddreg [dreg:$0x1];
	s3 =	simm.s32 $0x0;
	s2 =	srdreg.scid  }
0x3: {  	s11 =	stileid.u32;
	s24 =	simm.s32 $0x180;
	s25 =	simm.s32 $0x280  }
0x4: {  	s26 =	simm.s32 $0x380;
	s28 =	simm.s32 $0x200;
	s29 =	simm.s32 $0x4400  }
0x5: {  	s30 =	simm.s32 $0x8;
	s31 =	simm.s32 $0x300;
	s12 =	simm.s32 $0x3  }
0x6: {  	[smem:$0x7FF] =	sst s3;
	s2 =	sand.u32 $0x1, s2;
	s7 =	smul.u32 $0x14000, s11  }
0x7: {  	s4 =	sadd.s32 $0x67A00, s0;
	s5 =	sadd.s32 $0x53A00, s0;
	s9 =	sshll.u32 s11, $0x7  }
0x8: {  	s6 =	smul.u32 $0x140000, s2;
	_ =	strace $0x8000004A;
	s8 =	sshll.u32 s2, $0x4  }
0x9: {  	s14 =	sadd.s32 s9, s0;
	s16 =	ssub.s32 $0x2, s2;
	[dreg:$0x3] =	wrdreg s24  }
0xa: {  	s2 =	smul.u32 $0x50000, s2;
	s24 =	simm.s32 $0x8580;
	[dreg:$0x4] =	wrdreg s25  }
0xb: {  	[dreg:$0x5] =	wrdreg s26;
	s25 =	simm.s32 $0x8600;
	s26 =	simm.s32 $0x100  }
0xc: {  	s9 =	simm.s32 $0x5;
	s13 =	sor.u32 s11, s8;
	s17 =	sshrl.u32 s16, $0x1  }
0xd: {  	s11 =	smul.u32 $0x5000, s11;
	s8 =	sadd.s32 $0x3200, s14;
	s6 =	sadd.s32 s6, s7  }
0xe: {  	s7 =	ssub.s32 s16, s17;
	[dreg:$0x6] =	wrdreg s8;
	s16 =	simm.s32 $0x8480  }
0xf: {  	s15 =	sshrl.u32 s6, $0x3;
	s6 =	smul.u32 $0x5000, s13;
	s2 =	sadd.s32 s11, s2  }
0x10: {  	s7 =	smax.u32 s7, $0x1;
	s11 =	simm.s32 $0x6;
	s0 =	sadd.s32 s15, s0  }
0x11: {  	s13 =	simm.s32 $0x0;
	[dreg:$0x9] =	wrdreg s7;
	s20 =	sadd.s32 $0x8FA00, s0  }
0x12: {  	s2 =	sor.u32 $0x300, s2;
	s21 =	sadd.s32 $0x90200, s0;
	[dreg:$0xa] =	wrdreg s20  }
0x13: {  	s7 =	simm.s32 $0x7;
	s22 =	sadd.s32 $0x90A00, s0;
	[dreg:$0xb] =	wrdreg s21  }
0x14: {  	s10 =	sshrl.u32 s6, $0x3;
	s23 =	sadd.s32 $0x91200, s0;
	[dreg:$0xc] =	wrdreg s22  }
0x15: {  	s2 =	sshrl.u32 s2, $0x3;
	s0 =	sadd.s32 $0x91A00, s0;
	[dreg:$0xd] =	wrdreg s23  }
0x16: {  	s8 =	sadd.s32 s5, s10;
	[dreg:$0xe] =	wrdreg s0;
	s17 =	sadd.s32 s2, s5  }
0x17: {  	s20 =	simm.s32 $0x80;
	s21 =	simm.s32 $0x400;
	s22 =	simm.s32 $0x8500  }
0x18: {  	s0 =	simm.s32 $0x4;
	s2 =	simm.s32 $0x1;
	s18 =	sadd.s32 $0x20, s8  }
0x19: {  	s10 =	simm.s32 $0x2;
	s19 =	sadd.s32 $0x40, s8;
	[dreg:$0x7] =	wrdreg s18  }
0x1a: {  	v0 =	vimm.f32 $0.0e+00;
	[dreg:$0x8] =	wrdreg s19;
	s18 =	simm.s32 $0x8400;
	s19 =	simm.s32 $0x9  }
.LBB2_1:
0x1b: {  	s14 =	rddreg [dreg:$0x6]  }
0x1c: {  	[tilespmem:s18], [sflag:$0x9] =	stream.linear.gather [hbm4b:s14+s3], $0x280, $0x38;
	[tilespmem:$0x1C800] =	vst v63  }
0x1d: {  	_ =	swait.ge [sflag:s19], $0x280  }
0x1e: {  	[sflag:s19] =	ssyncset.done $0x0  }
0x1f: {  	s15 =	simm.s32 $0x200;
	s14 =	simm.s32 $0x0;
	[sflag:s19] =	ssyncadd.s32 $0xFFFFFD80  }
.LBB2_2:
0x20: {  	p0 =	sne.s32 s15, $0xFE00;
	[tilespmem:s14+$0x4470] =	vst v0  }
0x21: {  	[tilespmem:s14+$0x400] =	vst v0  }
0x22: {  	[tilespmem:s14+$0x4400] =	vst v0  }
0x23: {  	[tilespmem:s14+$0x410] =	vst v0  }
0x24: {  	[tilespmem:s14+$0x4410] =	vst v0  }
0x25: {  	[tilespmem:s14+$0x420] =	vst v0  }
0x26: {  	[tilespmem:s14+$0x4420] =	vst v0  }
0x27: {  	[tilespmem:s14+$0x430] =	vst v0  }
0x28: {  	[tilespmem:s14+$0x4430] =	vst v0  }
0x29: {  	[tilespmem:s14+$0x440] =	vst v0  }
0x2a: {  	[tilespmem:s14+$0x4440] =	vst v0  }
.Ltmp0:
0x2b: {  	[tilespmem:s14+$0x450] =	vst v0;
	(pc) =	sbr.rel @p0 .LBB2_2-.Ltmp0, $4  }
0x2c: {  	[tilespmem:s14+$0x4450] =	vst v0  }
0x2d: {  	[tilespmem:s14+$0x460] =	vst v0  }
0x2e: {  	[tilespmem:s14+$0x4460] =	vst v0  }
0x2f: {  	[tilespmem:s14+$0x470] =	vst v0;
	s14 =	sshra.s32 s15, $0x2;
	s15 =	sadd.s32 $0x200, s15  }
0x30: {  	[tilespmem:s14+$0x4470] =	vst v0  }
0x31: {  	[tilespmem:s14+$0x400] =	vst v0  }
0x32: {  	[tilespmem:s14+$0x4400] =	vst v0  }
0x33: {  	[tilespmem:s14+$0x410] =	vst v0  }
0x34: {  	[tilespmem:s14+$0x4410] =	vst v0  }
0x35: {  	[tilespmem:s14+$0x420] =	vst v0  }
0x36: {  	[tilespmem:s14+$0x4420] =	vst v0  }
0x37: {  	[tilespmem:s14+$0x430] =	vst v0  }
0x38: {  	[tilespmem:s14+$0x4430] =	vst v0  }
0x39: {  	[tilespmem:s14+$0x440] =	vst v0  }
0x3a: {  	[tilespmem:s14+$0x4440] =	vst v0  }
0x3b: {  	[tilespmem:s14+$0x450] =	vst v0  }
0x3c: {  	[tilespmem:s14+$0x4450] =	vst v0  }
0x3d: {  	[tilespmem:s14+$0x460] =	vst v0  }
0x3e: {  	[tilespmem:s14+$0x4460] =	vst v0  }
0x3f: {  	[tilespmem:s14+$0x470] =	vst v0  }
0x40: {  	[spmem:s1] =	stream.indirect.scatter [tilespmem:s21], [sflag:$0x9], $0x80, s18, s20, $0xb8;
	[tilespmem:$0x1C800] =	vst v63  }
0x41: {  	_ =	swait.ge [sflag:s19], $0x4000  }
0x42: {  	[sflag:s19] =	ssyncset.done $0x0  }
0x43: {  	[sflag:s19] =	ssyncadd.s32 $0xFFFFC000  }
0x44: {  	[spmem:s1] =	stream.indirect.scatter [tilespmem:s21], [sflag:$0x9], $0x80, s16, s20, $0xb8;
	[tilespmem:$0x1C800] =	vst v63  }
0x45: {  	_ =	swait.ge [sflag:s19], $0x4000  }
0x46: {  	[sflag:s19] =	ssyncset.done $0x0  }
0x47: {  	[sflag:s19] =	ssyncadd.s32 $0xFFFFC000  }
0x48: {  	[spmem:s1] =	stream.indirect.scatter [tilespmem:s21], [sflag:$0x9], $0x80, s22, s20, $0xb8;
	[tilespmem:$0x1C800] =	vst v63  }
0x49: {  	_ =	swait.ge [sflag:s19], $0x4000  }
0x4a: {  	[sflag:s19] =	ssyncset.done $0x0  }
0x4b: {  	[sflag:s19] =	ssyncadd.s32 $0xFFFFC000  }
0x4c: {  	[spmem:s1] =	stream.indirect.scatter [tilespmem:s21], [sflag:$0x9], $0x80, s24, s20, $0xb8;
	[tilespmem:$0x1C800] =	vst v63  }
0x4d: {  	_ =	swait.ge [sflag:s19], $0x4000  }
0x4e: {  	[sflag:s19] =	ssyncset.done $0x0  }
0x4f: {  	[sflag:s19] =	ssyncadd.s32 $0xFFFFC000  }
0x50: {  	[spmem:s1] =	stream.indirect.scatter [tilespmem:s21], [sflag:$0x9], $0x80, s25, s20, $0xb8;
	[tilespmem:$0x1C800] =	vst v63  }
0x51: {  	_ =	swait.ge [sflag:s19], $0x4000  }
0x52: {  	[sflag:s19] =	ssyncset.done $0x0  }
0x53: {  	[sflag:s19] =	ssyncadd.s32 $0xFFFFC000  }
0x54: {  	[bflag:$0x0] =	sbarrier.arrive $0xFFFF  }
0x55: {  	[tilespmem:s3], [sflag:$0x9] =	stream.linear.gather [hbm4b:s8+s3], $0x100, $0x38;
	[tilespmem:$0x1C800] =	vst v63  }
0x56: {  	_ =	swait.ge [sflag:s19], $0x100  }
0x57: {  	[sflag:s19] =	ssyncset.done $0x0  }
0x58: {  	s16 =	rddreg [dreg:$0x7];
	[sflag:s19] =	ssyncadd.s32 $0xFFFFFF00  }
0x59: {  	[tilespmem:s26], [sflag:$0x4] =	stream.linear.gather [hbm4b:s16+s3], $0x100, $0x38;
	[tilespmem:$0x1C800] =	vst v63  }
0x5a: {  	s22 =	rddreg [dreg:$0x8]  }
0x5b: {  	[tilespmem:s28], [sflag:$0x5] =	stream.linear.gather [hbm4b:s22+s3], $0x100, $0x38;
	[tilespmem:$0x1C800] =	vst v63  }
0x5c: {  	_ = 	snop  }
0x5d: {  	[tilespmem:s21], [sflag:$0x1] =	stream.indirect.gather [hbm4b:s4+s20], $0x80, s3, s20, $0xb8;
	[tilespmem:$0x1C800] =	vst v63  }
0x5e: {  	_ = 	snop  }
0x5f: {  	[spmem:s1] =	stream.indirect.scatter.add.f32 [tilespmem:s29], [sflag:$0x8], $0x80, s18, s20, $0xb8;
	[tilespmem:$0x1C800] =	vst v63  }
0x60: {  	_ =	swait.ge [sflag:s30], $0x4000  }
0x61: {  	[sflag:s30] =	ssyncset.done $0x0  }
0x62: {  	[sflag:s30] =	ssyncadd.s32 $0xFFFFC000  }
0x63: {  	[tilespmem:s31], [sflag:$0x6] =	stream.linear.gather [hbm4b:s17+s3], $0x100, $0x38;
	[tilespmem:$0x1C800] =	vst v63  }
0x64: {  	_ =	swait.ge [sflag:s0], $0x100  }
0x65: {  	[sflag:s0] =	ssyncset.done $0x0  }
0x66: {  	[sflag:s0] =	ssyncadd.s32 $0xFFFFFF00  }
0x67: {  	[tilespmem:s29], [sflag:$0x2] =	stream.indirect.gather [hbm4b:s4+s20], $0x80, s26, s20, $0xb8;
	[tilespmem:$0x1C800] =	vst v63  }
0x68: {  	_ =	swait.ge [sflag:s2], $0x4000  }
0x69: {  	p0 =	por $0x0, $0x0;
	s14 =	simm.s32 $0x400;
	[sflag:s2] =	ssyncset.done $0x0  }
0x6a: {  	s14 =	simm.s32 @p0 $0x0;
	[sflag:s2] =	ssyncadd.s32 $0xFFFFC000  }
0x6b: {  	[spmem:s1] =	stream.indirect.scatter.add.f32 [tilespmem:s21], [sflag:$0x7], $0x80, s20, s20, $0xb8;
	[tilespmem:$0x1C800] =	vst v63  }
0x6c: {  	s14 =	sadd.s32 s6, s14;
	_ =	swait.ge [sflag:s7], $0x4000  }
0x6d: {  	s14 =	sshrl.u32 s14, $0x3;
	[sflag:s7] =	ssyncset.done $0x0  }
0x6e: {  	s14 =	sadd.s32 s5, s14;
	[sflag:s7] =	ssyncadd.s32 $0xFFFFC000  }
0x6f: {  	[tilespmem:s3], [sflag:$0x3] =	stream.linear.gather [hbm4b:s14+s3], $0x100, $0x38;
	[tilespmem:$0x1C800] =	vst v63  }
0x70: {  	_ =	swait.ge [sflag:s9], $0x100  }
0x71: {  	[sflag:s9] =	ssyncset.done $0x0  }
0x72: {  	[sflag:s9] =	ssyncadd.s32 $0xFFFFFF00  }
0x73: {  	[tilespmem:s21], [sflag:$0x1] =	stream.indirect.gather [hbm4b:s4+s20], $0x80, s28, s20, $0xb8;
	[tilespmem:$0x1C800] =	vst v63  }
0x74: {  	_ =	swait.ge [sflag:s10], $0x4000  }
0x75: {  	s15 =	simm.s32 $0x500;
	[sflag:s10] =	ssyncset.done $0x0  }
0x76: {  	s15 =	simm.s32 @p0 $0x100;
	s23 =	rddreg [dreg:$0x3];
	[sflag:s10] =	ssyncadd.s32 $0xFFFFC000  }
0x77: {  	[spmem:s1] =	stream.indirect.scatter.add.f32 [tilespmem:s29], [sflag:$0x8], $0x80, s23, s20, $0xb8;
	[tilespmem:$0x1C800] =	vst v63  }
0x78: {  	s16 =	sadd.s32 s6, s15;
	_ =	swait.ge [sflag:s30], $0x4000  }
0x79: {  	s14 =	sshrl.u32 s16, $0x3;
	[sflag:s30] =	ssyncset.done $0x0  }
0x7a: {  	s14 =	sadd.s32 s5, s14;
	[sflag:s30] =	ssyncadd.s32 $0xFFFFC000  }
0x7b: {  	[tilespmem:s26], [sflag:$0x4] =	stream.linear.gather [hbm4b:s14+s3], $0x100, $0x38;
	[tilespmem:$0x1C800] =	vst v63  }
0x7c: {  	_ =	swait.ge [sflag:s11], $0x100  }
0x7d: {  	[sflag:s11] =	ssyncset.done $0x0  }
0x7e: {  	[sflag:s11] =	ssyncadd.s32 $0xFFFFFF00  }
0x7f: {  	[tilespmem:s29], [sflag:$0x2] =	stream.indirect.gather [hbm4b:s4+s20], $0x80, s31, s20, $0xb8;
	[tilespmem:$0x1C800] =	vst v63  }
0x80: {  	_ =	swait.ge [sflag:s2], $0x4000  }
0x81: {  	s15 =	simm.s32 $0x600;
	[sflag:s2] =	ssyncset.done $0x0  }
0x82: {  	s15 =	simm.s32 @p0 $0x200;
	s22 =	rddreg [dreg:$0x4];
	[sflag:s2] =	ssyncadd.s32 $0xFFFFC000  }
0x83: {  	[spmem:s1] =	stream.indirect.scatter.add.f32 [tilespmem:s21], [sflag:$0x7], $0x80, s22, s20, $0xb8;
	[tilespmem:$0x1C800] =	vst v63  }
0x84: {  	s23 =	sadd.s32 s6, s15;
	_ =	swait.ge [sflag:s7], $0x4000  }
0x85: {  	s14 =	sshrl.u32 s23, $0x3;
	[sflag:s7] =	ssyncset.done $0x0  }
0x86: {  	s14 =	sadd.s32 s5, s14;
	[sflag:s7] =	ssyncadd.s32 $0xFFFFC000  }
0x87: {  	[tilespmem:s28], [sflag:$0x5] =	stream.linear.gather [hbm4b:s14+s3], $0x100, $0x38;
	[tilespmem:$0x1C800] =	vst v63  }
0x88: {  	_ =	swait.ge [sflag:s12], $0x100  }
0x89: {  	s15 =	sadd.s32 $0x80, s17;
	s14 =	simm.s32 $0xA00;
	[sflag:s12] =	ssyncset.done $0x0  }
.LBB2_4:
0x8a: {  	[sflag:s12] =	ssyncadd.s32 $0xFFFFFF00  }
0x8b: {  	[tilespmem:s21], [sflag:$0x1] =	stream.indirect.gather [hbm4b:s4+s20], $0x80, s3, s20, $0xb8;
	[tilespmem:$0x1C800] =	vst v63  }
0x8c: {  	_ =	swait.ge [sflag:s10], $0x4000  }
0x8d: {  	[sflag:s10] =	ssyncset.done $0x0  }
0x8e: {  	s16 =	rddreg [dreg:$0x5];
	[sflag:s10] =	ssyncadd.s32 $0xFFFFC000  }
0x8f: {  	[spmem:s1] =	stream.indirect.scatter.add.f32 [tilespmem:s29], [sflag:$0x8], $0x80, s16, s20, $0xb8;
	[tilespmem:$0x1C800] =	vst v63  }
0x90: {  	_ =	swait.ge [sflag:s30], $0x4000  }
0x91: {  	[sflag:s30] =	ssyncset.done $0x0  }
0x92: {  	[sflag:s30] =	ssyncadd.s32 $0xFFFFC000  }
0x93: {  	[tilespmem:s31], [sflag:$0x6] =	stream.linear.gather [hbm4b:s15+s3], $0x100, $0x38;
	[tilespmem:$0x1C800] =	vst v63  }
0x94: {  	_ =	swait.ge [sflag:s0], $0x100  }
0x95: {  	[sflag:s0] =	ssyncset.done $0x0  }
0x96: {  	[sflag:s0] =	ssyncadd.s32 $0xFFFFFF00  }
0x97: {  	[tilespmem:s29], [sflag:$0x2] =	stream.indirect.gather [hbm4b:s4+s20], $0x80, s26, s20, $0xb8;
	[tilespmem:$0x1C800] =	vst v63  }
0x98: {  	s22 =	smov.u32 s14;
	_ =	swait.ge [sflag:s2], $0x4000  }
0x99: {  	p1 =	seq.s32 s22, $0x5200;
	s23 =	sadd.s32 $0xFFFFFE00, s22;
	[sflag:s2] =	ssyncset.done $0x0  }
0x9a: {  	s23 =	simm.s32 @p1 $0x0;
	[sflag:s2] =	ssyncadd.s32 $0xFFFFC000  }
0x9b: {  	[spmem:s1] =	stream.indirect.scatter.add.f32 [tilespmem:s21], [sflag:$0x7], $0x80, s20, s20, $0xb8;
	[tilespmem:$0x1C800] =	vst v63  }
0x9c: {  	s23 =	sadd.s32 s6, s23;
	_ =	swait.ge [sflag:s7], $0x4000  }
0x9d: {  	s23 =	sshrl.u32 s23, $0x3;
	[sflag:s7] =	ssyncset.done $0x0  }
0x9e: {  	s23 =	sadd.s32 s5, s23;
	[sflag:s7] =	ssyncadd.s32 $0xFFFFC000  }
0x9f: {  	[tilespmem:s3], [sflag:$0x3] =	stream.linear.gather [hbm4b:s23+s3], $0x100, $0x38;
	[tilespmem:$0x1C800] =	vst v63  }
0xa0: {  	_ =	swait.ge [sflag:s9], $0x100  }
0xa1: {  	[sflag:s9] =	ssyncset.done $0x0  }
0xa2: {  	[sflag:s9] =	ssyncadd.s32 $0xFFFFFF00  }
0xa3: {  	[tilespmem:s21], [sflag:$0x1] =	stream.indirect.gather [hbm4b:s4+s20], $0x80, s28, s20, $0xb8;
	[tilespmem:$0x1C800] =	vst v63  }
0xa4: {  	_ =	swait.ge [sflag:s10], $0x4000  }
0xa5: {  	s16 =	sadd.s32 $0xFFFFFF00, s22;
	[sflag:s10] =	ssyncset.done $0x0  }
0xa6: {  	s16 =	simm.s32 @p1 $0x100;
	s23 =	rddreg [dreg:$0x3];
	[sflag:s10] =	ssyncadd.s32 $0xFFFFC000  }
0xa7: {  	[spmem:s1] =	stream.indirect.scatter.add.f32 [tilespmem:s29], [sflag:$0x8], $0x80, s23, s20, $0xb8;
	[tilespmem:$0x1C800] =	vst v63  }
0xa8: {  	s16 =	sadd.s32 s6, s16;
	_ =	swait.ge [sflag:s30], $0x4000  }
0xa9: {  	s16 =	sshrl.u32 s16, $0x3;
	[sflag:s30] =	ssyncset.done $0x0  }
0xaa: {  	s16 =	sadd.s32 s5, s16;
	[sflag:s30] =	ssyncadd.s32 $0xFFFFC000  }
0xab: {  	[tilespmem:s26], [sflag:$0x4] =	stream.linear.gather [hbm4b:s16+s3], $0x100, $0x38;
	[tilespmem:$0x1C800] =	vst v63  }
0xac: {  	_ =	swait.ge [sflag:s11], $0x100  }
0xad: {  	[sflag:s11] =	ssyncset.done $0x0  }
0xae: {  	[sflag:s11] =	ssyncadd.s32 $0xFFFFFF00  }
0xaf: {  	[tilespmem:s29], [sflag:$0x2] =	stream.indirect.gather [hbm4b:s4+s20], $0x80, s31, s20, $0xb8;
	[tilespmem:$0x1C800] =	vst v63  }
0xb0: {  	_ =	swait.ge [sflag:s2], $0x4000  }
0xb1: {  	[sflag:s2] =	ssyncset.done $0x0  }
0xb2: {  	s22 =	simm.s32 @p1 $0x200;
	s23 =	rddreg [dreg:$0x4];
	[sflag:s2] =	ssyncadd.s32 $0xFFFFC000  }
0xb3: {  	[spmem:s1] =	stream.indirect.scatter.add.f32 [tilespmem:s21], [sflag:$0x7], $0x80, s23, s20, $0xb8;
	[tilespmem:$0x1C800] =	vst v63  }
0xb4: {  	p0 =	sne.s32 s14, $0x5200;
	s22 =	sadd.s32 s6, s22;
	_ =	swait.ge [sflag:s7], $0x4000  }
.Ltmp1:
0xb5: {  	s22 =	sshrl.u32 s22, $0x3;
	[sflag:s7] =	ssyncset.done $0x0;
	(pc) =	sbr.rel @p0 .LBB2_4-.Ltmp1, $4  }
0xb6: {  	s23 =	sadd.s32 s5, s22;
	[sflag:s7] =	ssyncadd.s32 $0xFFFFC000  }
0xb7: {  	[tilespmem:s28], [sflag:$0x5] =	stream.linear.gather [hbm4b:s23+s3], $0x100, $0x38;
	[tilespmem:$0x1C800] =	vst v63  }
0xb8: {  	_ =	swait.ge [sflag:s12], $0x100  }
0xb9: {  	s14 =	sadd.s32 $0x400, s14;
	s15 =	sadd.s32 $0x80, s15;
	[sflag:s12] =	ssyncset.done $0x0  }
0xba: {  	[sflag:s12] =	ssyncadd.s32 $0xFFFFFF00  }
0xbb: {  	[tilespmem:s21], [sflag:$0x1] =	stream.indirect.gather [hbm4b:s4+s20], $0x80, s3, s20, $0xb8;
	[tilespmem:$0x1C800] =	vst v63  }
0xbc: {  	_ =	swait.ge [sflag:s10], $0x4000  }
0xbd: {  	[sflag:s10] =	ssyncset.done $0x0  }
0xbe: {  	s14 =	rddreg [dreg:$0x5];
	[sflag:s10] =	ssyncadd.s32 $0xFFFFC000  }
0xbf: {  	[spmem:s1] =	stream.indirect.scatter.add.f32 [tilespmem:s29], [sflag:$0x8], $0x80, s14, s20, $0xb8;
	[tilespmem:$0x1C800] =	vst v63  }
0xc0: {  	_ =	swait.ge [sflag:s0], $0x100  }
0xc1: {  	[sflag:s0] =	ssyncset.done $0x0  }
0xc2: {  	[sflag:s0] =	ssyncadd.s32 $0xFFFFFF00  }
0xc3: {  	_ =	swait.ge [sflag:s9], $0x100  }
0xc4: {  	[sflag:s9] =	ssyncset.done $0x0  }
0xc5: {  	[sflag:s9] =	ssyncadd.s32 $0xFFFFFF00  }
0xc6: {  	_ =	swait.ge [sflag:s2], $0x4000  }
0xc7: {  	[sflag:s2] =	ssyncset.done $0x0  }
0xc8: {  	[sflag:s2] =	ssyncadd.s32 $0xFFFFC000  }
0xc9: {  	_ =	swait.ge [sflag:s30], $0x4000  }
0xca: {  	[sflag:s30] =	ssyncset.done $0x0  }
0xcb: {  	[sflag:s30] =	ssyncadd.s32 $0xFFFFC000  }
0xcc: {  	[bflag:$0x0] =	sbarrier.arrive $0xFFFF  }
0xcd: {  	[tilespmem:s21], [sflag:$0x9] =	stream.indirect.gather [spmem:s1], $0x80, s18, s20, $0xb8;
	[tilespmem:$0x1C800] =	vst v63  }
0xce: {  	_ =	swait.ge [sflag:s19], $0x4000  }
0xcf: {  	[sflag:s19] =	ssyncset.done $0x0  }
0xd0: {  	s22 =	rddreg [dreg:$0xa];
	[sflag:s19] =	ssyncadd.s32 $0xFFFFC000  }
0xd1: {  	[hbm4b:s22+s3] =	stream.linear.scatter [tilespmem:s21], [sflag:$0x9], $0x4000, $0x38;
	[tilespmem:$0x1C800] =	vst v63  }
0xd2: {  	_ =	swait.ge [sflag:s19], $0x4000  }
0xd3: {  	[sflag:s19] =	ssyncset.done $0x0  }
0xd4: {  	s16 =	simm.s32 $0x8480;
	[sflag:s19] =	ssyncadd.s32 $0xFFFFC000  }
0xd5: {  	[tilespmem:s21], [sflag:$0x9] =	stream.indirect.gather [spmem:s1], $0x80, s16, s20, $0xb8;
	[tilespmem:$0x1C800] =	vst v63  }
0xd6: {  	_ =	swait.ge [sflag:s19], $0x4000  }
0xd7: {  	[sflag:s19] =	ssyncset.done $0x0  }
0xd8: {  	s23 =	rddreg [dreg:$0xb];
	[sflag:s19] =	ssyncadd.s32 $0xFFFFC000  }
0xd9: {  	[hbm4b:s23+s3] =	stream.linear.scatter [tilespmem:s21], [sflag:$0x9], $0x4000, $0x38;
	[tilespmem:$0x1C800] =	vst v63  }
0xda: {  	_ =	swait.ge [sflag:s19], $0x4000  }
0xdb: {  	[sflag:s19] =	ssyncset.done $0x0  }
0xdc: {  	s22 =	simm.s32 $0x8500;
	[sflag:s19] =	ssyncadd.s32 $0xFFFFC000  }
0xdd: {  	[tilespmem:s21], [sflag:$0x9] =	stream.indirect.gather [spmem:s1], $0x80, s22, s20, $0xb8;
	[tilespmem:$0x1C800] =	vst v63  }
0xde: {  	_ =	swait.ge [sflag:s19], $0x4000  }
0xdf: {  	[sflag:s19] =	ssyncset.done $0x0  }
0xe0: {  	s15 =	rddreg [dreg:$0xc];
	[sflag:s19] =	ssyncadd.s32 $0xFFFFC000  }
0xe1: {  	[hbm4b:s15+s3] =	stream.linear.scatter [tilespmem:s21], [sflag:$0x9], $0x4000, $0x38;
	[tilespmem:$0x1C800] =	vst v63  }
0xe2: {  	_ =	swait.ge [sflag:s19], $0x4000  }
0xe3: {  	[sflag:s19] =	ssyncset.done $0x0  }
0xe4: {  	[sflag:s19] =	ssyncadd.s32 $0xFFFFC000  }
0xe5: {  	[tilespmem:s21], [sflag:$0x9] =	stream.indirect.gather [spmem:s1], $0x80, s24, s20, $0xb8;
	[tilespmem:$0x1C800] =	vst v63  }
0xe6: {  	_ =	swait.ge [sflag:s19], $0x4000  }
0xe7: {  	[sflag:s19] =	ssyncset.done $0x0  }
0xe8: {  	s23 =	rddreg [dreg:$0xd];
	[sflag:s19] =	ssyncadd.s32 $0xFFFFC000  }
0xe9: {  	[hbm4b:s23+s3] =	stream.linear.scatter [tilespmem:s21], [sflag:$0x9], $0x4000, $0x38;
	[tilespmem:$0x1C800] =	vst v63  }
0xea: {  	_ =	swait.ge [sflag:s19], $0x4000  }
0xeb: {  	[sflag:s19] =	ssyncset.done $0x0  }
0xec: {  	[sflag:s19] =	ssyncadd.s32 $0xFFFFC000  }
0xed: {  	[tilespmem:s21], [sflag:$0x9] =	stream.indirect.gather [spmem:s1], $0x80, s25, s20, $0xb8;
	[tilespmem:$0x1C800] =	vst v63  }
0xee: {  	_ =	swait.ge [sflag:s19], $0x4000  }
0xef: {  	[sflag:s19] =	ssyncset.done $0x0  }
0xf0: {  	s15 =	rddreg [dreg:$0xe];
	[sflag:s19] =	ssyncadd.s32 $0xFFFFC000  }
0xf1: {  	[hbm4b:s15+s3] =	stream.linear.scatter [tilespmem:s21], [sflag:$0x9], $0x4000, $0x38;
	[tilespmem:$0x1C800] =	vst v63  }
0xf2: {  	_ =	swait.ge [sflag:s19], $0x4000  }
0xf3: {  	s13 =	sadd.s32 $0x1, s13;
	s23 =	rddreg [dreg:$0x9]  }
0xf4: {  	p0 =	sne.s32 s13, s23  }
.Ltmp2:
0xf5: {  	_ = 	snop;
	(pc) =	sbr.rel @p0 .LBB2_1-.Ltmp2, $3  }
0xf6: {  	_ =	sdelay $0x1  }
0xf7: {  	[sflag:s19] =	ssyncset.done $0x0  }
0xf8: {  	[sflag:s19] =	ssyncadd.s32 $0xFFFFC000  }
0xf9: {  	_ =	sfence.sel $0x180000  }
0xfa: {  	[bflag:$0x0] =	sbarrier.arrive $0xFFFF  }
0xfb: {  	_ =	strace $0x9000004A  }
0xfc: {  	s0 =	stileid.u32;
	[bflag:$0x2] =	sbarrier.arrive $0xFFFF  }
0xfd: {  	p0 =	sne.s32 s0, $0x0;
	s0 =	rddreg [dreg:$0x2]  }
0xfe: {  	s0 =	sadd.s32 @!p0 $0x100000, s0  }
0xff: {  	[sflag:s0] =	ssyncadd.tile.s32 @!p0 $0x1;
	_ =	shalt  }
.Lfunc_end2:
_tile_overlayer_lowered:
.L_overlay_start_2:
0x100: {  	(tag) =	ssettag $0x2  }
0x101: {  	s0 =	rddreg [dreg:$0x0];
	s2 =	stileid.u32  }
0x102: {  	s1 =	rddreg [dreg:$0x1];
	p0 =	sne.s32 s2, $0x0  }
0x103: {  	s3 =	rddreg [dreg:$0x2];
	[bflag:$0x3] =	sbarrier.arrive $0xFFFF;
	s2 =	simm.s32 @!p0 $0x1C09  }
0x104: {  	[timem:s3], [sflag:s2] =	dma.local @!p0 [hbm:s0], s1  }
0x105: {  	s0 =	simm.s32 @!p0 $0x9  }
0x106: {  	_ =	swait.ge @!p0 [sflag:s0], s1  }
0x107: {  	s1 =	ssub.s32 @!p0 $0x0, s1;
	[sflag:s0] =	ssyncset.done @!p0 $0x0  }
0x108: {  	[sflag:s0] =	ssyncadd.s32 @!p0 s1  }
0x109: {  	[bflag:$0x3] =	sbarrier.arrive $0xFFFF  }
0x10a: {  	_ =	shalt  }

// kernel: kernel.16.cloned.1.call-start
scs
__scs_entry_jumppad:
0x0: {  	(pc) =	sbr.rel $0x88, $3  }
0x1: {  	(tag) =	ssettag $0x0;
	lr =	simm.s32 $0x1  }
0x2: {  	[smem:$0x3F9B] =	sst lr;
	_ =	strace $0xD0000000  }
0x3: {  	_ = 	snop  }
0x4: {  	_ = 	snop  }
0x5: {  	_ = 	snop  }
0x6: {  	_ = 	snop  }
0x7: {  	_ = 	snop  }
__scs_overlays_trampoline_lowered:
0x8: {  	[smem:$0x3FAA] =	sst s0  }
0x9: {  	[smem:$0x3FAB] =	sst s1  }
0xa: {  	[smem:$0x3FAC] =	sst s2  }
0xb: {  	[smem:$0x3FAD] =	sst s3  }
0xc: {  	[smem:$0x3FAE] =	sst s4  }
0xd: {  	[smem:$0x3FAF] =	sst s5  }
0xe: {  	[smem:$0x3FB0] =	sst s6  }
0xf: {  	[smem:$0x3FB1] =	sst s7  }
0x10: {  	[smem:$0x3FB2] =	sst s8  }
0x11: {  	[smem:$0x3FB3] =	sst s9;
	s0 =	simm.s32 @!p0 $0x0  }
0x12: {  	s1 =	sld [smem:$0x3F99];
	s0 =	simm.s32 @p0 $0x1  }
0x13: {  	[smem:$0x3FB4] =	sst s0;
	s0 =	simm.s32 @!p1 $0x0  }
0x14: {  	s2 =	sld [smem:$0x3F98];
	s0 =	simm.s32 @p1 $0x1  }
0x15: {  	[smem:$0x3FB5] =	sst s0;
	s0 =	simm.s32 @!p2 $0x0  }
0x16: {  	s3 =	sld [smem:$0x3FDB];
	s0 =	simm.s32 @p2 $0x1  }
0x17: {  	s4 =	simm.s32 $0x1BF5;
	[smem:$0x3FB7] =	sst s0  }
0x18: {  	s0 =	sld [smem:$0x3F9A];
	_ =	swait.ge [sflag:s4], $0x0  }
0x19: {  	s7 =	sld [smem:$0x3F9B]  }
0x1a: {  	s8 =	sadd.s32 $0xFFFFE003, lr  }
0x1b: {  	s9 =	sadd.s32 $0xFFFFFEF7, lr;
	s5 =	simm.s32 $0xFFFFFFFF;
	p2 =	slt.u32 s8, $0xFFFFF086  }
0x1c: {  	p1 =	slt.u32 s9, $0xF7A;
	s5 =	simm.s32 @!p2 $0x0  }
0x1d: {  	s5 =	simm.s32 @p1 $0x1;
	p0 =	seq.s32 s7, s2  }
0x1e: {  	s7 =	smul.u32 @!p0 $0xF7A, s2;
	p2 =	seq.s32 @!p0 s5, $0x0  }
0x1f: {  	s9 =	smul.u32 $0xF7A, s1;
	s8 =	simm.s32 @!p0 $0x1BF5;
	p2 =	por !p2, p0  }
0x20: {  	[sflag:s8] =	ssyncset.s32 @!p0 $0xFFFFF086;
	s6 =	sadd.s32 @!p0 s3, s7;
	s7 =	simm.s32 @!p0 $0x108  }
0x21: {  	s3 =	sadd.s32 s3, s9;
	s6 =	sadd.s32 @!p0 $0x88, s6;
	s7 =	simm.s32 @p2 $0x1082  }
0x22: {  	[simem:s7], [sflag:s8] =	dma.local @!p0 [hbm:s6], $0xF7A  }
0x23: {  	s9 =	sor.u32 $0xD0000000, s2;
	s6 =	simm.s32 $0x108;
	_ =	swait.ge @!p0 [sflag:s8], $0x0  }
0x24: {  	s3 =	sadd.s32 $0x88, s3;
	s6 =	simm.s32 @!p1 $0x1082;
	[sflag:s4] =	ssyncset.s32 $0xFFFFF086  }
0x25: {  	[simem:s6], [sflag:s4] =	dma.local [hbm:s3], $0xF7A  }
0x26: {  	[smem:$0x3F9B] =	sst s1;
	(tag) =	ssettag s2;
	_ =	strace s9  }
0x27: {  	s1 =	sld [smem:$0x3FAB]  }
0x28: {  	s2 =	sld [smem:$0x3FAC]  }
0x29: {  	s4 =	sld [smem:$0x3FAE]  }
0x2a: {  	p0 =	seq.s32 s5, $0x0;
	s5 =	sld [smem:$0x3FAF]  }
0x2b: {  	s6 =	sld [smem:$0x3FB0]  }
0x2c: {  	s7 =	sld [smem:$0x3FB1]  }
0x2d: {  	s3 =	simm.s32 $0x108;
	s8 =	sld [smem:$0x3FB2]  }
0x2e: {  	s3 =	simm.s32 @!p0 $0x1082;
	s9 =	sld [smem:$0x3FB3]  }
0x2f: {  	lr =	sadd.s32 s0, s3;
	s0 =	sld [smem:$0x3FAA]  }
0x30: {  	s3 =	sld [smem:$0x3FAD]  }
0x31: {  	[smem:$0x3FB6] =	sst s10  }
0x32: {  	s10 =	sld [smem:$0x3FB4];
	_ =	sdelay $0x3  }
0x33: {  	p0 =	seq.s32 s10, $0x1;
	s10 =	sld [smem:$0x3FB6];
	_ =	sdelay $0x3  }
0x34: {  	[smem:$0x3FB6] =	sst s10  }
0x35: {  	s10 =	sld [smem:$0x3FB5];
	_ =	sdelay $0x3  }
0x36: {  	p1 =	seq.s32 s10, $0x1;
	s10 =	sld [smem:$0x3FB6];
	_ =	sdelay $0x3  }
0x37: {  	[smem:$0x3FB6] =	sst s10  }
0x38: {  	s10 =	sld [smem:$0x3FB7]  }
0x39: {  	_ = 	snop;
	(pc) =	sbr.ind lr, $3  }
0x3a: {  	_ = 	snop  }
0x3b: {  	_ = 	snop  }
0x3c: {  	p2 =	seq.s32 s10, $0x1;
	s10 =	sld [smem:$0x3FB6]  }
0x3d: {  	_ =	shalt  }
0x3e: {  	_ =	shalt  }
0x3f: {  	_ =	shalt  }
0x40: {  	_ =	shalt  }
0x41: {  	_ =	shalt  }
0x42: {  	_ =	shalt  }
0x43: {  	_ =	shalt  }
0x44: {  	_ =	shalt  }
0x45: {  	_ =	shalt  }
0x46: {  	_ =	shalt  }
0x47: {  	_ =	shalt  }
0x48: {  	_ =	shalt  }
0x49: {  	_ =	shalt  }
0x4a: {  	_ =	shalt  }
0x4b: {  	_ =	shalt  }
0x4c: {  	_ =	shalt  }
0x4d: {  	_ =	shalt  }
0x4e: {  	_ =	shalt  }
0x4f: {  	_ =	shalt  }
0x50: {  	_ =	shalt  }
0x51: {  	_ =	shalt  }
0x52: {  	_ =	shalt  }
0x53: {  	_ =	shalt  }
0x54: {  	_ =	shalt  }
0x55: {  	_ =	shalt  }
0x56: {  	_ =	shalt  }
0x57: {  	_ =	shalt  }
0x58: {  	_ =	shalt  }
0x59: {  	_ =	shalt  }
0x5a: {  	_ =	shalt  }
0x5b: {  	_ =	shalt  }
0x5c: {  	_ =	shalt  }
0x5d: {  	_ =	shalt  }
0x5e: {  	_ =	shalt  }
0x5f: {  	_ =	shalt  }
0x60: {  	_ =	shalt  }
0x61: {  	_ =	shalt  }
0x62: {  	_ =	shalt  }
0x63: {  	_ =	shalt  }
0x64: {  	_ =	shalt  }
0x65: {  	_ =	shalt  }
0x66: {  	_ =	shalt  }
0x67: {  	_ =	shalt  }
0x68: {  	_ =	shalt  }
0x69: {  	_ =	shalt  }
0x6a: {  	_ =	shalt  }
0x6b: {  	_ =	shalt  }
0x6c: {  	_ =	shalt  }
0x6d: {  	_ =	shalt  }
0x6e: {  	_ =	shalt  }
0x6f: {  	_ =	shalt  }
0x70: {  	_ =	shalt  }
0x71: {  	_ =	shalt  }
0x72: {  	_ =	shalt  }
0x73: {  	_ =	shalt  }
0x74: {  	_ =	shalt  }
0x75: {  	_ =	shalt  }
0x76: {  	_ =	shalt  }
0x77: {  	_ =	shalt  }
0x78: {  	_ =	shalt  }
0x79: {  	_ =	shalt  }
0x7a: {  	_ =	shalt  }
0x7b: {  	_ =	shalt  }
0x7c: {  	_ =	shalt  }
0x7d: {  	_ =	shalt  }
0x7e: {  	_ =	shalt  }
0x7f: {  	_ =	shalt  }
0x80: {  	_ =	shalt  }
0x81: {  	_ =	shalt  }
0x82: {  	_ =	shalt  }
0x83: {  	_ =	shalt  }
0x84: {  	_ =	shalt  }
0x85: {  	_ =	shalt  }
0x86: {  	_ =	shalt  }
0x87: {  	_ =	shalt  }
.Lfunc_end0:
.L_simem_size_0:
called_computation.2_lowered:
.L_overlay_start_0:
0x88: {  	s2 =	sld [smem:$0x3FD9]  }
0x89: {  	s3 =	sld [smem:$0x3FFE];
	_ =	sdelay $0x1  }
0x8a: {  	s1 =	srdreg.scid  }
0x8b: {  	s0 =	sand.u32 $0x1, s1  }
0x8c: {  	s16 =	sshll.u32 s0, $0xA;
	s2 =	sadd.s32 s3, s2  }
0x8d: {  	s2 =	sadd.s32 s2, s16  }
0x8e: {  	[smem:$0x3FC2] =	sst s2  }
0x8f: {  	_ = 	snop  }
0x90: {  	(tm) =	ssettm $0x1  }
0x91: {  	s17 =	sld [smem:$0x3FFB];
	_ =	sdelay $0x3  }
0x92: {  	_ =	strace s17  }
0x93: {  	s2 =	sld [smem:$0x3FFC];
	_ =	sdelay $0x3  }
0x94: {  	_ =	strace s2  }
0x95: {  	s2 =	sld [smem:$0x3FFD];
	_ =	sdelay $0x3  }
0x96: {  	_ =	strace s2  }
0x97: {  	_ =	strace $0x8FFFFFFF  }
0x98: {  	s18 =	sld [smem:$0x3FDB];
	_ =	sdelay $0x1  }
0x99: {  	s19 =	simm.s32 $_scs_section_size  }
0x9a: {  	s4 =	simm.s32 $_size__tile_overlayer_lowered;
	s5 =	simm.s32 $_tile_overlayer_lowered  }
0x9b: {  	s22 =	simm.s32 $0x1BFF;
	s21 =	sshll.u32 s5, $0x1;
	s2 =	sadd.s32 s19, s18  }
0x9c: {  	s6 =	simm.s32 $0x0;
	s20 =	sshll.u32 s4, $0x1;
	s4 =	sadd.s32 s21, s2  }
0x9d: {  	[timem:s6], [sflag:s22] =	dma.local [hbm:s4], s20  }
0x9e: {  	_ =	swait.ge [sflag:s22], s20  }
0x9f: {  	s3 =	ssub.s32 $0x0, s20;
	[sflag:s22] =	ssyncset.done $0x0  }
0xa0: {  	[sflag:s22] =	ssyncadd.s32 s3;
	_ =	sdelay $0x1  }
0xa1: {  	s23 =	simm.s32 $0x1B8B  }
0xa2: {  	_ =	swait.ge [sflag:s23], $0x1  }
0xa3: {  	[sflag:s23] =	ssyncset.done $0x0  }
0xa4: {  	s25 =	simm.s32 $0x1B8E;
	s24 =	sld [smem:$0x3FFE];
	[sflag:s23] =	ssyncadd.s32 $0xFFFFFFFF  }
0xa5: {  	s26 =	simm.s32 $execute0_lowered;
	[smem:$0x3FD2] =	sst s25  }
0xa6: {  	s4 =	sshll.u32 s26, $0x1;
	_ =	strace $0x8000004C;
	[dreg:$0x1] =	wrdreg $0xFFFFFFFF  }
0xa7: {  	s28 =	simm.s32 $_size_execute0_lowered;
	s2 =	sadd.s32 s2, s4;
	[dreg:$0x0] =	wrdreg $0x0  }
0xa8: {  	s4 =	sshll.u32 s28, $0x1;
	[dreg:$0x2] =	wrdreg s2  }
0xa9: {  	[dreg:$0x3] =	wrdreg s4  }
0xaa: {  	[dreg:$0x4] =	wrdreg $0xC0  }
0xab: {  	_ =	task [dreg:s6], $0x5FFFF  }
0xac: {  	[dreg:$0x1] =	wrdreg $0xFFFFFFFF  }
0xad: {  	[dreg:$0x0] =	wrdreg $0x60  }
0xae: {  	[dreg:$0x2] =	wrdreg s24  }
0xaf: {  	[dreg:$0x3] =	wrdreg $0x88000  }
0xb0: {  	[dreg:$0x4] =	wrdreg $0x9  }
0xb1: {  	_ =	task.clear_ibuf [dreg:s6], $0x5FFFF;
	_ =	strace $0x9000004C  }
0xb2: {  	s29 =	simm.s32 $0x9;
	_ =	strace $0x8000004E  }
0xb3: {  	_ =	swait.ge [sflag:s29], $0x1  }
0xb4: {  	[sflag:s29] =	ssyncadd.s32 $0xFFFFFFFF  }
0xb5: {  	_ =	strace $0x9000004E  }
0xb6: {  	_ =	sfence  }
0xb7: {  	s30 =	sld [smem:$0x0];
	_ =	sdelay $0x2  }
0xb8: {  	s31 =	sshll.u32 s1, $0xD;
	s1 =	sshrl.u32 s1, $0x2  }
0xb9: {  	s3 =	sand.u32 $0x4000, s31;
	s1 =	sadd.s32 s1, s30  }
0xba: {  	s0 =	sor.u32 s3, s0;
	s1 =	sshll.u32 s1, $0x11  }
0xbb: {  	s0 =	sor.u32 s1, s0  }
0xbc: {  	s0 =	sadd.s32 $0x8F2B, s0  }
0xbd: {  	[sflag:s0] =	ssyncadd.remote.s32 $0x1  }
0xbe: {  	_ =	sfence.sel $0xFFFF  }
0xbf: {  	[dreg:$0x0] =	wrdreg $0xFFFFFFFF;
	(pc) =	sbr.abs _section_cstart, $3  }
0xc0: {  	[dreg:$0x1] =	wrdreg $0xFFFFFFFF  }
0xc1: {  	_ =	task.clear_ibuf [dreg:s6], $0x2FFFF;
	_ =	strace $0x9FFFFFFF  }
0xc2: {  	(tm) =	ssettm $0x7FFFFFFF  }
0xc3: {  	_ =	shalt  }
tec
execute0_lowered:
.L_overlay_start_1:
0x0: {  	(tag) =	ssettag $0x1  }
0x1: {  	s0 =	rddreg [dreg:$0x0]  }
0x2: {  	s1 =	rddreg [dreg:$0x1];
	s3 =	simm.s32 $0x0;
	s2 =	srdreg.scid  }
0x3: {  	s11 =	stileid.u32;
	s24 =	simm.s32 $0x180;
	s25 =	simm.s32 $0x280  }
0x4: {  	s26 =	simm.s32 $0x380;
	s28 =	simm.s32 $0x200;
	s29 =	simm.s32 $0x4400  }
0x5: {  	s30 =	simm.s32 $0x8;
	s31 =	simm.s32 $0x300;
	s12 =	simm.s32 $0x3  }
0x6: {  	[smem:$0x7FF] =	sst s3;
	s2 =	sand.u32 $0x1, s2;
	s7 =	smul.u32 $0x14000, s11  }
0x7: {  	s4 =	sadd.s32 $0x67A00, s0;
	s5 =	sadd.s32 $0x53A00, s0;
	s9 =	sshll.u32 s11, $0x7  }
0x8: {  	s6 =	smul.u32 $0x140000, s2;
	_ =	strace $0x8000004D;
	s8 =	sshll.u32 s2, $0x4  }
0x9: {  	s14 =	sadd.s32 s9, s0;
	s16 =	ssub.s32 $0x2, s2;
	[dreg:$0x3] =	wrdreg s24  }
0xa: {  	s2 =	smul.u32 $0x50000, s2;
	s24 =	simm.s32 $0x8580;
	[dreg:$0x4] =	wrdreg s25  }
0xb: {  	[dreg:$0x5] =	wrdreg s26;
	s25 =	simm.s32 $0x8600;
	s26 =	simm.s32 $0x100  }
0xc: {  	s9 =	simm.s32 $0x5;
	s13 =	sor.u32 s11, s8;
	s17 =	sshrl.u32 s16, $0x1  }
0xd: {  	s11 =	smul.u32 $0x5000, s11;
	s8 =	sadd.s32 $0x3200, s14;
	s6 =	sadd.s32 s6, s7  }
0xe: {  	s7 =	ssub.s32 s16, s17;
	[dreg:$0x6] =	wrdreg s8;
	s16 =	simm.s32 $0x8480  }
0xf: {  	s15 =	sshrl.u32 s6, $0x3;
	s6 =	smul.u32 $0x5000, s13;
	s2 =	sadd.s32 s11, s2  }
0x10: {  	s7 =	smax.u32 s7, $0x1;
	s11 =	simm.s32 $0x6;
	s0 =	sadd.s32 s15, s0  }
0x11: {  	s13 =	simm.s32 $0x0;
	[dreg:$0x9] =	wrdreg s7;
	s20 =	sadd.s32 $0x8FA00, s0  }
0x12: {  	s2 =	sor.u32 $0x300, s2;
	s21 =	sadd.s32 $0x90200, s0;
	[dreg:$0xa] =	wrdreg s20  }
0x13: {  	s7 =	simm.s32 $0x7;
	s22 =	sadd.s32 $0x90A00, s0;
	[dreg:$0xb] =	wrdreg s21  }
0x14: {  	s10 =	sshrl.u32 s6, $0x3;
	s23 =	sadd.s32 $0x91200, s0;
	[dreg:$0xc] =	wrdreg s22  }
0x15: {  	s2 =	sshrl.u32 s2, $0x3;
	s0 =	sadd.s32 $0x91A00, s0;
	[dreg:$0xd] =	wrdreg s23  }
0x16: {  	s8 =	sadd.s32 s5, s10;
	[dreg:$0xe] =	wrdreg s0;
	s17 =	sadd.s32 s2, s5  }
0x17: {  	s20 =	simm.s32 $0x80;
	s21 =	simm.s32 $0x400;
	s22 =	simm.s32 $0x8500  }
0x18: {  	s0 =	simm.s32 $0x4;
	s2 =	simm.s32 $0x1;
	s18 =	sadd.s32 $0x20, s8  }
0x19: {  	s10 =	simm.s32 $0x2;
	s19 =	sadd.s32 $0x40, s8;
	[dreg:$0x7] =	wrdreg s18  }
0x1a: {  	v0 =	vimm.f32 $0.0e+00;
	[dreg:$0x8] =	wrdreg s19;
	s18 =	simm.s32 $0x8400;
	s19 =	simm.s32 $0x9  }
.LBB2_1:
0x1b: {  	s14 =	rddreg [dreg:$0x6]  }
0x1c: {  	[tilespmem:s18], [sflag:$0x9] =	stream.linear.gather [hbm4b:s14+s3], $0x280, $0x38;
	[tilespmem:$0x1C800] =	vst v63  }
0x1d: {  	_ =	swait.ge [sflag:s19], $0x280  }
0x1e: {  	[sflag:s19] =	ssyncset.done $0x0  }
0x1f: {  	s15 =	simm.s32 $0x200;
	s14 =	simm.s32 $0x0;
	[sflag:s19] =	ssyncadd.s32 $0xFFFFFD80  }
.LBB2_2:
0x20: {  	p0 =	sne.s32 s15, $0xFE00;
	[tilespmem:s14+$0x4470] =	vst v0  }
0x21: {  	[tilespmem:s14+$0x400] =	vst v0  }
0x22: {  	[tilespmem:s14+$0x4400] =	vst v0  }
0x23: {  	[tilespmem:s14+$0x410] =	vst v0  }
0x24: {  	[tilespmem:s14+$0x4410] =	vst v0  }
0x25: {  	[tilespmem:s14+$0x420] =	vst v0  }
0x26: {  	[tilespmem:s14+$0x4420] =	vst v0  }
0x27: {  	[tilespmem:s14+$0x430] =	vst v0  }
0x28: {  	[tilespmem:s14+$0x4430] =	vst v0  }
0x29: {  	[tilespmem:s14+$0x440] =	vst v0  }
0x2a: {  	[tilespmem:s14+$0x4440] =	vst v0  }
.Ltmp0:
0x2b: {  	[tilespmem:s14+$0x450] =	vst v0;
	(pc) =	sbr.rel @p0 .LBB2_2-.Ltmp0, $4  }
0x2c: {  	[tilespmem:s14+$0x4450] =	vst v0  }
0x2d: {  	[tilespmem:s14+$0x460] =	vst v0  }
0x2e: {  	[tilespmem:s14+$0x4460] =	vst v0  }
0x2f: {  	[tilespmem:s14+$0x470] =	vst v0;
	s14 =	sshra.s32 s15, $0x2;
	s15 =	sadd.s32 $0x200, s15  }
0x30: {  	[tilespmem:s14+$0x4470] =	vst v0  }
0x31: {  	[tilespmem:s14+$0x400] =	vst v0  }
0x32: {  	[tilespmem:s14+$0x4400] =	vst v0  }
0x33: {  	[tilespmem:s14+$0x410] =	vst v0  }
0x34: {  	[tilespmem:s14+$0x4410] =	vst v0  }
0x35: {  	[tilespmem:s14+$0x420] =	vst v0  }
0x36: {  	[tilespmem:s14+$0x4420] =	vst v0  }
0x37: {  	[tilespmem:s14+$0x430] =	vst v0  }
0x38: {  	[tilespmem:s14+$0x4430] =	vst v0  }
0x39: {  	[tilespmem:s14+$0x440] =	vst v0  }
0x3a: {  	[tilespmem:s14+$0x4440] =	vst v0  }
0x3b: {  	[tilespmem:s14+$0x450] =	vst v0  }
0x3c: {  	[tilespmem:s14+$0x4450] =	vst v0  }
0x3d: {  	[tilespmem:s14+$0x460] =	vst v0  }
0x3e: {  	[tilespmem:s14+$0x4460] =	vst v0  }
0x3f: {  	[tilespmem:s14+$0x470] =	vst v0  }
0x40: {  	[spmem:s1] =	stream.indirect.scatter [tilespmem:s21], [sflag:$0x9], $0x80, s18, s20, $0xb8;
	[tilespmem:$0x1C800] =	vst v63  }
0x41: {  	_ =	swait.ge [sflag:s19], $0x4000  }
0x42: {  	[sflag:s19] =	ssyncset.done $0x0  }
0x43: {  	[sflag:s19] =	ssyncadd.s32 $0xFFFFC000  }
0x44: {  	[spmem:s1] =	stream.indirect.scatter [tilespmem:s21], [sflag:$0x9], $0x80, s16, s20, $0xb8;
	[tilespmem:$0x1C800] =	vst v63  }
0x45: {  	_ =	swait.ge [sflag:s19], $0x4000  }
0x46: {  	[sflag:s19] =	ssyncset.done $0x0  }
0x47: {  	[sflag:s19] =	ssyncadd.s32 $0xFFFFC000  }
0x48: {  	[spmem:s1] =	stream.indirect.scatter [tilespmem:s21], [sflag:$0x9], $0x80, s22, s20, $0xb8;
	[tilespmem:$0x1C800] =	vst v63  }
0x49: {  	_ =	swait.ge [sflag:s19], $0x4000  }
0x4a: {  	[sflag:s19] =	ssyncset.done $0x0  }
0x4b: {  	[sflag:s19] =	ssyncadd.s32 $0xFFFFC000  }
0x4c: {  	[spmem:s1] =	stream.indirect.scatter [tilespmem:s21], [sflag:$0x9], $0x80, s24, s20, $0xb8;
	[tilespmem:$0x1C800] =	vst v63  }
0x4d: {  	_ =	swait.ge [sflag:s19], $0x4000  }
0x4e: {  	[sflag:s19] =	ssyncset.done $0x0  }
0x4f: {  	[sflag:s19] =	ssyncadd.s32 $0xFFFFC000  }
0x50: {  	[spmem:s1] =	stream.indirect.scatter [tilespmem:s21], [sflag:$0x9], $0x80, s25, s20, $0xb8;
	[tilespmem:$0x1C800] =	vst v63  }
0x51: {  	_ =	swait.ge [sflag:s19], $0x4000  }
0x52: {  	[sflag:s19] =	ssyncset.done $0x0  }
0x53: {  	[sflag:s19] =	ssyncadd.s32 $0xFFFFC000  }
0x54: {  	[bflag:$0x0] =	sbarrier.arrive $0xFFFF  }
0x55: {  	[tilespmem:s3], [sflag:$0x9] =	stream.linear.gather [hbm4b:s8+s3], $0x100, $0x38;
	[tilespmem:$0x1C800] =	vst v63  }
0x56: {  	_ =	swait.ge [sflag:s19], $0x100  }
0x57: {  	[sflag:s19] =	ssyncset.done $0x0  }
0x58: {  	s16 =	rddreg [dreg:$0x7];
	[sflag:s19] =	ssyncadd.s32 $0xFFFFFF00  }
0x59: {  	[tilespmem:s26], [sflag:$0x4] =	stream.linear.gather [hbm4b:s16+s3], $0x100, $0x38;
	[tilespmem:$0x1C800] =	vst v63  }
0x5a: {  	s22 =	rddreg [dreg:$0x8]  }
0x5b: {  	[tilespmem:s28], [sflag:$0x5] =	stream.linear.gather [hbm4b:s22+s3], $0x100, $0x38;
	[tilespmem:$0x1C800] =	vst v63  }
0x5c: {  	_ = 	snop  }
0x5d: {  	[tilespmem:s21], [sflag:$0x1] =	stream.indirect.gather [hbm4b:s4+s20], $0x80, s3, s20, $0xb8;
	[tilespmem:$0x1C800] =	vst v63  }
0x5e: {  	_ = 	snop  }
0x5f: {  	[spmem:s1] =	stream.indirect.scatter.add.f32 [tilespmem:s29], [sflag:$0x8], $0x80, s18, s20, $0xb8;
	[tilespmem:$0x1C800] =	vst v63  }
0x60: {  	_ =	swait.ge [sflag:s30], $0x4000  }
0x61: {  	[sflag:s30] =	ssyncset.done $0x0  }
0x62: {  	[sflag:s30] =	ssyncadd.s32 $0xFFFFC000  }
0x63: {  	[tilespmem:s31], [sflag:$0x6] =	stream.linear.gather [hbm4b:s17+s3], $0x100, $0x38;
	[tilespmem:$0x1C800] =	vst v63  }
0x64: {  	_ =	swait.ge [sflag:s0], $0x100  }
0x65: {  	[sflag:s0] =	ssyncset.done $0x0  }
0x66: {  	[sflag:s0] =	ssyncadd.s32 $0xFFFFFF00  }
0x67: {  	[tilespmem:s29], [sflag:$0x2] =	stream.indirect.gather [hbm4b:s4+s20], $0x80, s26, s20, $0xb8;
	[tilespmem:$0x1C800] =	vst v63  }
0x68: {  	_ =	swait.ge [sflag:s2], $0x4000  }
0x69: {  	p0 =	por $0x0, $0x0;
	s14 =	simm.s32 $0x400;
	[sflag:s2] =	ssyncset.done $0x0  }
0x6a: {  	s14 =	simm.s32 @p0 $0x0;
	[sflag:s2] =	ssyncadd.s32 $0xFFFFC000  }
0x6b: {  	[spmem:s1] =	stream.indirect.scatter.add.f32 [tilespmem:s21], [sflag:$0x7], $0x80, s20, s20, $0xb8;
	[tilespmem:$0x1C800] =	vst v63  }
0x6c: {  	s14 =	sadd.s32 s6, s14;
	_ =	swait.ge [sflag:s7], $0x4000  }
0x6d: {  	s14 =	sshrl.u32 s14, $0x3;
	[sflag:s7] =	ssyncset.done $0x0  }
0x6e: {  	s14 =	sadd.s32 s5, s14;
	[sflag:s7] =	ssyncadd.s32 $0xFFFFC000  }
0x6f: {  	[tilespmem:s3], [sflag:$0x3] =	stream.linear.gather [hbm4b:s14+s3], $0x100, $0x38;
	[tilespmem:$0x1C800] =	vst v63  }
0x70: {  	_ =	swait.ge [sflag:s9], $0x100  }
0x71: {  	[sflag:s9] =	ssyncset.done $0x0  }
0x72: {  	[sflag:s9] =	ssyncadd.s32 $0xFFFFFF00  }
0x73: {  	[tilespmem:s21], [sflag:$0x1] =	stream.indirect.gather [hbm4b:s4+s20], $0x80, s28, s20, $0xb8;
	[tilespmem:$0x1C800] =	vst v63  }
0x74: {  	_ =	swait.ge [sflag:s10], $0x4000  }
0x75: {  	s15 =	simm.s32 $0x500;
	[sflag:s10] =	ssyncset.done $0x0  }
0x76: {  	s15 =	simm.s32 @p0 $0x100;
	s23 =	rddreg [dreg:$0x3];
	[sflag:s10] =	ssyncadd.s32 $0xFFFFC000  }
0x77: {  	[spmem:s1] =	stream.indirect.scatter.add.f32 [tilespmem:s29], [sflag:$0x8], $0x80, s23, s20, $0xb8;
	[tilespmem:$0x1C800] =	vst v63  }
0x78: {  	s16 =	sadd.s32 s6, s15;
	_ =	swait.ge [sflag:s30], $0x4000  }
0x79: {  	s14 =	sshrl.u32 s16, $0x3;
	[sflag:s30] =	ssyncset.done $0x0  }
0x7a: {  	s14 =	sadd.s32 s5, s14;
	[sflag:s30] =	ssyncadd.s32 $0xFFFFC000  }
0x7b: {  	[tilespmem:s26], [sflag:$0x4] =	stream.linear.gather [hbm4b:s14+s3], $0x100, $0x38;
	[tilespmem:$0x1C800] =	vst v63  }
0x7c: {  	_ =	swait.ge [sflag:s11], $0x100  }
0x7d: {  	[sflag:s11] =	ssyncset.done $0x0  }
0x7e: {  	[sflag:s11] =	ssyncadd.s32 $0xFFFFFF00  }
0x7f: {  	[tilespmem:s29], [sflag:$0x2] =	stream.indirect.gather [hbm4b:s4+s20], $0x80, s31, s20, $0xb8;
	[tilespmem:$0x1C800] =	vst v63  }
0x80: {  	_ =	swait.ge [sflag:s2], $0x4000  }
0x81: {  	s15 =	simm.s32 $0x600;
	[sflag:s2] =	ssyncset.done $0x0  }
0x82: {  	s15 =	simm.s32 @p0 $0x200;
	s22 =	rddreg [dreg:$0x4];
	[sflag:s2] =	ssyncadd.s32 $0xFFFFC000  }
0x83: {  	[spmem:s1] =	stream.indirect.scatter.add.f32 [tilespmem:s21], [sflag:$0x7], $0x80, s22, s20, $0xb8;
	[tilespmem:$0x1C800] =	vst v63  }
0x84: {  	s23 =	sadd.s32 s6, s15;
	_ =	swait.ge [sflag:s7], $0x4000  }
0x85: {  	s14 =	sshrl.u32 s23, $0x3;
	[sflag:s7] =	ssyncset.done $0x0  }
0x86: {  	s14 =	sadd.s32 s5, s14;
	[sflag:s7] =	ssyncadd.s32 $0xFFFFC000  }
0x87: {  	[tilespmem:s28], [sflag:$0x5] =	stream.linear.gather [hbm4b:s14+s3], $0x100, $0x38;
	[tilespmem:$0x1C800] =	vst v63  }
0x88: {  	_ =	swait.ge [sflag:s12], $0x100  }
0x89: {  	s15 =	sadd.s32 $0x80, s17;
	s14 =	simm.s32 $0xA00;
	[sflag:s12] =	ssyncset.done $0x0  }
.LBB2_4:
0x8a: {  	[sflag:s12] =	ssyncadd.s32 $0xFFFFFF00  }
0x8b: {  	[tilespmem:s21], [sflag:$0x1] =	stream.indirect.gather [hbm4b:s4+s20], $0x80, s3, s20, $0xb8;
	[tilespmem:$0x1C800] =	vst v63  }
0x8c: {  	_ =	swait.ge [sflag:s10], $0x4000  }
0x8d: {  	[sflag:s10] =	ssyncset.done $0x0  }
0x8e: {  	s16 =	rddreg [dreg:$0x5];
	[sflag:s10] =	ssyncadd.s32 $0xFFFFC000  }
0x8f: {  	[spmem:s1] =	stream.indirect.scatter.add.f32 [tilespmem:s29], [sflag:$0x8], $0x80, s16, s20, $0xb8;
	[tilespmem:$0x1C800] =	vst v63  }
0x90: {  	_ =	swait.ge [sflag:s30], $0x4000  }
0x91: {  	[sflag:s30] =	ssyncset.done $0x0  }
0x92: {  	[sflag:s30] =	ssyncadd.s32 $0xFFFFC000  }
0x93: {  	[tilespmem:s31], [sflag:$0x6] =	stream.linear.gather [hbm4b:s15+s3], $0x100, $0x38;
	[tilespmem:$0x1C800] =	vst v63  }
0x94: {  	_ =	swait.ge [sflag:s0], $0x100  }
0x95: {  	[sflag:s0] =	ssyncset.done $0x0  }
0x96: {  	[sflag:s0] =	ssyncadd.s32 $0xFFFFFF00  }
0x97: {  	[tilespmem:s29], [sflag:$0x2] =	stream.indirect.gather [hbm4b:s4+s20], $0x80, s26, s20, $0xb8;
	[tilespmem:$0x1C800] =	vst v63  }
0x98: {  	s22 =	smov.u32 s14;
	_ =	swait.ge [sflag:s2], $0x4000  }
0x99: {  	p1 =	seq.s32 s22, $0x5200;
	s23 =	sadd.s32 $0xFFFFFE00, s22;
	[sflag:s2] =	ssyncset.done $0x0  }
0x9a: {  	s23 =	simm.s32 @p1 $0x0;
	[sflag:s2] =	ssyncadd.s32 $0xFFFFC000  }
0x9b: {  	[spmem:s1] =	stream.indirect.scatter.add.f32 [tilespmem:s21], [sflag:$0x7], $0x80, s20, s20, $0xb8;
	[tilespmem:$0x1C800] =	vst v63  }
0x9c: {  	s23 =	sadd.s32 s6, s23;
	_ =	swait.ge [sflag:s7], $0x4000  }
0x9d: {  	s23 =	sshrl.u32 s23, $0x3;
	[sflag:s7] =	ssyncset.done $0x0  }
0x9e: {  	s23 =	sadd.s32 s5, s23;
	[sflag:s7] =	ssyncadd.s32 $0xFFFFC000  }
0x9f: {  	[tilespmem:s3], [sflag:$0x3] =	stream.linear.gather [hbm4b:s23+s3], $0x100, $0x38;
	[tilespmem:$0x1C800] =	vst v63  }
0xa0: {  	_ =	swait.ge [sflag:s9], $0x100  }
0xa1: {  	[sflag:s9] =	ssyncset.done $0x0  }
0xa2: {  	[sflag:s9] =	ssyncadd.s32 $0xFFFFFF00  }
0xa3: {  	[tilespmem:s21], [sflag:$0x1] =	stream.indirect.gather [hbm4b:s4+s20], $0x80, s28, s20, $0xb8;
	[tilespmem:$0x1C800] =	vst v63  }
0xa4: {  	_ =	swait.ge [sflag:s10], $0x4000  }
0xa5: {  	s16 =	sadd.s32 $0xFFFFFF00, s22;
	[sflag:s10] =	ssyncset.done $0x0  }
0xa6: {  	s16 =	simm.s32 @p1 $0x100;
	s23 =	rddreg [dreg:$0x3];
	[sflag:s10] =	ssyncadd.s32 $0xFFFFC000  }
0xa7: {  	[spmem:s1] =	stream.indirect.scatter.add.f32 [tilespmem:s29], [sflag:$0x8], $0x80, s23, s20, $0xb8;
	[tilespmem:$0x1C800] =	vst v63  }
0xa8: {  	s16 =	sadd.s32 s6, s16;
	_ =	swait.ge [sflag:s30], $0x4000  }
0xa9: {  	s16 =	sshrl.u32 s16, $0x3;
	[sflag:s30] =	ssyncset.done $0x0  }
0xaa: {  	s16 =	sadd.s32 s5, s16;
	[sflag:s30] =	ssyncadd.s32 $0xFFFFC000  }
0xab: {  	[tilespmem:s26], [sflag:$0x4] =	stream.linear.gather [hbm4b:s16+s3], $0x100, $0x38;
	[tilespmem:$0x1C800] =	vst v63  }
0xac: {  	_ =	swait.ge [sflag:s11], $0x100  }
0xad: {  	[sflag:s11] =	ssyncset.done $0x0  }
0xae: {  	[sflag:s11] =	ssyncadd.s32 $0xFFFFFF00  }
0xaf: {  	[tilespmem:s29], [sflag:$0x2] =	stream.indirect.gather [hbm4b:s4+s20], $0x80, s31, s20, $0xb8;
	[tilespmem:$0x1C800] =	vst v63  }
0xb0: {  	_ =	swait.ge [sflag:s2], $0x4000  }
0xb1: {  	[sflag:s2] =	ssyncset.done $0x0  }
0xb2: {  	s22 =	simm.s32 @p1 $0x200;
	s23 =	rddreg [dreg:$0x4];
	[sflag:s2] =	ssyncadd.s32 $0xFFFFC000  }
0xb3: {  	[spmem:s1] =	stream.indirect.scatter.add.f32 [tilespmem:s21], [sflag:$0x7], $0x80, s23, s20, $0xb8;
	[tilespmem:$0x1C800] =	vst v63  }
0xb4: {  	p0 =	sne.s32 s14, $0x5200;
	s22 =	sadd.s32 s6, s22;
	_ =	swait.ge [sflag:s7], $0x4000  }
.Ltmp1:
0xb5: {  	s22 =	sshrl.u32 s22, $0x3;
	[sflag:s7] =	ssyncset.done $0x0;
	(pc) =	sbr.rel @p0 .LBB2_4-.Ltmp1, $4  }
0xb6: {  	s23 =	sadd.s32 s5, s22;
	[sflag:s7] =	ssyncadd.s32 $0xFFFFC000  }
0xb7: {  	[tilespmem:s28], [sflag:$0x5] =	stream.linear.gather [hbm4b:s23+s3], $0x100, $0x38;
	[tilespmem:$0x1C800] =	vst v63  }
0xb8: {  	_ =	swait.ge [sflag:s12], $0x100  }
0xb9: {  	s14 =	sadd.s32 $0x400, s14;
	s15 =	sadd.s32 $0x80, s15;
	[sflag:s12] =	ssyncset.done $0x0  }
0xba: {  	[sflag:s12] =	ssyncadd.s32 $0xFFFFFF00  }
0xbb: {  	[tilespmem:s21], [sflag:$0x1] =	stream.indirect.gather [hbm4b:s4+s20], $0x80, s3, s20, $0xb8;
	[tilespmem:$0x1C800] =	vst v63  }
0xbc: {  	_ =	swait.ge [sflag:s10], $0x4000  }
0xbd: {  	[sflag:s10] =	ssyncset.done $0x0  }
0xbe: {  	s14 =	rddreg [dreg:$0x5];
	[sflag:s10] =	ssyncadd.s32 $0xFFFFC000  }
0xbf: {  	[spmem:s1] =	stream.indirect.scatter.add.f32 [tilespmem:s29], [sflag:$0x8], $0x80, s14, s20, $0xb8;
	[tilespmem:$0x1C800] =	vst v63  }
0xc0: {  	_ =	swait.ge [sflag:s0], $0x100  }
0xc1: {  	[sflag:s0] =	ssyncset.done $0x0  }
0xc2: {  	[sflag:s0] =	ssyncadd.s32 $0xFFFFFF00  }
0xc3: {  	_ =	swait.ge [sflag:s9], $0x100  }
0xc4: {  	[sflag:s9] =	ssyncset.done $0x0  }
0xc5: {  	[sflag:s9] =	ssyncadd.s32 $0xFFFFFF00  }
0xc6: {  	_ =	swait.ge [sflag:s2], $0x4000  }
0xc7: {  	[sflag:s2] =	ssyncset.done $0x0  }
0xc8: {  	[sflag:s2] =	ssyncadd.s32 $0xFFFFC000  }
0xc9: {  	_ =	swait.ge [sflag:s30], $0x4000  }
0xca: {  	[sflag:s30] =	ssyncset.done $0x0  }
0xcb: {  	[sflag:s30] =	ssyncadd.s32 $0xFFFFC000  }
0xcc: {  	[bflag:$0x0] =	sbarrier.arrive $0xFFFF  }
0xcd: {  	[tilespmem:s21], [sflag:$0x9] =	stream.indirect.gather [spmem:s1], $0x80, s18, s20, $0xb8;
	[tilespmem:$0x1C800] =	vst v63  }
0xce: {  	_ =	swait.ge [sflag:s19], $0x4000  }
0xcf: {  	[sflag:s19] =	ssyncset.done $0x0  }
0xd0: {  	s22 =	rddreg [dreg:$0xa];
	[sflag:s19] =	ssyncadd.s32 $0xFFFFC000  }
0xd1: {  	[hbm4b:s22+s3] =	stream.linear.scatter [tilespmem:s21], [sflag:$0x9], $0x4000, $0x38;
	[tilespmem:$0x1C800] =	vst v63  }
0xd2: {  	_ =	swait.ge [sflag:s19], $0x4000  }
0xd3: {  	[sflag:s19] =	ssyncset.done $0x0  }
0xd4: {  	s16 =	simm.s32 $0x8480;
	[sflag:s19] =	ssyncadd.s32 $0xFFFFC000  }
0xd5: {  	[tilespmem:s21], [sflag:$0x9] =	stream.indirect.gather [spmem:s1], $0x80, s16, s20, $0xb8;
	[tilespmem:$0x1C800] =	vst v63  }
0xd6: {  	_ =	swait.ge [sflag:s19], $0x4000  }
0xd7: {  	[sflag:s19] =	ssyncset.done $0x0  }
0xd8: {  	s23 =	rddreg [dreg:$0xb];
	[sflag:s19] =	ssyncadd.s32 $0xFFFFC000  }
0xd9: {  	[hbm4b:s23+s3] =	stream.linear.scatter [tilespmem:s21], [sflag:$0x9], $0x4000, $0x38;
	[tilespmem:$0x1C800] =	vst v63  }
0xda: {  	_ =	swait.ge [sflag:s19], $0x4000  }
0xdb: {  	[sflag:s19] =	ssyncset.done $0x0  }
0xdc: {  	s22 =	simm.s32 $0x8500;
	[sflag:s19] =	ssyncadd.s32 $0xFFFFC000  }
0xdd: {  	[tilespmem:s21], [sflag:$0x9] =	stream.indirect.gather [spmem:s1], $0x80, s22, s20, $0xb8;
	[tilespmem:$0x1C800] =	vst v63  }
0xde: {  	_ =	swait.ge [sflag:s19], $0x4000  }
0xdf: {  	[sflag:s19] =	ssyncset.done $0x0  }
0xe0: {  	s15 =	rddreg [dreg:$0xc];
	[sflag:s19] =	ssyncadd.s32 $0xFFFFC000  }
0xe1: {  	[hbm4b:s15+s3] =	stream.linear.scatter [tilespmem:s21], [sflag:$0x9], $0x4000, $0x38;
	[tilespmem:$0x1C800] =	vst v63  }
0xe2: {  	_ =	swait.ge [sflag:s19], $0x4000  }
0xe3: {  	[sflag:s19] =	ssyncset.done $0x0  }
0xe4: {  	[sflag:s19] =	ssyncadd.s32 $0xFFFFC000  }
0xe5: {  	[tilespmem:s21], [sflag:$0x9] =	stream.indirect.gather [spmem:s1], $0x80, s24, s20, $0xb8;
	[tilespmem:$0x1C800] =	vst v63  }
0xe6: {  	_ =	swait.ge [sflag:s19], $0x4000  }
0xe7: {  	[sflag:s19] =	ssyncset.done $0x0  }
0xe8: {  	s23 =	rddreg [dreg:$0xd];
	[sflag:s19] =	ssyncadd.s32 $0xFFFFC000  }
0xe9: {  	[hbm4b:s23+s3] =	stream.linear.scatter [tilespmem:s21], [sflag:$0x9], $0x4000, $0x38;
	[tilespmem:$0x1C800] =	vst v63  }
0xea: {  	_ =	swait.ge [sflag:s19], $0x4000  }
0xeb: {  	[sflag:s19] =	ssyncset.done $0x0  }
0xec: {  	[sflag:s19] =	ssyncadd.s32 $0xFFFFC000  }
0xed: {  	[tilespmem:s21], [sflag:$0x9] =	stream.indirect.gather [spmem:s1], $0x80, s25, s20, $0xb8;
	[tilespmem:$0x1C800] =	vst v63  }
0xee: {  	_ =	swait.ge [sflag:s19], $0x4000  }
0xef: {  	[sflag:s19] =	ssyncset.done $0x0  }
0xf0: {  	s15 =	rddreg [dreg:$0xe];
	[sflag:s19] =	ssyncadd.s32 $0xFFFFC000  }
0xf1: {  	[hbm4b:s15+s3] =	stream.linear.scatter [tilespmem:s21], [sflag:$0x9], $0x4000, $0x38;
	[tilespmem:$0x1C800] =	vst v63  }
0xf2: {  	_ =	swait.ge [sflag:s19], $0x4000  }
0xf3: {  	s13 =	sadd.s32 $0x1, s13;
	s23 =	rddreg [dreg:$0x9]  }
0xf4: {  	p0 =	sne.s32 s13, s23  }
.Ltmp2:
0xf5: {  	_ = 	snop;
	(pc) =	sbr.rel @p0 .LBB2_1-.Ltmp2, $3  }
0xf6: {  	_ =	sdelay $0x1  }
0xf7: {  	[sflag:s19] =	ssyncset.done $0x0  }
0xf8: {  	[sflag:s19] =	ssyncadd.s32 $0xFFFFC000  }
0xf9: {  	_ =	sfence.sel $0x180000  }
0xfa: {  	[bflag:$0x0] =	sbarrier.arrive $0xFFFF  }
0xfb: {  	_ =	strace $0x9000004D  }
0xfc: {  	s0 =	stileid.u32;
	[bflag:$0x2] =	sbarrier.arrive $0xFFFF  }
0xfd: {  	p0 =	sne.s32 s0, $0x0;
	s0 =	rddreg [dreg:$0x2]  }
0xfe: {  	s0 =	sadd.s32 @!p0 $0x100000, s0  }
0xff: {  	[sflag:s0] =	ssyncadd.tile.s32 @!p0 $0x1;
	_ =	shalt  }
.Lfunc_end2:
_tile_overlayer_lowered:
.L_overlay_start_2:
0x100: {  	(tag) =	ssettag $0x2  }
0x101: {  	s0 =	rddreg [dreg:$0x0];
	s2 =	stileid.u32  }
0x102: {  	s1 =	rddreg [dreg:$0x1];
	p0 =	sne.s32 s2, $0x0  }
0x103: {  	s3 =	rddreg [dreg:$0x2];
	[bflag:$0x3] =	sbarrier.arrive $0xFFFF;
	s2 =	simm.s32 @!p0 $0x1C09  }
0x104: {  	[timem:s3], [sflag:s2] =	dma.local @!p0 [hbm:s0], s1  }
0x105: {  	s0 =	simm.s32 @!p0 $0x9  }
0x106: {  	_ =	swait.ge @!p0 [sflag:s0], s1  }
0x107: {  	s1 =	ssub.s32 @!p0 $0x0, s1;
	[sflag:s0] =	ssyncset.done @!p0 $0x0  }
0x108: {  	[sflag:s0] =	ssyncadd.s32 @!p0 s1  }
0x109: {  	[bflag:$0x3] =	sbarrier.arrive $0xFFFF  }
0x10a: {  	_ =	shalt  }

</sc_bundles>
